<compile_context>
chip_gen: v7x
topology: tpu7x:2x2x1
jax: 0.10.2.dev20260603
libtpu: 0.0.44.dev20260713+nightly
codegen_flags: <defaults>
</compile_context>

<pallas_src>
import functools

import jax
import jax.numpy as jnp
from jax import lax
from jax.experimental import pallas as pl
from jax.experimental.pallas import tpu as pltpu
from jax.experimental.pallas import tpu_sc as plsc

N_EMB = 131072
C = 1024
D_UP = 2048
K_MAX = 4
EPS = 1.1920928955078125e-07

TOKENS = 4096
NC, NS = 2, 16
NW = NC * NS
TPW = TOKENS // NW
CHUNK = 32
NBUF = 3
NCH = (TPW * K_MAX) // CHUNK
LOOKAHEAD = 2
BOUNDS_PAD = 50016

_sc_mesh = plsc.VectorSubcoreMesh(core_axis_name="c", subcore_axis_name="s")


@functools.partial(
    pl.kernel,
    mesh=_sc_mesh,
    out_type=(
        jax.ShapeDtypeStruct((K_MAX, TOKENS, C), jnp.float32),
        jax.ShapeDtypeStruct((TOKENS,), jnp.int32),
    ),
    scratch_types=[
        pltpu.VMEM((TPW,), jnp.int32),
        pltpu.VMEM((TPW,), jnp.int32),
        pltpu.VMEM((TPW,), jnp.int32),
        pltpu.VMEM((TPW,), jnp.int32),
        pltpu.VMEM((K_MAX, TPW), jnp.int32),
        pltpu.VMEM((TPW,), jnp.int32),
        pltpu.VMEM((NBUF, CHUNK, C), jnp.float32),
        pltpu.SemaphoreType.DMA,
        pltpu.SemaphoreType.DMA,
        pltpu.SemaphoreType.DMA,
        pltpu.SemaphoreType.DMA,
        pltpu.SemaphoreType.DMA,
        pltpu.SemaphoreType.DMA,
        pltpu.SemaphoreType.DMA,
        pltpu.SemaphoreType.DMA,
        pltpu.SemaphoreType.DMA,
    ],
)
def _sc_gather(ids_hbm, bounds_hbm, kv_hbm, kv_out, len_out,
               ids_v, ids1_v, starts_v, ends_v, idx_v, len_v, rows_v,
               sem, g0, g1, g2, g3, w0, w1, w2, w3):
    wid = lax.axis_index("s") * NC + lax.axis_index("c")
    base = wid * TPW
    gsem = (g0, g1, g2, g3)
    wsem = (w0, w1, w2, w3)
    pltpu.sync_copy(ids_hbm.at[pl.ds(base, TPW)], ids_v)
    for j in range(TPW // 16):
        ids1_v[pl.ds(j * 16, 16)] = ids_v[pl.ds(j * 16, 16)] + 1
    cs = pltpu.async_copy(bounds_hbm.at[ids_v], starts_v, sem)
    ce = pltpu.async_copy(bounds_hbm.at[ids1_v], ends_v, sem)
    cs.wait()
    ce.wait()
    for j in range(TPW // 16):
        s16 = starts_v[pl.ds(j * 16, 16)]
        e16 = ends_v[pl.ds(j * 16, 16)]
        len_v[pl.ds(j * 16, 16)] = e16 - s16
        for k in range(K_MAX):
            idx_v[k, pl.ds(j * 16, 16)] = jnp.minimum(s16 + k, N_EMB - 1)
    len_copy = pltpu.async_copy(len_v, len_out.at[pl.ds(base, TPW)], sem)

    hpk = TPW // CHUNK

    def issue_gather(c):
        b = c % NBUF
        k, h = c // hpk, c % hpk
        return pltpu.async_copy(
            kv_hbm.at[idx_v.at[k, pl.ds(h * CHUNK, CHUNK)]], rows_v.at[b], gsem[b])

    def issue_write(c):
        b = c % NBUF
        k, h = c // hpk, c % hpk
        return pltpu.async_copy(
            rows_v.at[b], kv_out.at[k, pl.ds(base + h * CHUNK, CHUNK)], wsem[b])

    gh = [None] * NCH
    wh = [None] * NCH
    for c in range(NCH + LOOKAHEAD):
        if c < NCH:
            if c >= NBUF:
                wh[c - NBUF].wait()
            gh[c] = issue_gather(c)
        d = c - LOOKAHEAD
        if 0 <= d < NCH:
            gh[d].wait()
            wh[d] = issue_write(d)
    for d in range(NCH - NBUF, NCH):
        wh[d].wait()
    len_copy.wait()


def _dot_t(a, w):
    return lax.dot_general(a, w, (((1,), (1,)), ((), ())),
                           preferred_element_type=jnp.float32)


def _tc_body(x_ref, kv_ref, len_ref, wup_ref, wmix_ref, out_ref):
    xb = x_ref[...]
    xn = xb * lax.rsqrt(jnp.mean(xb * xb, axis=1, keepdims=True) + EPS)
    lens = len_ref[...]
    kv0, kv1, kv2, kv3 = kv_ref[0], kv_ref[1], kv_ref[2], kv_ref[3]
    s0 = jnp.sum(kv0 * xn, axis=1, keepdims=True)
    s1 = jnp.sum(kv1 * xn, axis=1, keepdims=True)
    s2 = jnp.sum(kv2 * xn, axis=1, keepdims=True)
    s3 = jnp.sum(kv3 * xn, axis=1, keepdims=True)
    m = s0
    m = jnp.where(lens > 1, jnp.maximum(m, s1), m)
    m = jnp.where(lens > 2, jnp.maximum(m, s2), m)
    m = jnp.where(lens > 3, jnp.maximum(m, s3), m)
    e0 = jnp.exp(s0 - m)
    e1 = jnp.where(lens > 1, jnp.exp(s1 - m), 0.0)
    e2 = jnp.where(lens > 2, jnp.exp(s2 - m), 0.0)
    e3 = jnp.where(lens > 3, jnp.exp(s3 - m), 0.0)
    inv = 1.0 / (e0 + e1 + e2 + e3)
    agg = (e0 * inv) * kv0 + (e1 * inv) * kv1 + (e2 * inv) * kv2 + (e3 * inv) * kv3
    up = _dot_t(agg.astype(jnp.bfloat16), wup_ref[...])
    upn = up * lax.rsqrt(jnp.mean(up * up, axis=1, keepdims=True) + EPS)
    out_ref[...] = (_dot_t(upn.astype(jnp.bfloat16), wmix_ref[:, :D_UP])
                    + _dot_t(xb.astype(jnp.bfloat16), wmix_ref[:, D_UP:]))


BT = 512


def _tc_call(x2, kv_g, lens2, wup, wmix):
    grid = (TOKENS // BT,)
    return pl.pallas_call(
        _tc_body,
        grid=grid,
        in_specs=[
            pl.BlockSpec((BT, C), lambda i: (i, 0)),
            pl.BlockSpec((K_MAX, BT, C), lambda i: (0, i, 0)),
            pl.BlockSpec((BT, 1), lambda i: (i, 0)),
            pl.BlockSpec((D_UP, C), lambda i: (0, 0)),
            pl.BlockSpec((C, D_UP + C), lambda i: (0, 0)),
        ],
        out_specs=pl.BlockSpec((BT, C), lambda i: (i, 0)),
        out_shape=jax.ShapeDtypeStruct((TOKENS, C), jnp.float32),
    )(x2, kv_g, lens2, wup, wmix)


def kernel(x, token_ids, bounds, kv_weight, w_up, w_mix):
    B, T, _ = x.shape
    flat_ids = token_ids.reshape(B * T).astype(jnp.int32)
    bounds_pad = jnp.pad(bounds.astype(jnp.int32),
                         (0, BOUNDS_PAD - bounds.shape[0]))
    kv_g, lens = _sc_gather(flat_ids, bounds_pad, kv_weight)
    delta = _tc_call(
        x.reshape(B * T, C),
        kv_g,
        lens.reshape(B * T, 1),
        w_up.astype(jnp.bfloat16),
        w_mix.astype(jnp.bfloat16),
    )
    return delta.reshape(B, T, C)

# --- scband reference (transcript-rebuilt; emitter-appended) ---
"""Pipeline reference for scband-l3-layer-13735305412631 (READ-ONLY COPY).

The authoritative reference and input builder live on the scoring server;
editing this copy changes nothing except your own understanding.
"""

import jax, jax.numpy as jnp
import numpy as np

N_EMB = 131072
VOCAB = 50000
EPS = 1.1920928955078125e-07  # torch F.rms_norm default eps = float32 machine eps


def _rms_norm(x):
    return x * jax.lax.rsqrt(jnp.mean(jnp.square(x), axis=-1, keepdims=True) + EPS)


def setup_inputs(seed: int = 0) -> dict:
    key = jax.random.key(seed)
    ks = jax.random.split(key, 6)
    x = jax.random.normal(ks[0], (2, 2048, 1024), dtype=jnp.float32)
    token_ids = jax.random.randint(ks[1], (2, 2048), 0, VOCAB)
    # bounds: monotonically nondecreasing, per-token bucket length in [1, 4]
    counts = jax.random.randint(ks[2], (VOCAB,), 1, 5)
    bounds = jnp.concatenate([jnp.zeros((1,), dtype=jnp.int32), jnp.cumsum(counts).astype(jnp.int32)])
    kv_weight = jax.random.normal(ks[3], (N_EMB, 1024), dtype=jnp.float32) * 0.02
    w_up = jax.random.normal(ks[4], (2048, 1024), dtype=jnp.float32) * 0.02   # nn.Linear(n_embd, d_up).weight
    w_mix = jax.random.normal(ks[5], (1024, 2048 + 1024), dtype=jnp.float32) * 0.02  # nn.Linear(d_up+n_embd, n_embd).weight
    return {"x": x, "token_ids": token_ids, "bounds": bounds,
            "kv_weight": kv_weight, "w_up": w_up, "w_mix": w_mix}


def reference(x, token_ids, bounds, kv_weight, w_up, w_mix):
    B, T, C = x.shape
    x_norm = _rms_norm(x)
    flat_ids = token_ids.reshape(-1)
    starts = bounds[flat_ids]
    ends = bounds[flat_ids + 1]
    lengths = ends - starts
    k_max = 4  # static bound: per-token bucket length is always in [1, 4]
    offsets = jnp.arange(k_max, dtype=starts.dtype)[None, :]
    indices = starts[:, None] + offsets
    mask = offsets < lengths[:, None]
    indices = jnp.clip(indices, 0, N_EMB - 1)
    kv = kv_weight[indices]                       # [B*T, k_max, C] gather
    x_flat = x_norm.reshape(B * T, C)
    scores = jnp.einsum('nkc,nc->nk', kv, x_flat)
    scores = jnp.where(mask, scores, -jnp.inf)
    weights = jax.nn.softmax(scores, axis=-1)
    weights = jnp.where(mask, weights, 0.0)
    agg = jnp.einsum('nk,nkc->nc', weights, kv)
    agg = agg.reshape(B, T, C)
    up = agg @ w_up.T
    up = _rms_norm(up)
    cat = jnp.concatenate([up, x], axis=-1)
    delta = cat @ w_mix.T
    return delta

if __name__ == "__main__":
    import jax
    _d = setup_inputs()
    print(jax.jit(kernel)(*tuple(_d.values())))

</pallas_src>

<mosaic_0001>
#map = affine_map<(d0, d1) -> (0)>
#map1 = affine_map<(d0, d1) -> (0, 0)>
#map2 = affine_map<(d0, d1) -> (0, 0, 0)>
module attributes {stable_mosaic.version = 14 : i64} {
  func.func @_sc_gather(%arg0: i32, %arg1: i32, %arg2: memref<4096xi32, #tpu.memory_space<hbm>>, %arg3: memref<50016xi32, #tpu.memory_space<hbm>>, %arg4: memref<131072x1024xf32, #tpu.memory_space<hbm>>, %arg5: memref<4x4096x1024xf32, #tpu.memory_space<hbm>>, %arg6: memref<4096xi32, #tpu.memory_space<hbm>>, %arg7: memref<128xi32, #tpu.memory_space<vmem>>, %arg8: memref<128xi32, #tpu.memory_space<vmem>>, %arg9: memref<128xi32, #tpu.memory_space<vmem>>, %arg10: memref<128xi32, #tpu.memory_space<vmem>>, %arg11: memref<4x128xi32, #tpu.memory_space<vmem>>, %arg12: memref<128xi32, #tpu.memory_space<vmem>>, %arg13: memref<3x32x1024xf32, #tpu.memory_space<vmem>>, %arg14: memref<!tpu.dma_semaphore, #tpu.memory_space<semaphore_mem>>, %arg15: memref<!tpu.dma_semaphore, #tpu.memory_space<semaphore_mem>>, %arg16: memref<!tpu.dma_semaphore, #tpu.memory_space<semaphore_mem>>, %arg17: memref<!tpu.dma_semaphore, #tpu.memory_space<semaphore_mem>>, %arg18: memref<!tpu.dma_semaphore, #tpu.memory_space<semaphore_mem>>, %arg19: memref<!tpu.dma_semaphore, #tpu.memory_space<semaphore_mem>>, %arg20: memref<!tpu.dma_semaphore, #tpu.memory_space<semaphore_mem>>, %arg21: memref<!tpu.dma_semaphore, #tpu.memory_space<semaphore_mem>>, %arg22: memref<!tpu.dma_semaphore, #tpu.memory_space<semaphore_mem>>) attributes {dimension_semantics = [#tpu.dimension_semantics<core_parallel>, #tpu.dimension_semantics<subcore_parallel>], iteration_bounds = array<i64: 2, 16>, scalar_prefetch = 0 : i64, scratch_operands = 16 : i64, tpu.core_type = #tpu.core_type<sc_vector_subcore>, window_params = [{transform_indices = #map}, {transform_indices = #map}, {transform_indices = #map1}, {transform_indices = #map2}, {transform_indices = #map}]} {
    %mul3A = arith.constant 2 : i32
    %mul3A_0 = arith.muli %arg1, %mul3A : i32
    %add3A = arith.addi %mul3A_0, %arg0 : i32
    %mul3A_1 = arith.constant 128 : i32
    %mul3A_2 = arith.muli %add3A, %mul3A_1 : i32
    "tpu.region"() ({
      %run_scoped3A = tpu.sem_alloc : memref<!tpu.dma_semaphore, #tpu.memory_space<semaphore_mem>>
      %dma_start3A_1489 = tpu.memref_slice %arg2[%mul3A_2] : memref<4096xi32, #tpu.memory_space<hbm>> -> memref<128xi32, #tpu.memory_space<hbm>>
      %dma_start3A_1490 = tpu.memref_slice %arg2[%mul3A_2] : memref<4096xi32, #tpu.memory_space<hbm>> -> memref<128xi32, #tpu.memory_space<hbm>>
      tpu.enqueue_dma source(%dma_start3A_1490 : memref<128xi32, #tpu.memory_space<hbm>>) target(%arg7 : memref<128xi32, #tpu.memory_space<vmem>>) target_semaphore(%run_scoped3A : memref<!tpu.dma_semaphore, #tpu.memory_space<semaphore_mem>>)
      %dma_wait3A_1491 = tpu.memref_slice %arg2[%mul3A_2] : memref<4096xi32, #tpu.memory_space<hbm>> -> memref<128xi32, #tpu.memory_space<hbm>>
      %dma_wait3A_1492 = tpu.memref_slice %arg2[%mul3A_2] : memref<4096xi32, #tpu.memory_space<hbm>> -> memref<128xi32, #tpu.memory_space<hbm>>
      tpu.wait_dma2 semaphore(%run_scoped3A : memref<!tpu.dma_semaphore, #tpu.memory_space<semaphore_mem>>) src(%dma_wait3A_1492 : memref<128xi32, #tpu.memory_space<hbm>>) dst(%arg7 : memref<128xi32, #tpu.memory_space<vmem>>)
      tpu.yield
    }) : () -> ()
    %get3A = arith.constant 0 : index
    %get3A_3 = tpu.vector_load %arg7[%get3A] {strides = array<i32>} : memref<128xi32, #tpu.memory_space<vmem>>, vector<16xi32>,
    %get3A_4 = vector.shape_cast %get3A_3 : vector<16xi32> to vector<16xi32>
    %add3A_5 = arith.constant 1 : i32
    %add3A_6 = vector.broadcast %add3A_5 : i32 to vector<16xi32>
    %add3A_7 = arith.addi %get3A_4, %add3A_6 : vector<16xi32>
    %swap3A = arith.constant 0 : index
    %swap3A_8 = tpu.vector_load %arg8[%swap3A] {strides = array<i32>} : memref<128xi32, #tpu.memory_space<vmem>>, vector<16xi32>,
    %swap3A_9 = vector.shape_cast %swap3A_8 : vector<16xi32> to vector<16xi32>
    %swap3A_10 = vector.shape_cast %add3A_7 : vector<16xi32> to vector<16xi32>
    tpu.vector_store %arg8[%swap3A], %swap3A_10 {strides = array<i32>} : memref<128xi32, #tpu.memory_space<vmem>>, vector<16xi32>,
    %get3A_11 = arith.constant 16 : index
    %get3A_12 = tpu.vector_load %arg7[%get3A_11] {strides = array<i32>} : memref<128xi32, #tpu.memory_space<vmem>>, vector<16xi32>,
    %get3A_13 = vector.shape_cast %get3A_12 : vector<16xi32> to vector<16xi32>
    %add3A_14 = arith.constant 1 : i32
    %add3A_15 = vector.broadcast %add3A_14 : i32 to vector<16xi32>
    %add3A_16 = arith.addi %get3A_13, %add3A_15 : vector<16xi32>
    %swap3A_17 = arith.constant 16 : index
    %swap3A_18 = tpu.vector_load %arg8[%swap3A_17] {strides = array<i32>} : memref<128xi32, #tpu.memory_space<vmem>>, vector<16xi32>,
    %swap3A_19 = vector.shape_cast %swap3A_18 : vector<16xi32> to vector<16xi32>
    %swap3A_20 = vector.shape_cast %add3A_16 : vector<16xi32> to vector<16xi32>
    tpu.vector_store %arg8[%swap3A_17], %swap3A_20 {strides = array<i32>} : memref<128xi32, #tpu.memory_space<vmem>>, vector<16xi32>,
    %get3A_21 = arith.constant 32 : index
    %get3A_22 = tpu.vector_load %arg7[%get3A_21] {strides = array<i32>} : memref<128xi32, #tpu.memory_space<vmem>>, vector<16xi32>,
    %get3A_23 = vector.shape_cast %get3A_22 : vector<16xi32> to vector<16xi32>
    %add3A_24 = arith.constant 1 : i32
    %add3A_25 = vector.broadcast %add3A_24 : i32 to vector<16xi32>
    %add3A_26 = arith.addi %get3A_23, %add3A_25 : vector<16xi32>
    %swap3A_27 = arith.constant 32 : index
    %swap3A_28 = tpu.vector_load %arg8[%swap3A_27] {strides = array<i32>} : memref<128xi32, #tpu.memory_space<vmem>>, vector<16xi32>,
    %swap3A_29 = vector.shape_cast %swap3A_28 : vector<16xi32> to vector<16xi32>
    %swap3A_30 = vector.shape_cast %add3A_26 : vector<16xi32> to vector<16xi32>
    tpu.vector_store %arg8[%swap3A_27], %swap3A_30 {strides = array<i32>} : memref<128xi32, #tpu.memory_space<vmem>>, vector<16xi32>,
    %get3A_31 = arith.constant 48 : index
    %get3A_32 = tpu.vector_load %arg7[%get3A_31] {strides = array<i32>} : memref<128xi32, #tpu.memory_space<vmem>>, vector<16xi32>,
    %get3A_33 = vector.shape_cast %get3A_32 : vector<16xi32> to vector<16xi32>
    %add3A_34 = arith.constant 1 : i32
    %add3A_35 = vector.broadcast %add3A_34 : i32 to vector<16xi32>
    %add3A_36 = arith.addi %get3A_33, %add3A_35 : vector<16xi32>
    %swap3A_37 = arith.constant 48 : index
    %swap3A_38 = tpu.vector_load %arg8[%swap3A_37] {strides = array<i32>} : memref<128xi32, #tpu.memory_space<vmem>>, vector<16xi32>,
    %swap3A_39 = vector.shape_cast %swap3A_38 : vector<16xi32> to vector<16xi32>
    %swap3A_40 = vector.shape_cast %add3A_36 : vector<16xi32> to vector<16xi32>
    tpu.vector_store %arg8[%swap3A_37], %swap3A_40 {strides = array<i32>} : memref<128xi32, #tpu.memory_space<vmem>>, vector<16xi32>,
    %get3A_41 = arith.constant 64 : index
    %get3A_42 = tpu.vector_load %arg7[%get3A_41] {strides = array<i32>} : memref<128xi32, #tpu.memory_space<vmem>>, vector<16xi32>,
    %get3A_43 = vector.shape_cast %get3A_42 : vector<16xi32> to vector<16xi32>
    %add3A_44 = arith.constant 1 : i32
    %add3A_45 = vector.broadcast %add3A_44 : i32 to vector<16xi32>
    %add3A_46 = arith.addi %get3A_43, %add3A_45 : vector<16xi32>
    %swap3A_47 = arith.constant 64 : index
    %swap3A_48 = tpu.vector_load %arg8[%swap3A_47] {strides = array<i32>} : memref<128xi32, #tpu.memory_space<vmem>>, vector<16xi32>,
    %swap3A_49 = vector.shape_cast %swap3A_48 : vector<16xi32> to vector<16xi32>
    %swap3A_50 = vector.shape_cast %add3A_46 : vector<16xi32> to vector<16xi32>
    tpu.vector_store %arg8[%swap3A_47], %swap3A_50 {strides = array<i32>} : memref<128xi32, #tpu.memory_space<vmem>>, vector<16xi32>,
    %get3A_51 = arith.constant 80 : index
    %get3A_52 = tpu.vector_load %arg7[%get3A_51] {strides = array<i32>} : memref<128xi32, #tpu.memory_space<vmem>>, vector<16xi32>,
    %get3A_53 = vector.shape_cast %get3A_52 : vector<16xi32> to vector<16xi32>
    %add3A_54 = arith.constant 1 : i32
    %add3A_55 = vector.broadcast %add3A_54 : i32 to vector<16xi32>
    %add3A_56 = arith.addi %get3A_53, %add3A_55 : vector<16xi32>
    %swap3A_57 = arith.constant 80 : index
    %swap3A_58 = tpu.vector_load %arg8[%swap3A_57] {strides = array<i32>} : memref<128xi32, #tpu.memory_space<vmem>>, vector<16xi32>,
    %swap3A_59 = vector.shape_cast %swap3A_58 : vector<16xi32> to vector<16xi32>
    %swap3A_60 = vector.shape_cast %add3A_56 : vector<16xi32> to vector<16xi32>
    tpu.vector_store %arg8[%swap3A_57], %swap3A_60 {strides = array<i32>} : memref<128xi32, #tpu.memory_space<vmem>>, vector<16xi32>,
    %get3A_61 = arith.constant 96 : index
    %get3A_62 = tpu.vector_load %arg7[%get3A_61] {strides = array<i32>} : memref<128xi32, #tpu.memory_space<vmem>>, vector<16xi32>,
    %get3A_63 = vector.shape_cast %get3A_62 : vector<16xi32> to vector<16xi32>
    %add3A_64 = arith.constant 1 : i32
    %add3A_65 = vector.broadcast %add3A_64 : i32 to vector<16xi32>
    %add3A_66 = arith.addi %get3A_63, %add3A_65 : vector<16xi32>
    %swap3A_67 = arith.constant 96 : index
    %swap3A_68 = tpu.vector_load %arg8[%swap3A_67] {strides = array<i32>} : memref<128xi32, #tpu.memory_space<vmem>>, vector<16xi32>,
    %swap3A_69 = vector.shape_cast %swap3A_68 : vector<16xi32> to vector<16xi32>
    %swap3A_70 = vector.shape_cast %add3A_66 : vector<16xi32> to vector<16xi32>
    tpu.vector_store %arg8[%swap3A_67], %swap3A_70 {strides = array<i32>} : memref<128xi32, #tpu.memory_space<vmem>>, vector<16xi32>,
    %get3A_71 = arith.constant 112 : index
    %get3A_72 = tpu.vector_load %arg7[%get3A_71] {strides = array<i32>} : memref<128xi32, #tpu.memory_space<vmem>>, vector<16xi32>,
    %get3A_73 = vector.shape_cast %get3A_72 : vector<16xi32> to vector<16xi32>
    %add3A_74 = arith.constant 1 : i32
    %add3A_75 = vector.broadcast %add3A_74 : i32 to vector<16xi32>
    %add3A_76 = arith.addi %get3A_73, %add3A_75 : vector<16xi32>
    %swap3A_77 = arith.constant 112 : index
    %swap3A_78 = tpu.vector_load %arg8[%swap3A_77] {strides = array<i32>} : memref<128xi32, #tpu.memory_space<vmem>>, vector<16xi32>,
    %swap3A_79 = vector.shape_cast %swap3A_78 : vector<16xi32> to vector<16xi32>
    %swap3A_80 = vector.shape_cast %add3A_76 : vector<16xi32> to vector<16xi32>
    tpu.vector_store %arg8[%swap3A_77], %swap3A_80 {strides = array<i32>} : memref<128xi32, #tpu.memory_space<vmem>>, vector<16xi32>,
    %dma_start3A = arith.constant 0 : i32
    %dma_start3A_81 = tpu.memref_slice %arg3[%dma_start3A] : memref<50016xi32, #tpu.memory_space<hbm>> -> memref<50016xi32, #tpu.memory_space<hbm>>
    tpu.enqueue_indirect_dma source(%dma_start3A_81 : memref<50016xi32, #tpu.memory_space<hbm>>) target(%arg9 : memref<128xi32, #tpu.memory_space<vmem>>) offsets(%arg7 : memref<128xi32, #tpu.memory_space<vmem>>) semaphore(%arg14 : memref<!tpu.dma_semaphore, #tpu.memory_space<semaphore_mem>>)
    %dma_start3A_82 = arith.constant 0 : i32
    %dma_start3A_83 = tpu.memref_slice %arg3[%dma_start3A_82] : memref<50016xi32, #tpu.memory_space<hbm>> -> memref<50016xi32, #tpu.memory_space<hbm>>
    tpu.enqueue_indirect_dma source(%dma_start3A_83 : memref<50016xi32, #tpu.memory_space<hbm>>) target(%arg10 : memref<128xi32, #tpu.memory_space<vmem>>) offsets(%arg8 : memref<128xi32, #tpu.memory_space<vmem>>) semaphore(%arg14 : memref<!tpu.dma_semaphore, #tpu.memory_space<semaphore_mem>>)
    %dma_wait3A = arith.constant 0 : i32
    %dma_wait3A_84 = tpu.memref_slice %arg3[%dma_wait3A] : memref<50016xi32, #tpu.memory_space<hbm>> -> memref<50016xi32, #tpu.memory_space<hbm>>
    tpu.wait_indirect_dma semaphore(%arg14 : memref<!tpu.dma_semaphore, #tpu.memory_space<semaphore_mem>>) src(%dma_wait3A_84 : memref<50016xi32, #tpu.memory_space<hbm>>) dst(%arg9 : memref<128xi32, #tpu.memory_space<vmem>>)
    %dma_wait3A_85 = arith.constant 0 : i32
    %dma_wait3A_86 = tpu.memref_slice %arg3[%dma_wait3A_85] : memref<50016xi32, #tpu.memory_space<hbm>> -> memref<50016xi32, #tpu.memory_space<hbm>>
    tpu.wait_indirect_dma semaphore(%arg14 : memref<!tpu.dma_semaphore, #tpu.memory_space<semaphore_mem>>) src(%dma_wait3A_86 : memref<50016xi32, #tpu.memory_space<hbm>>) dst(%arg10 : memref<128xi32, #tpu.memory_space<vmem>>)
    %get3A_87 = arith.constant 0 : index
    %get3A_88 = tpu.vector_load %arg9[%get3A_87] {strides = array<i32>} : memref<128xi32, #tpu.memory_space<vmem>>, vector<16xi32>,
    %get3A_89 = vector.shape_cast %get3A_88 : vector<16xi32> to vector<16xi32>
    %get3A_90 = arith.constant 0 : index
    %get3A_91 = tpu.vector_load %arg10[%get3A_90] {strides = array<i32>} : memref<128xi32, #tpu.memory_space<vmem>>, vector<16xi32>,
    %get3A_92 = vector.shape_cast %get3A_91 : vector<16xi32> to vector<16xi32>
    %sub3A = arith.subi %get3A_92, %get3A_89 : vector<16xi32>
    %swap3A_93 = arith.constant 0 : index
    %swap3A_94 = tpu.vector_load %arg12[%swap3A_93] {strides = array<i32>} : memref<128xi32, #tpu.memory_space<vmem>>, vector<16xi32>,
    %swap3A_95 = vector.shape_cast %swap3A_94 : vector<16xi32> to vector<16xi32>
    %swap3A_96 = vector.shape_cast %sub3A : vector<16xi32> to vector<16xi32>
    tpu.vector_store %arg12[%swap3A_93], %swap3A_96 {strides = array<i32>} : memref<128xi32, #tpu.memory_space<vmem>>, vector<16xi32>,
    %add3A_97 = arith.constant 0 : i32
    %add3A_98 = vector.broadcast %add3A_97 : i32 to vector<16xi32>
    %add3A_99 = arith.addi %get3A_89, %add3A_98 : vector<16xi32>
    %min3A = arith.constant 131071 : i32
    %min3A_100 = vector.broadcast %min3A : i32 to vector<16xi32>
    %min3A_101 = arith.minsi %add3A_99, %min3A_100 : vector<16xi32>
    %swap3A_102 = arith.constant 0 : i32
    %swap3A_103 = arith.index_cast %swap3A_102 : i32 to index
    %swap3A_104 = arith.constant 0 : index
    %swap3A_105 = tpu.vector_load %arg11[%swap3A_103, %swap3A_104] {strides = array<i32>} : memref<4x128xi32, #tpu.memory_space<vmem>>, vector<1x16xi32>,
    %swap3A_106 = vector.shape_cast %swap3A_105 : vector<1x16xi32> to vector<16xi32>
    %swap3A_107 = vector.shape_cast %min3A_101 : vector<16xi32> to vector<1x16xi32>
    tpu.vector_store %arg11[%swap3A_103, %swap3A_104], %swap3A_107 {strides = array<i32>} : memref<4x128xi32, #tpu.memory_space<vmem>>, vector<1x16xi32>,
    %add3A_108 = arith.constant 1 : i32
    %add3A_109 = vector.broadcast %add3A_108 : i32 to vector<16xi32>
    %add3A_110 = arith.addi %get3A_89, %add3A_109 : vector<16xi32>
    %min3A_111 = arith.constant 131071 : i32
    %min3A_112 = vector.broadcast %min3A_111 : i32 to vector<16xi32>
    %min3A_113 = arith.minsi %add3A_110, %min3A_112 : vector<16xi32>
    %swap3A_114 = arith.constant 1 : i32
    %swap3A_115 = arith.index_cast %swap3A_114 : i32 to index
    %swap3A_116 = arith.constant 0 : index
    %swap3A_117 = tpu.vector_load %arg11[%swap3A_115, %swap3A_116] {strides = array<i32>} : memref<4x128xi32, #tpu.memory_space<vmem>>, vector<1x16xi32>,
    %swap3A_118 = vector.shape_cast %swap3A_117 : vector<1x16xi32> to vector<16xi32>
    %swap3A_119 = vector.shape_cast %min3A_113 : vector<16xi32> to vector<1x16xi32>
    tpu.vector_store %arg11[%swap3A_115, %swap3A_116], %swap3A_119 {strides = array<i32>} : memref<4x128xi32, #tpu.memory_space<vmem>>, vector<1x16xi32>,
    %add3A_120 = arith.constant 2 : i32
    %add3A_121 = vector.broadcast %add3A_120 : i32 to vector<16xi32>
    %add3A_122 = arith.addi %get3A_89, %add3A_121 : vector<16xi32>
    %min3A_123 = arith.constant 131071 : i32
    %min3A_124 = vector.broadcast %min3A_123 : i32 to vector<16xi32>
    %min3A_125 = arith.minsi %add3A_122, %min3A_124 : vector<16xi32>
    %swap3A_126 = arith.constant 2 : i32
    %swap3A_127 = arith.index_cast %swap3A_126 : i32 to index
    %swap3A_128 = arith.constant 0 : index
    %swap3A_129 = tpu.vector_load %arg11[%swap3A_127, %swap3A_128] {strides = array<i32>} : memref<4x128xi32, #tpu.memory_space<vmem>>, vector<1x16xi32>,
    %swap3A_130 = vector.shape_cast %swap3A_129 : vector<1x16xi32> to vector<16xi32>
    %swap3A_131 = vector.shape_cast %min3A_125 : vector<16xi32> to vector<1x16xi32>
    tpu.vector_store %arg11[%swap3A_127, %swap3A_128], %swap3A_131 {strides = array<i32>} : memref<4x128xi32, #tpu.memory_space<vmem>>, vector<1x16xi32>,
    %add3A_132 = arith.constant 3 : i32
    %add3A_133 = vector.broadcast %add3A_132 : i32 to vector<16xi32>
    %add3A_134 = arith.addi %get3A_89, %add3A_133 : vector<16xi32>
    %min3A_135 = arith.constant 131071 : i32
    %min3A_136 = vector.broadcast %min3A_135 : i32 to vector<16xi32>
    %min3A_137 = arith.minsi %add3A_134, %min3A_136 : vector<16xi32>
    %swap3A_138 = arith.constant 3 : i32
    %swap3A_139 = arith.index_cast %swap3A_138 : i32 to index
    %swap3A_140 = arith.constant 0 : index
    %swap3A_141 = tpu.vector_load %arg11[%swap3A_139, %swap3A_140] {strides = array<i32>} : memref<4x128xi32, #tpu.memory_space<vmem>>, vector<1x16xi32>,
    %swap3A_142 = vector.shape_cast %swap3A_141 : vector<1x16xi32> to vector<16xi32>
    %swap3A_143 = vector.shape_cast %min3A_137 : vector<16xi32> to vector<1x16xi32>
    tpu.vector_store %arg11[%swap3A_139, %swap3A_140], %swap3A_143 {strides = array<i32>} : memref<4x128xi32, #tpu.memory_space<vmem>>, vector<1x16xi32>,
    %get3A_144 = arith.constant 16 : index
    %get3A_145 = tpu.vector_load %arg9[%get3A_144] {strides = array<i32>} : memref<128xi32, #tpu.memory_space<vmem>>, vector<16xi32>,
    %get3A_146 = vector.shape_cast %get3A_145 : vector<16xi32> to vector<16xi32>
    %get3A_147 = arith.constant 16 : index
    %get3A_148 = tpu.vector_load %arg10[%get3A_147] {strides = array<i32>} : memref<128xi32, #tpu.memory_space<vmem>>, vector<16xi32>,
    %get3A_149 = vector.shape_cast %get3A_148 : vector<16xi32> to vector<16xi32>
    %sub3A_150 = arith.subi %get3A_149, %get3A_146 : vector<16xi32>
    %swap3A_151 = arith.constant 16 : index
    %swap3A_152 = tpu.vector_load %arg12[%swap3A_151] {strides = array<i32>} : memref<128xi32, #tpu.memory_space<vmem>>, vector<16xi32>,
    %swap3A_153 = vector.shape_cast %swap3A_152 : vector<16xi32> to vector<16xi32>
    %swap3A_154 = vector.shape_cast %sub3A_150 : vector<16xi32> to vector<16xi32>
    tpu.vector_store %arg12[%swap3A_151], %swap3A_154 {strides = array<i32>} : memref<128xi32, #tpu.memory_space<vmem>>, vector<16xi32>,
    %add3A_155 = arith.constant 0 : i32
    %add3A_156 = vector.broadcast %add3A_155 : i32 to vector<16xi32>
    %add3A_157 = arith.addi %get3A_146, %add3A_156 : vector<16xi32>
    %min3A_158 = arith.constant 131071 : i32
    %min3A_159 = vector.broadcast %min3A_158 : i32 to vector<16xi32>
    %min3A_160 = arith.minsi %add3A_157, %min3A_159 : vector<16xi32>
    %swap3A_161 = arith.constant 0 : i32
    %swap3A_162 = arith.index_cast %swap3A_161 : i32 to index
    %swap3A_163 = arith.constant 16 : index
    %swap3A_164 = tpu.vector_load %arg11[%swap3A_162, %swap3A_163] {strides = array<i32>} : memref<4x128xi32, #tpu.memory_space<vmem>>, vector<1x16xi32>,
    %swap3A_165 = vector.shape_cast %swap3A_164 : vector<1x16xi32> to vector<16xi32>
    %swap3A_166 = vector.shape_cast %min3A_160 : vector<16xi32> to vector<1x16xi32>
    tpu.vector_store %arg11[%swap3A_162, %swap3A_163], %swap3A_166 {strides = array<i32>} : memref<4x128xi32, #tpu.memory_space<vmem>>, vector<1x16xi32>,
    %add3A_167 = arith.constant 1 : i32
    %add3A_168 = vector.broadcast %add3A_167 : i32 to vector<16xi32>
    %add3A_169 = arith.addi %get3A_146, %add3A_168 : vector<16xi32>
    %min3A_170 = arith.constant 131071 : i32
    %min3A_171 = vector.broadcast %min3A_170 : i32 to vector<16xi32>
    %min3A_172 = arith.minsi %add3A_169, %min3A_171 : vector<16xi32>
    %swap3A_173 = arith.constant 1 : i32
    %swap3A_174 = arith.index_cast %swap3A_173 : i32 to index
    %swap3A_175 = arith.constant 16 : index
    %swap3A_176 = tpu.vector_load %arg11[%swap3A_174, %swap3A_175] {strides = array<i32>} : memref<4x128xi32, #tpu.memory_space<vmem>>, vector<1x16xi32>,
    %swap3A_177 = vector.shape_cast %swap3A_176 : vector<1x16xi32> to vector<16xi32>
    %swap3A_178 = vector.shape_cast %min3A_172 : vector<16xi32> to vector<1x16xi32>
    tpu.vector_store %arg11[%swap3A_174, %swap3A_175], %swap3A_178 {strides = array<i32>} : memref<4x128xi32, #tpu.memory_space<vmem>>, vector<1x16xi32>,
    %add3A_179 = arith.constant 2 : i32
    %add3A_180 = vector.broadcast %add3A_179 : i32 to vector<16xi32>
    %add3A_181 = arith.addi %get3A_146, %add3A_180 : vector<16xi32>
    %min3A_182 = arith.constant 131071 : i32
    %min3A_183 = vector.broadcast %min3A_182 : i32 to vector<16xi32>
    %min3A_184 = arith.minsi %add3A_181, %min3A_183 : vector<16xi32>
    %swap3A_185 = arith.constant 2 : i32
    %swap3A_186 = arith.index_cast %swap3A_185 : i32 to index
    %swap3A_187 = arith.constant 16 : index
    %swap3A_188 = tpu.vector_load %arg11[%swap3A_186, %swap3A_187] {strides = array<i32>} : memref<4x128xi32, #tpu.memory_space<vmem>>, vector<1x16xi32>,
    %swap3A_189 = vector.shape_cast %swap3A_188 : vector<1x16xi32> to vector<16xi32>
    %swap3A_190 = vector.shape_cast %min3A_184 : vector<16xi32> to vector<1x16xi32>
    tpu.vector_store %arg11[%swap3A_186, %swap3A_187], %swap3A_190 {strides = array<i32>} : memref<4x128xi32, #tpu.memory_space<vmem>>, vector<1x16xi32>,
    %add3A_191 = arith.constant 3 : i32
    %add3A_192 = vector.broadcast %add3A_191 : i32 to vector<16xi32>
    %add3A_193 = arith.addi %get3A_146, %add3A_192 : vector<16xi32>
    %min3A_194 = arith.constant 131071 : i32
    %min3A_195 = vector.broadcast %min3A_194 : i32 to vector<16xi32>
    %min3A_196 = arith.minsi %add3A_193, %min3A_195 : vector<16xi32>
    %swap3A_197 = arith.constant 3 : i32
    %swap3A_198 = arith.index_cast %swap3A_197 : i32 to index
    %swap3A_199 = arith.constant 16 : index
    %swap3A_200 = tpu.vector_load %arg11[%swap3A_198, %swap3A_199] {strides = array<i32>} : memref<4x128xi32, #tpu.memory_space<vmem>>, vector<1x16xi32>,
    %swap3A_201 = vector.shape_cast %swap3A_200 : vector<1x16xi32> to vector<16xi32>
    %swap3A_202 = vector.shape_cast %min3A_196 : vector<16xi32> to vector<1x16xi32>
    tpu.vector_store %arg11[%swap3A_198, %swap3A_199], %swap3A_202 {strides = array<i32>} : memref<4x128xi32, #tpu.memory_space<vmem>>, vector<1x16xi32>,
    %get3A_203 = arith.constant 32 : index
    %get3A_204 = tpu.vector_load %arg9[%get3A_203] {strides = array<i32>} : memref<128xi32, #tpu.memory_space<vmem>>, vector<16xi32>,
    %get3A_205 = vector.shape_cast %get3A_204 : vector<16xi32> to vector<16xi32>
    %get3A_206 = arith.constant 32 : index
    %get3A_207 = tpu.vector_load %arg10[%get3A_206] {strides = array<i32>} : memref<128xi32, #tpu.memory_space<vmem>>, vector<16xi32>,
    %get3A_208 = vector.shape_cast %get3A_207 : vector<16xi32> to vector<16xi32>
    %sub3A_209 = arith.subi %get3A_208, %get3A_205 : vector<16xi32>
    %swap3A_210 = arith.constant 32 : index
    %swap3A_211 = tpu.vector_load %arg12[%swap3A_210] {strides = array<i32>} : memref<128xi32, #tpu.memory_space<vmem>>, vector<16xi32>,
    %swap3A_212 = vector.shape_cast %swap3A_211 : vector<16xi32> to vector<16xi32>
    %swap3A_213 = vector.shape_cast %sub3A_209 : vector<16xi32> to vector<16xi32>
    tpu.vector_store %arg12[%swap3A_210], %swap3A_213 {strides = array<i32>} : memref<128xi32, #tpu.memory_space<vmem>>, vector<16xi32>,
    %add3A_214 = arith.constant 0 : i32
    %add3A_215 = vector.broadcast %add3A_214 : i32 to vector<16xi32>
    %add3A_216 = arith.addi %get3A_205, %add3A_215 : vector<16xi32>
    %min3A_217 = arith.constant 131071 : i32
    %min3A_218 = vector.broadcast %min3A_217 : i32 to vector<16xi32>
    %min3A_219 = arith.minsi %add3A_216, %min3A_218 : vector<16xi32>
    %swap3A_220 = arith.constant 0 : i32
    %swap3A_221 = arith.index_cast %swap3A_220 : i32 to index
    %swap3A_222 = arith.constant 32 : index
    %swap3A_223 = tpu.vector_load %arg11[%swap3A_221, %swap3A_222] {strides = array<i32>} : memref<4x128xi32, #tpu.memory_space<vmem>>, vector<1x16xi32>,
    %swap3A_224 = vector.shape_cast %swap3A_223 : vector<1x16xi32> to vector<16xi32>
    %swap3A_225 = vector.shape_cast %min3A_219 : vector<16xi32> to vector<1x16xi32>
    tpu.vector_store %arg11[%swap3A_221, %swap3A_222], %swap3A_225 {strides = array<i32>} : memref<4x128xi32, #tpu.memory_space<vmem>>, vector<1x16xi32>,
    %add3A_226 = arith.constant 1 : i32
    %add3A_227 = vector.broadcast %add3A_226 : i32 to vector<16xi32>
    %add3A_228 = arith.addi %get3A_205, %add3A_227 : vector<16xi32>
    %min3A_229 = arith.constant 131071 : i32
    %min3A_230 = vector.broadcast %min3A_229 : i32 to vector<16xi32>
    %min3A_231 = arith.minsi %add3A_228, %min3A_230 : vector<16xi32>
    %swap3A_232 = arith.constant 1 : i32
    %swap3A_233 = arith.index_cast %swap3A_232 : i32 to index
    %swap3A_234 = arith.constant 32 : index
    %swap3A_235 = tpu.vector_load %arg11[%swap3A_233, %swap3A_234] {strides = array<i32>} : memref<4x128xi32, #tpu.memory_space<vmem>>, vector<1x16xi32>,
    %swap3A_236 = vector.shape_cast %swap3A_235 : vector<1x16xi32> to vector<16xi32>
    %swap3A_237 = vector.shape_cast %min3A_231 : vector<16xi32> to vector<1x16xi32>
    tpu.vector_store %arg11[%swap3A_233, %swap3A_234], %swap3A_237 {strides = array<i32>} : memref<4x128xi32, #tpu.memory_space<vmem>>, vector<1x16xi32>,
    %add3A_238 = arith.constant 2 : i32
    %add3A_239 = vector.broadcast %add3A_238 : i32 to vector<16xi32>
    %add3A_240 = arith.addi %get3A_205, %add3A_239 : vector<16xi32>
    %min3A_241 = arith.constant 131071 : i32
    %min3A_242 = vector.broadcast %min3A_241 : i32 to vector<16xi32>
    %min3A_243 = arith.minsi %add3A_240, %min3A_242 : vector<16xi32>
    %swap3A_244 = arith.constant 2 : i32
    %swap3A_245 = arith.index_cast %swap3A_244 : i32 to index
    %swap3A_246 = arith.constant 32 : index
    %swap3A_247 = tpu.vector_load %arg11[%swap3A_245, %swap3A_246] {strides = array<i32>} : memref<4x128xi32, #tpu.memory_space<vmem>>, vector<1x16xi32>,
    %swap3A_248 = vector.shape_cast %swap3A_247 : vector<1x16xi32> to vector<16xi32>
    %swap3A_249 = vector.shape_cast %min3A_243 : vector<16xi32> to vector<1x16xi32>
    tpu.vector_store %arg11[%swap3A_245, %swap3A_246], %swap3A_249 {strides = array<i32>} : memref<4x128xi32, #tpu.memory_space<vmem>>, vector<1x16xi32>,
    %add3A_250 = arith.constant 3 : i32
    %add3A_251 = vector.broadcast %add3A_250 : i32 to vector<16xi32>
    %add3A_252 = arith.addi %get3A_205, %add3A_251 : vector<16xi32>
    %min3A_253 = arith.constant 131071 : i32
    %min3A_254 = vector.broadcast %min3A_253 : i32 to vector<16xi32>
    %min3A_255 = arith.minsi %add3A_252, %min3A_254 : vector<16xi32>
    %swap3A_256 = arith.constant 3 : i32
    %swap3A_257 = arith.index_cast %swap3A_256 : i32 to index
    %swap3A_258 = arith.constant 32 : index
    %swap3A_259 = tpu.vector_load %arg11[%swap3A_257, %swap3A_258] {strides = array<i32>} : memref<4x128xi32, #tpu.memory_space<vmem>>, vector<1x16xi32>,
    %swap3A_260 = vector.shape_cast %swap3A_259 : vector<1x16xi32> to vector<16xi32>
    %swap3A_261 = vector.shape_cast %min3A_255 : vector<16xi32> to vector<1x16xi32>
    tpu.vector_store %arg11[%swap3A_257, %swap3A_258], %swap3A_261 {strides = array<i32>} : memref<4x128xi32, #tpu.memory_space<vmem>>, vector<1x16xi32>,
    %get3A_262 = arith.constant 48 : index
    %get3A_263 = tpu.vector_load %arg9[%get3A_262] {strides = array<i32>} : memref<128xi32, #tpu.memory_space<vmem>>, vector<16xi32>,
    %get3A_264 = vector.shape_cast %get3A_263 : vector<16xi32> to vector<16xi32>
    %get3A_265 = arith.constant 48 : index
    %get3A_266 = tpu.vector_load %arg10[%get3A_265] {strides = array<i32>} : memref<128xi32, #tpu.memory_space<vmem>>, vector<16xi32>,
    %get3A_267 = vector.shape_cast %get3A_266 : vector<16xi32> to vector<16xi32>
    %sub3A_268 = arith.subi %get3A_267, %get3A_264 : vector<16xi32>
    %swap3A_269 = arith.constant 48 : index
    %swap3A_270 = tpu.vector_load %arg12[%swap3A_269] {strides = array<i32>} : memref<128xi32, #tpu.memory_space<vmem>>, vector<16xi32>,
    %swap3A_271 = vector.shape_cast %swap3A_270 : vector<16xi32> to vector<16xi32>
    %swap3A_272 = vector.shape_cast %sub3A_268 : vector<16xi32> to vector<16xi32>
    tpu.vector_store %arg12[%swap3A_269], %swap3A_272 {strides = array<i32>} : memref<128xi32, #tpu.memory_space<vmem>>, vector<16xi32>,
    %add3A_273 = arith.constant 0 : i32
    %add3A_274 = vector.broadcast %add3A_273 : i32 to vector<16xi32>
    %add3A_275 = arith.addi %get3A_264, %add3A_274 : vector<16xi32>
    %min3A_276 = arith.constant 131071 : i32
    %min3A_277 = vector.broadcast %min3A_276 : i32 to vector<16xi32>
    %min3A_278 = arith.minsi %add3A_275, %min3A_277 : vector<16xi32>
    %swap3A_279 = arith.constant 0 : i32
    %swap3A_280 = arith.index_cast %swap3A_279 : i32 to index
    %swap3A_281 = arith.constant 48 : index
    %swap3A_282 = tpu.vector_load %arg11[%swap3A_280, %swap3A_281] {strides = array<i32>} : memref<4x128xi32, #tpu.memory_space<vmem>>, vector<1x16xi32>,
    %swap3A_283 = vector.shape_cast %swap3A_282 : vector<1x16xi32> to vector<16xi32>
    %swap3A_284 = vector.shape_cast %min3A_278 : vector<16xi32> to vector<1x16xi32>
    tpu.vector_store %arg11[%swap3A_280, %swap3A_281], %swap3A_284 {strides = array<i32>} : memref<4x128xi32, #tpu.memory_space<vmem>>, vector<1x16xi32>,
    %add3A_285 = arith.constant 1 : i32
    %add3A_286 = vector.broadcast %add3A_285 : i32 to vector<16xi32>
    %add3A_287 = arith.addi %get3A_264, %add3A_286 : vector<16xi32>
    %min3A_288 = arith.constant 131071 : i32
    %min3A_289 = vector.broadcast %min3A_288 : i32 to vector<16xi32>
    %min3A_290 = arith.minsi %add3A_287, %min3A_289 : vector<16xi32>
    %swap3A_291 = arith.constant 1 : i32
    %swap3A_292 = arith.index_cast %swap3A_291 : i32 to index
    %swap3A_293 = arith.constant 48 : index
    %swap3A_294 = tpu.vector_load %arg11[%swap3A_292, %swap3A_293] {strides = array<i32>} : memref<4x128xi32, #tpu.memory_space<vmem>>, vector<1x16xi32>,
    %swap3A_295 = vector.shape_cast %swap3A_294 : vector<1x16xi32> to vector<16xi32>
    %swap3A_296 = vector.shape_cast %min3A_290 : vector<16xi32> to vector<1x16xi32>
    tpu.vector_store %arg11[%swap3A_292, %swap3A_293], %swap3A_296 {strides = array<i32>} : memref<4x128xi32, #tpu.memory_space<vmem>>, vector<1x16xi32>,
    %add3A_297 = arith.constant 2 : i32
    %add3A_298 = vector.broadcast %add3A_297 : i32 to vector<16xi32>
    %add3A_299 = arith.addi %get3A_264, %add3A_298 : vector<16xi32>
    %min3A_300 = arith.constant 131071 : i32
    %min3A_301 = vector.broadcast %min3A_300 : i32 to vector<16xi32>
    %min3A_302 = arith.minsi %add3A_299, %min3A_301 : vector<16xi32>
    %swap3A_303 = arith.constant 2 : i32
    %swap3A_304 = arith.index_cast %swap3A_303 : i32 to index
    %swap3A_305 = arith.constant 48 : index
    %swap3A_306 = tpu.vector_load %arg11[%swap3A_304, %swap3A_305] {strides = array<i32>} : memref<4x128xi32, #tpu.memory_space<vmem>>, vector<1x16xi32>,
    %swap3A_307 = vector.shape_cast %swap3A_306 : vector<1x16xi32> to vector<16xi32>
    %swap3A_308 = vector.shape_cast %min3A_302 : vector<16xi32> to vector<1x16xi32>
    tpu.vector_store %arg11[%swap3A_304, %swap3A_305], %swap3A_308 {strides = array<i32>} : memref<4x128xi32, #tpu.memory_space<vmem>>, vector<1x16xi32>,
    %add3A_309 = arith.constant 3 : i32
    %add3A_310 = vector.broadcast %add3A_309 : i32 to vector<16xi32>
    %add3A_311 = arith.addi %get3A_264, %add3A_310 : vector<16xi32>
    %min3A_312 = arith.constant 131071 : i32
    %min3A_313 = vector.broadcast %min3A_312 : i32 to vector<16xi32>
    %min3A_314 = arith.minsi %add3A_311, %min3A_313 : vector<16xi32>
    %swap3A_315 = arith.constant 3 : i32
    %swap3A_316 = arith.index_cast %swap3A_315 : i32 to index
    %swap3A_317 = arith.constant 48 : index
    %swap3A_318 = tpu.vector_load %arg11[%swap3A_316, %swap3A_317] {strides = array<i32>} : memref<4x128xi32, #tpu.memory_space<vmem>>, vector<1x16xi32>,
    %swap3A_319 = vector.shape_cast %swap3A_318 : vector<1x16xi32> to vector<16xi32>
    %swap3A_320 = vector.shape_cast %min3A_314 : vector<16xi32> to vector<1x16xi32>
    tpu.vector_store %arg11[%swap3A_316, %swap3A_317], %swap3A_320 {strides = array<i32>} : memref<4x128xi32, #tpu.memory_space<vmem>>, vector<1x16xi32>,
    %get3A_321 = arith.constant 64 : index
    %get3A_322 = tpu.vector_load %arg9[%get3A_321] {strides = array<i32>} : memref<128xi32, #tpu.memory_space<vmem>>, vector<16xi32>,
    %get3A_323 = vector.shape_cast %get3A_322 : vector<16xi32> to vector<16xi32>
    %get3A_324 = arith.constant 64 : index
    %get3A_325 = tpu.vector_load %arg10[%get3A_324] {strides = array<i32>} : memref<128xi32, #tpu.memory_space<vmem>>, vector<16xi32>,
    %get3A_326 = vector.shape_cast %get3A_325 : vector<16xi32> to vector<16xi32>
    %sub3A_327 = arith.subi %get3A_326, %get3A_323 : vector<16xi32>
    %swap3A_328 = arith.constant 64 : index
    %swap3A_329 = tpu.vector_load %arg12[%swap3A_328] {strides = array<i32>} : memref<128xi32, #tpu.memory_space<vmem>>, vector<16xi32>,
    %swap3A_330 = vector.shape_cast %swap3A_329 : vector<16xi32> to vector<16xi32>
    %swap3A_331 = vector.shape_cast %sub3A_327 : vector<16xi32> to vector<16xi32>
    tpu.vector_store %arg12[%swap3A_328], %swap3A_331 {strides = array<i32>} : memref<128xi32, #tpu.memory_space<vmem>>, vector<16xi32>,
    %add3A_332 = arith.constant 0 : i32
    %add3A_333 = vector.broadcast %add3A_332 : i32 to vector<16xi32>
    %add3A_334 = arith.addi %get3A_323, %add3A_333 : vector<16xi32>
    %min3A_335 = arith.constant 131071 : i32
    %min3A_336 = vector.broadcast %min3A_335 : i32 to vector<16xi32>
    %min3A_337 = arith.minsi %add3A_334, %min3A_336 : vector<16xi32>
    %swap3A_338 = arith.constant 0 : i32
    %swap3A_339 = arith.index_cast %swap3A_338 : i32 to index
    %swap3A_340 = arith.constant 64 : index
    %swap3A_341 = tpu.vector_load %arg11[%swap3A_339, %swap3A_340] {strides = array<i32>} : memref<4x128xi32, #tpu.memory_space<vmem>>, vector<1x16xi32>,
    %swap3A_342 = vector.shape_cast %swap3A_341 : vector<1x16xi32> to vector<16xi32>
    %swap3A_343 = vector.shape_cast %min3A_337 : vector<16xi32> to vector<1x16xi32>
    tpu.vector_store %arg11[%swap3A_339, %swap3A_340], %swap3A_343 {strides = array<i32>} : memref<4x128xi32, #tpu.memory_space<vmem>>, vector<1x16xi32>,
    %add3A_344 = arith.constant 1 : i32
    %add3A_345 = vector.broadcast %add3A_344 : i32 to vector<16xi32>
    %add3A_346 = arith.addi %get3A_323, %add3A_345 : vector<16xi32>
    %min3A_347 = arith.constant 131071 : i32
    %min3A_348 = vector.broadcast %min3A_347 : i32 to vector<16xi32>
    %min3A_349 = arith.minsi %add3A_346, %min3A_348 : vector<16xi32>
    %swap3A_350 = arith.constant 1 : i32
    %swap3A_351 = arith.index_cast %swap3A_350 : i32 to index
    %swap3A_352 = arith.constant 64 : index
    %swap3A_353 = tpu.vector_load %arg11[%swap3A_351, %swap3A_352] {strides = array<i32>} : memref<4x128xi32, #tpu.memory_space<vmem>>, vector<1x16xi32>,
    %swap3A_354 = vector.shape_cast %swap3A_353 : vector<1x16xi32> to vector<16xi32>
    %swap3A_355 = vector.shape_cast %min3A_349 : vector<16xi32> to vector<1x16xi32>
    tpu.vector_store %arg11[%swap3A_351, %swap3A_352], %swap3A_355 {strides = array<i32>} : memref<4x128xi32, #tpu.memory_space<vmem>>, vector<1x16xi32>,
    %add3A_356 = arith.constant 2 : i32
    %add3A_357 = vector.broadcast %add3A_356 : i32 to vector<16xi32>
    %add3A_358 = arith.addi %get3A_323, %add3A_357 : vector<16xi32>
    %min3A_359 = arith.constant 131071 : i32
    %min3A_360 = vector.broadcast %min3A_359 : i32 to vector<16xi32>
    %min3A_361 = arith.minsi %add3A_358, %min3A_360 : vector<16xi32>
    %swap3A_362 = arith.constant 2 : i32
    %swap3A_363 = arith.index_cast %swap3A_362 : i32 to index
    %swap3A_364 = arith.constant 64 : index
    %swap3A_365 = tpu.vector_load %arg11[%swap3A_363, %swap3A_364] {strides = array<i32>} : memref<4x128xi32, #tpu.memory_space<vmem>>, vector<1x16xi32>,
    %swap3A_366 = vector.shape_cast %swap3A_365 : vector<1x16xi32> to vector<16xi32>
    %swap3A_367 = vector.shape_cast %min3A_361 : vector<16xi32> to vector<1x16xi32>
    tpu.vector_store %arg11[%swap3A_363, %swap3A_364], %swap3A_367 {strides = array<i32>} : memref<4x128xi32, #tpu.memory_space<vmem>>, vector<1x16xi32>,
    %add3A_368 = arith.constant 3 : i32
    %add3A_369 = vector.broadcast %add3A_368 : i32 to vector<16xi32>
    %add3A_370 = arith.addi %get3A_323, %add3A_369 : vector<16xi32>
    %min3A_371 = arith.constant 131071 : i32
    %min3A_372 = vector.broadcast %min3A_371 : i32 to vector<16xi32>
    %min3A_373 = arith.minsi %add3A_370, %min3A_372 : vector<16xi32>
    %swap3A_374 = arith.constant 3 : i32
    %swap3A_375 = arith.index_cast %swap3A_374 : i32 to index
    %swap3A_376 = arith.constant 64 : index
    %swap3A_377 = tpu.vector_load %arg11[%swap3A_375, %swap3A_376] {strides = array<i32>} : memref<4x128xi32, #tpu.memory_space<vmem>>, vector<1x16xi32>,
    %swap3A_378 = vector.shape_cast %swap3A_377 : vector<1x16xi32> to vector<16xi32>
    %swap3A_379 = vector.shape_cast %min3A_373 : vector<16xi32> to vector<1x16xi32>
    tpu.vector_store %arg11[%swap3A_375, %swap3A_376], %swap3A_379 {strides = array<i32>} : memref<4x128xi32, #tpu.memory_space<vmem>>, vector<1x16xi32>,
    %get3A_380 = arith.constant 80 : index
    %get3A_381 = tpu.vector_load %arg9[%get3A_380] {strides = array<i32>} : memref<128xi32, #tpu.memory_space<vmem>>, vector<16xi32>,
    %get3A_382 = vector.shape_cast %get3A_381 : vector<16xi32> to vector<16xi32>
    %get3A_383 = arith.constant 80 : index
    %get3A_384 = tpu.vector_load %arg10[%get3A_383] {strides = array<i32>} : memref<128xi32, #tpu.memory_space<vmem>>, vector<16xi32>,
    %get3A_385 = vector.shape_cast %get3A_384 : vector<16xi32> to vector<16xi32>
    %sub3A_386 = arith.subi %get3A_385, %get3A_382 : vector<16xi32>
    %swap3A_387 = arith.constant 80 : index
    %swap3A_388 = tpu.vector_load %arg12[%swap3A_387] {strides = array<i32>} : memref<128xi32, #tpu.memory_space<vmem>>, vector<16xi32>,
    %swap3A_389 = vector.shape_cast %swap3A_388 : vector<16xi32> to vector<16xi32>
    %swap3A_390 = vector.shape_cast %sub3A_386 : vector<16xi32> to vector<16xi32>
    tpu.vector_store %arg12[%swap3A_387], %swap3A_390 {strides = array<i32>} : memref<128xi32, #tpu.memory_space<vmem>>, vector<16xi32>,
    %add3A_391 = arith.constant 0 : i32
    %add3A_392 = vector.broadcast %add3A_391 : i32 to vector<16xi32>
    %add3A_393 = arith.addi %get3A_382, %add3A_392 : vector<16xi32>
    %min3A_394 = arith.constant 131071 : i32
    %min3A_395 = vector.broadcast %min3A_394 : i32 to vector<16xi32>
    %min3A_396 = arith.minsi %add3A_393, %min3A_395 : vector<16xi32>
    %swap3A_397 = arith.constant 0 : i32
    %swap3A_398 = arith.index_cast %swap3A_397 : i32 to index
    %swap3A_399 = arith.constant 80 : index
    %swap3A_400 = tpu.vector_load %arg11[%swap3A_398, %swap3A_399] {strides = array<i32>} : memref<4x128xi32, #tpu.memory_space<vmem>>, vector<1x16xi32>,
    %swap3A_401 = vector.shape_cast %swap3A_400 : vector<1x16xi32> to vector<16xi32>
    %swap3A_402 = vector.shape_cast %min3A_396 : vector<16xi32> to vector<1x16xi32>
    tpu.vector_store %arg11[%swap3A_398, %swap3A_399], %swap3A_402 {strides = array<i32>} : memref<4x128xi32, #tpu.memory_space<vmem>>, vector<1x16xi32>,
    %add3A_403 = arith.constant 1 : i32
    %add3A_404 = vector.broadcast %add3A_403 : i32 to vector<16xi32>
    %add3A_405 = arith.addi %get3A_382, %add3A_404 : vector<16xi32>
    %min3A_406 = arith.constant 131071 : i32
    %min3A_407 = vector.broadcast %min3A_406 : i32 to vector<16xi32>
    %min3A_408 = arith.minsi %add3A_405, %min3A_407 : vector<16xi32>
    %swap3A_409 = arith.constant 1 : i32
    %swap3A_410 = arith.index_cast %swap3A_409 : i32 to index
    %swap3A_411 = arith.constant 80 : index
    %swap3A_412 = tpu.vector_load %arg11[%swap3A_410, %swap3A_411] {strides = array<i32>} : memref<4x128xi32, #tpu.memory_space<vmem>>, vector<1x16xi32>,
    %swap3A_413 = vector.shape_cast %swap3A_412 : vector<1x16xi32> to vector<16xi32>
    %swap3A_414 = vector.shape_cast %min3A_408 : vector<16xi32> to vector<1x16xi32>
    tpu.vector_store %arg11[%swap3A_410, %swap3A_411], %swap3A_414 {strides = array<i32>} : memref<4x128xi32, #tpu.memory_space<vmem>>, vector<1x16xi32>,
    %add3A_415 = arith.constant 2 : i32
    %add3A_416 = vector.broadcast %add3A_415 : i32 to vector<16xi32>
    %add3A_417 = arith.addi %get3A_382, %add3A_416 : vector<16xi32>
    %min3A_418 = arith.constant 131071 : i32
    %min3A_419 = vector.broadcast %min3A_418 : i32 to vector<16xi32>
    %min3A_420 = arith.minsi %add3A_417, %min3A_419 : vector<16xi32>
    %swap3A_421 = arith.constant 2 : i32
    %swap3A_422 = arith.index_cast %swap3A_421 : i32 to index
    %swap3A_423 = arith.constant 80 : index
    %swap3A_424 = tpu.vector_load %arg11[%swap3A_422, %swap3A_423] {strides = array<i32>} : memref<4x128xi32, #tpu.memory_space<vmem>>, vector<1x16xi32>,
    %swap3A_425 = vector.shape_cast %swap3A_424 : vector<1x16xi32> to vector<16xi32>
    %swap3A_426 = vector.shape_cast %min3A_420 : vector<16xi32> to vector<1x16xi32>
    tpu.vector_store %arg11[%swap3A_422, %swap3A_423], %swap3A_426 {strides = array<i32>} : memref<4x128xi32, #tpu.memory_space<vmem>>, vector<1x16xi32>,
    %add3A_427 = arith.constant 3 : i32
    %add3A_428 = vector.broadcast %add3A_427 : i32 to vector<16xi32>
    %add3A_429 = arith.addi %get3A_382, %add3A_428 : vector<16xi32>
    %min3A_430 = arith.constant 131071 : i32
    %min3A_431 = vector.broadcast %min3A_430 : i32 to vector<16xi32>
    %min3A_432 = arith.minsi %add3A_429, %min3A_431 : vector<16xi32>
    %swap3A_433 = arith.constant 3 : i32
    %swap3A_434 = arith.index_cast %swap3A_433 : i32 to index
    %swap3A_435 = arith.constant 80 : index
    %swap3A_436 = tpu.vector_load %arg11[%swap3A_434, %swap3A_435] {strides = array<i32>} : memref<4x128xi32, #tpu.memory_space<vmem>>, vector<1x16xi32>,
    %swap3A_437 = vector.shape_cast %swap3A_436 : vector<1x16xi32> to vector<16xi32>
    %swap3A_438 = vector.shape_cast %min3A_432 : vector<16xi32> to vector<1x16xi32>
    tpu.vector_store %arg11[%swap3A_434, %swap3A_435], %swap3A_438 {strides = array<i32>} : memref<4x128xi32, #tpu.memory_space<vmem>>, vector<1x16xi32>,
    %get3A_439 = arith.constant 96 : index
    %get3A_440 = tpu.vector_load %arg9[%get3A_439] {strides = array<i32>} : memref<128xi32, #tpu.memory_space<vmem>>, vector<16xi32>,
    %get3A_441 = vector.shape_cast %get3A_440 : vector<16xi32> to vector<16xi32>
    %get3A_442 = arith.constant 96 : index
    %get3A_443 = tpu.vector_load %arg10[%get3A_442] {strides = array<i32>} : memref<128xi32, #tpu.memory_space<vmem>>, vector<16xi32>,
    %get3A_444 = vector.shape_cast %get3A_443 : vector<16xi32> to vector<16xi32>
    %sub3A_445 = arith.subi %get3A_444, %get3A_441 : vector<16xi32>
    %swap3A_446 = arith.constant 96 : index
    %swap3A_447 = tpu.vector_load %arg12[%swap3A_446] {strides = array<i32>} : memref<128xi32, #tpu.memory_space<vmem>>, vector<16xi32>,
    %swap3A_448 = vector.shape_cast %swap3A_447 : vector<16xi32> to vector<16xi32>
    %swap3A_449 = vector.shape_cast %sub3A_445 : vector<16xi32> to vector<16xi32>
    tpu.vector_store %arg12[%swap3A_446], %swap3A_449 {strides = array<i32>} : memref<128xi32, #tpu.memory_space<vmem>>, vector<16xi32>,
    %add3A_450 = arith.constant 0 : i32
    %add3A_451 = vector.broadcast %add3A_450 : i32 to vector<16xi32>
    %add3A_452 = arith.addi %get3A_441, %add3A_451 : vector<16xi32>
    %min3A_453 = arith.constant 131071 : i32
    %min3A_454 = vector.broadcast %min3A_453 : i32 to vector<16xi32>
    %min3A_455 = arith.minsi %add3A_452, %min3A_454 : vector<16xi32>
    %swap3A_456 = arith.constant 0 : i32
    %swap3A_457 = arith.index_cast %swap3A_456 : i32 to index
    %swap3A_458 = arith.constant 96 : index
    %swap3A_459 = tpu.vector_load %arg11[%swap3A_457, %swap3A_458] {strides = array<i32>} : memref<4x128xi32, #tpu.memory_space<vmem>>, vector<1x16xi32>,
    %swap3A_460 = vector.shape_cast %swap3A_459 : vector<1x16xi32> to vector<16xi32>
    %swap3A_461 = vector.shape_cast %min3A_455 : vector<16xi32> to vector<1x16xi32>
    tpu.vector_store %arg11[%swap3A_457, %swap3A_458], %swap3A_461 {strides = array<i32>} : memref<4x128xi32, #tpu.memory_space<vmem>>, vector<1x16xi32>,
    %add3A_462 = arith.constant 1 : i32
    %add3A_463 = vector.broadcast %add3A_462 : i32 to vector<16xi32>
    %add3A_464 = arith.addi %get3A_441, %add3A_463 : vector<16xi32>
    %min3A_465 = arith.constant 131071 : i32
    %min3A_466 = vector.broadcast %min3A_465 : i32 to vector<16xi32>
    %min3A_467 = arith.minsi %add3A_464, %min3A_466 : vector<16xi32>
    %swap3A_468 = arith.constant 1 : i32
    %swap3A_469 = arith.index_cast %swap3A_468 : i32 to index
    %swap3A_470 = arith.constant 96 : index
    %swap3A_471 = tpu.vector_load %arg11[%swap3A_469, %swap3A_470] {strides = array<i32>} : memref<4x128xi32, #tpu.memory_space<vmem>>, vector<1x16xi32>,
    %swap3A_472 = vector.shape_cast %swap3A_471 : vector<1x16xi32> to vector<16xi32>
    %swap3A_473 = vector.shape_cast %min3A_467 : vector<16xi32> to vector<1x16xi32>
    tpu.vector_store %arg11[%swap3A_469, %swap3A_470], %swap3A_473 {strides = array<i32>} : memref<4x128xi32, #tpu.memory_space<vmem>>, vector<1x16xi32>,
    %add3A_474 = arith.constant 2 : i32
    %add3A_475 = vector.broadcast %add3A_474 : i32 to vector<16xi32>
    %add3A_476 = arith.addi %get3A_441, %add3A_475 : vector<16xi32>
    %min3A_477 = arith.constant 131071 : i32
    %min3A_478 = vector.broadcast %min3A_477 : i32 to vector<16xi32>
    %min3A_479 = arith.minsi %add3A_476, %min3A_478 : vector<16xi32>
    %swap3A_480 = arith.constant 2 : i32
    %swap3A_481 = arith.index_cast %swap3A_480 : i32 to index
    %swap3A_482 = arith.constant 96 : index
    %swap3A_483 = tpu.vector_load %arg11[%swap3A_481, %swap3A_482] {strides = array<i32>} : memref<4x128xi32, #tpu.memory_space<vmem>>, vector<1x16xi32>,
    %swap3A_484 = vector.shape_cast %swap3A_483 : vector<1x16xi32> to vector<16xi32>
    %swap3A_485 = vector.shape_cast %min3A_479 : vector<16xi32> to vector<1x16xi32>
    tpu.vector_store %arg11[%swap3A_481, %swap3A_482], %swap3A_485 {strides = array<i32>} : memref<4x128xi32, #tpu.memory_space<vmem>>, vector<1x16xi32>,
    %add3A_486 = arith.constant 3 : i32
    %add3A_487 = vector.broadcast %add3A_486 : i32 to vector<16xi32>
    %add3A_488 = arith.addi %get3A_441, %add3A_487 : vector<16xi32>
    %min3A_489 = arith.constant 131071 : i32
    %min3A_490 = vector.broadcast %min3A_489 : i32 to vector<16xi32>
    %min3A_491 = arith.minsi %add3A_488, %min3A_490 : vector<16xi32>
    %swap3A_492 = arith.constant 3 : i32
    %swap3A_493 = arith.index_cast %swap3A_492 : i32 to index
    %swap3A_494 = arith.constant 96 : index
    %swap3A_495 = tpu.vector_load %arg11[%swap3A_493, %swap3A_494] {strides = array<i32>} : memref<4x128xi32, #tpu.memory_space<vmem>>, vector<1x16xi32>,
    %swap3A_496 = vector.shape_cast %swap3A_495 : vector<1x16xi32> to vector<16xi32>
    %swap3A_497 = vector.shape_cast %min3A_491 : vector<16xi32> to vector<1x16xi32>
    tpu.vector_store %arg11[%swap3A_493, %swap3A_494], %swap3A_497 {strides = array<i32>} : memref<4x128xi32, #tpu.memory_space<vmem>>, vector<1x16xi32>,
    %get3A_498 = arith.constant 112 : index
    %get3A_499 = tpu.vector_load %arg9[%get3A_498] {strides = array<i32>} : memref<128xi32, #tpu.memory_space<vmem>>, vector<16xi32>,
    %get3A_500 = vector.shape_cast %get3A_499 : vector<16xi32> to vector<16xi32>
    %get3A_501 = arith.constant 112 : index
    %get3A_502 = tpu.vector_load %arg10[%get3A_501] {strides = array<i32>} : memref<128xi32, #tpu.memory_space<vmem>>, vector<16xi32>,
    %get3A_503 = vector.shape_cast %get3A_502 : vector<16xi32> to vector<16xi32>
    %sub3A_504 = arith.subi %get3A_503, %get3A_500 : vector<16xi32>
    %swap3A_505 = arith.constant 112 : index
    %swap3A_506 = tpu.vector_load %arg12[%swap3A_505] {strides = array<i32>} : memref<128xi32, #tpu.memory_space<vmem>>, vector<16xi32>,
    %swap3A_507 = vector.shape_cast %swap3A_506 : vector<16xi32> to vector<16xi32>
    %swap3A_508 = vector.shape_cast %sub3A_504 : vector<16xi32> to vector<16xi32>
    tpu.vector_store %arg12[%swap3A_505], %swap3A_508 {strides = array<i32>} : memref<128xi32, #tpu.memory_space<vmem>>, vector<16xi32>,
    %add3A_509 = arith.constant 0 : i32
    %add3A_510 = vector.broadcast %add3A_509 : i32 to vector<16xi32>
    %add3A_511 = arith.addi %get3A_500, %add3A_510 : vector<16xi32>
    %min3A_512 = arith.constant 131071 : i32
    %min3A_513 = vector.broadcast %min3A_512 : i32 to vector<16xi32>
    %min3A_514 = arith.minsi %add3A_511, %min3A_513 : vector<16xi32>
    %swap3A_515 = arith.constant 0 : i32
    %swap3A_516 = arith.index_cast %swap3A_515 : i32 to index
    %swap3A_517 = arith.constant 112 : index
    %swap3A_518 = tpu.vector_load %arg11[%swap3A_516, %swap3A_517] {strides = array<i32>} : memref<4x128xi32, #tpu.memory_space<vmem>>, vector<1x16xi32>,
    %swap3A_519 = vector.shape_cast %swap3A_518 : vector<1x16xi32> to vector<16xi32>
    %swap3A_520 = vector.shape_cast %min3A_514 : vector<16xi32> to vector<1x16xi32>
    tpu.vector_store %arg11[%swap3A_516, %swap3A_517], %swap3A_520 {strides = array<i32>} : memref<4x128xi32, #tpu.memory_space<vmem>>, vector<1x16xi32>,
    %add3A_521 = arith.constant 1 : i32
    %add3A_522 = vector.broadcast %add3A_521 : i32 to vector<16xi32>
    %add3A_523 = arith.addi %get3A_500, %add3A_522 : vector<16xi32>
    %min3A_524 = arith.constant 131071 : i32
    %min3A_525 = vector.broadcast %min3A_524 : i32 to vector<16xi32>
    %min3A_526 = arith.minsi %add3A_523, %min3A_525 : vector<16xi32>
    %swap3A_527 = arith.constant 1 : i32
    %swap3A_528 = arith.index_cast %swap3A_527 : i32 to index
    %swap3A_529 = arith.constant 112 : index
    %swap3A_530 = tpu.vector_load %arg11[%swap3A_528, %swap3A_529] {strides = array<i32>} : memref<4x128xi32, #tpu.memory_space<vmem>>, vector<1x16xi32>,
    %swap3A_531 = vector.shape_cast %swap3A_530 : vector<1x16xi32> to vector<16xi32>
    %swap3A_532 = vector.shape_cast %min3A_526 : vector<16xi32> to vector<1x16xi32>
    tpu.vector_store %arg11[%swap3A_528, %swap3A_529], %swap3A_532 {strides = array<i32>} : memref<4x128xi32, #tpu.memory_space<vmem>>, vector<1x16xi32>,
    %add3A_533 = arith.constant 2 : i32
    %add3A_534 = vector.broadcast %add3A_533 : i32 to vector<16xi32>
    %add3A_535 = arith.addi %get3A_500, %add3A_534 : vector<16xi32>
    %min3A_536 = arith.constant 131071 : i32
    %min3A_537 = vector.broadcast %min3A_536 : i32 to vector<16xi32>
    %min3A_538 = arith.minsi %add3A_535, %min3A_537 : vector<16xi32>
    %swap3A_539 = arith.constant 2 : i32
    %swap3A_540 = arith.index_cast %swap3A_539 : i32 to index
    %swap3A_541 = arith.constant 112 : index
    %swap3A_542 = tpu.vector_load %arg11[%swap3A_540, %swap3A_541] {strides = array<i32>} : memref<4x128xi32, #tpu.memory_space<vmem>>, vector<1x16xi32>,
    %swap3A_543 = vector.shape_cast %swap3A_542 : vector<1x16xi32> to vector<16xi32>
    %swap3A_544 = vector.shape_cast %min3A_538 : vector<16xi32> to vector<1x16xi32>
    tpu.vector_store %arg11[%swap3A_540, %swap3A_541], %swap3A_544 {strides = array<i32>} : memref<4x128xi32, #tpu.memory_space<vmem>>, vector<1x16xi32>,
    %add3A_545 = arith.constant 3 : i32
    %add3A_546 = vector.broadcast %add3A_545 : i32 to vector<16xi32>
    %add3A_547 = arith.addi %get3A_500, %add3A_546 : vector<16xi32>
    %min3A_548 = arith.constant 131071 : i32
    %min3A_549 = vector.broadcast %min3A_548 : i32 to vector<16xi32>
    %min3A_550 = arith.minsi %add3A_547, %min3A_549 : vector<16xi32>
    %swap3A_551 = arith.constant 3 : i32
    %swap3A_552 = arith.index_cast %swap3A_551 : i32 to index
    %swap3A_553 = arith.constant 112 : index
    %swap3A_554 = tpu.vector_load %arg11[%swap3A_552, %swap3A_553] {strides = array<i32>} : memref<4x128xi32, #tpu.memory_space<vmem>>, vector<1x16xi32>,
    %swap3A_555 = vector.shape_cast %swap3A_554 : vector<1x16xi32> to vector<16xi32>
    %swap3A_556 = vector.shape_cast %min3A_550 : vector<16xi32> to vector<1x16xi32>
    tpu.vector_store %arg11[%swap3A_552, %swap3A_553], %swap3A_556 {strides = array<i32>} : memref<4x128xi32, #tpu.memory_space<vmem>>, vector<1x16xi32>,
    %dma_start3A_557 = tpu.memref_slice %arg6[%mul3A_2] : memref<4096xi32, #tpu.memory_space<hbm>> -> memref<128xi32, #tpu.memory_space<hbm>>
    %dma_start3A_558 = tpu.memref_slice %arg6[%mul3A_2] : memref<4096xi32, #tpu.memory_space<hbm>> -> memref<128xi32, #tpu.memory_space<hbm>>
    tpu.enqueue_dma source(%arg12 : memref<128xi32, #tpu.memory_space<vmem>>) target(%dma_start3A_558 : memref<128xi32, #tpu.memory_space<hbm>>) target_semaphore(%arg14 : memref<!tpu.dma_semaphore, #tpu.memory_space<semaphore_mem>>)
    %dma_start3A_559 = arith.constant 0 : i32
    %dma_start3A_560 = arith.constant 0 : i32
    %dma_start3A_561 = arith.constant 0 : i32
    %dma_start3A_562 = arith.constant 0 : i32
    %dma_start3A_563 = tpu.memref_slice %arg13[%dma_start3A_560, %dma_start3A_561, %dma_start3A_562] : memref<3x32x1024xf32, #tpu.memory_space<vmem>> -> memref<1x32x1024xf32, #tpu.memory_space<vmem>>
    %dma_start3A_564 = tpu.memref_squeeze %dma_start3A_563 : memref<1x32x1024xf32, #tpu.memory_space<vmem>> -> memref<32x1024xf32, #tpu.memory_space<vmem>>
    %dma_start3A_565 = arith.constant 0 : i32
    %dma_start3A_566 = tpu.memref_slice %arg11[%dma_start3A_559, %dma_start3A_565] : memref<4x128xi32, #tpu.memory_space<vmem>> -> memref<1x32xi32, #tpu.memory_space<vmem>>
    %dma_start3A_567 = tpu.memref_squeeze %dma_start3A_566 : memref<1x32xi32, #tpu.memory_space<vmem>> -> memref<32xi32, #tpu.memory_space<vmem>>
    %dma_start3A_568 = arith.constant 0 : i32
    %dma_start3A_569 = arith.constant 0 : i32
    %dma_start3A_570 = tpu.memref_slice %arg4[%dma_start3A_568, %dma_start3A_569] : memref<131072x1024xf32, #tpu.memory_space<hbm>> -> memref<131072x1024xf32, #tpu.memory_space<hbm>>
    tpu.enqueue_indirect_dma source(%dma_start3A_570 : memref<131072x1024xf32, #tpu.memory_space<hbm>>) target(%dma_start3A_564 : memref<32x1024xf32, #tpu.memory_space<vmem>>) offsets(%dma_start3A_567 : memref<32xi32, #tpu.memory_space<vmem>>) semaphore(%arg15 : memref<!tpu.dma_semaphore, #tpu.memory_space<semaphore_mem>>)
    %dma_start3A_571 = arith.constant 0 : i32
    %dma_start3A_572 = arith.constant 1 : i32
    %dma_start3A_573 = arith.constant 0 : i32
    %dma_start3A_574 = arith.constant 0 : i32
    %dma_start3A_575 = tpu.memref_slice %arg13[%dma_start3A_572, %dma_start3A_573, %dma_start3A_574] : memref<3x32x1024xf32, #tpu.memory_space<vmem>> -> memref<1x32x1024xf32, #tpu.memory_space<vmem>>
    %dma_start3A_576 = tpu.memref_squeeze %dma_start3A_575 : memref<1x32x1024xf32, #tpu.memory_space<vmem>> -> memref<32x1024xf32, #tpu.memory_space<vmem>>
    %dma_start3A_577 = arith.constant 32 : i32
    %dma_start3A_578 = tpu.memref_slice %arg11[%dma_start3A_571, %dma_start3A_577] : memref<4x128xi32, #tpu.memory_space<vmem>> -> memref<1x32xi32, #tpu.memory_space<vmem>>
    %dma_start3A_579 = tpu.memref_squeeze %dma_start3A_578 : memref<1x32xi32, #tpu.memory_space<vmem>> -> memref<32xi32, #tpu.memory_space<vmem>>
    %dma_start3A_580 = arith.constant 0 : i32
    %dma_start3A_581 = arith.constant 0 : i32
    %dma_start3A_582 = tpu.memref_slice %arg4[%dma_start3A_580, %dma_start3A_581] : memref<131072x1024xf32, #tpu.memory_space<hbm>> -> memref<131072x1024xf32, #tpu.memory_space<hbm>>
    tpu.enqueue_indirect_dma source(%dma_start3A_582 : memref<131072x1024xf32, #tpu.memory_space<hbm>>) target(%dma_start3A_576 : memref<32x1024xf32, #tpu.memory_space<vmem>>) offsets(%dma_start3A_579 : memref<32xi32, #tpu.memory_space<vmem>>) semaphore(%arg16 : memref<!tpu.dma_semaphore, #tpu.memory_space<semaphore_mem>>)
    %dma_start3A_583 = arith.constant 0 : i32
    %dma_start3A_584 = arith.constant 2 : i32
    %dma_start3A_585 = arith.constant 0 : i32
    %dma_start3A_586 = arith.constant 0 : i32
    %dma_start3A_587 = tpu.memref_slice %arg13[%dma_start3A_584, %dma_start3A_585, %dma_start3A_586] : memref<3x32x1024xf32, #tpu.memory_space<vmem>> -> memref<1x32x1024xf32, #tpu.memory_space<vmem>>
    %dma_start3A_588 = tpu.memref_squeeze %dma_start3A_587 : memref<1x32x1024xf32, #tpu.memory_space<vmem>> -> memref<32x1024xf32, #tpu.memory_space<vmem>>
    %dma_start3A_589 = arith.constant 64 : i32
    %dma_start3A_590 = tpu.memref_slice %arg11[%dma_start3A_583, %dma_start3A_589] : memref<4x128xi32, #tpu.memory_space<vmem>> -> memref<1x32xi32, #tpu.memory_space<vmem>>
    %dma_start3A_591 = tpu.memref_squeeze %dma_start3A_590 : memref<1x32xi32, #tpu.memory_space<vmem>> -> memref<32xi32, #tpu.memory_space<vmem>>
    %dma_start3A_592 = arith.constant 0 : i32
    %dma_start3A_593 = arith.constant 0 : i32
    %dma_start3A_594 = tpu.memref_slice %arg4[%dma_start3A_592, %dma_start3A_593] : memref<131072x1024xf32, #tpu.memory_space<hbm>> -> memref<131072x1024xf32, #tpu.memory_space<hbm>>
    tpu.enqueue_indirect_dma source(%dma_start3A_594 : memref<131072x1024xf32, #tpu.memory_space<hbm>>) target(%dma_start3A_588 : memref<32x1024xf32, #tpu.memory_space<vmem>>) offsets(%dma_start3A_591 : memref<32xi32, #tpu.memory_space<vmem>>) semaphore(%arg17 : memref<!tpu.dma_semaphore, #tpu.memory_space<semaphore_mem>>)
    %dma_wait3A_595 = arith.constant 0 : i32
    %dma_wait3A_596 = arith.constant 0 : i32
    %dma_wait3A_597 = arith.constant 0 : i32
    %dma_wait3A_598 = arith.constant 0 : i32
    %dma_wait3A_599 = tpu.memref_slice %arg13[%dma_wait3A_596, %dma_wait3A_597, %dma_wait3A_598] : memref<3x32x1024xf32, #tpu.memory_space<vmem>> -> memref<1x32x1024xf32, #tpu.memory_space<vmem>>
    %dma_wait3A_600 = tpu.memref_squeeze %dma_wait3A_599 : memref<1x32x1024xf32, #tpu.memory_space<vmem>> -> memref<32x1024xf32, #tpu.memory_space<vmem>>
    %dma_wait3A_601 = arith.constant 0 : i32
    %dma_wait3A_602 = tpu.memref_slice %arg11[%dma_wait3A_595, %dma_wait3A_601] : memref<4x128xi32, #tpu.memory_space<vmem>> -> memref<1x32xi32, #tpu.memory_space<vmem>>
    %dma_wait3A_603 = tpu.memref_squeeze %dma_wait3A_602 : memref<1x32xi32, #tpu.memory_space<vmem>> -> memref<32xi32, #tpu.memory_space<vmem>>
    %dma_wait3A_604 = arith.constant 0 : i32
    %dma_wait3A_605 = arith.constant 0 : i32
    %dma_wait3A_606 = tpu.memref_slice %arg4[%dma_wait3A_604, %dma_wait3A_605] : memref<131072x1024xf32, #tpu.memory_space<hbm>> -> memref<131072x1024xf32, #tpu.memory_space<hbm>>
    tpu.wait_indirect_dma semaphore(%arg15 : memref<!tpu.dma_semaphore, #tpu.memory_space<semaphore_mem>>) src(%dma_wait3A_606 : memref<131072x1024xf32, #tpu.memory_space<hbm>>) dst(%dma_wait3A_600 : memref<32x1024xf32, #tpu.memory_space<vmem>>)
    %add3A_607 = arith.constant 0 : i32
    %add3A_608 = arith.addi %mul3A_2, %add3A_607 : i32
    %dma_start3A_609 = arith.constant 0 : i32
    %dma_start3A_610 = arith.constant 0 : i32
    %dma_start3A_611 = arith.constant 0 : i32
    %dma_start3A_612 = arith.constant 0 : i32
    %dma_start3A_613 = tpu.memref_slice %arg13[%dma_start3A_609, %dma_start3A_611, %dma_start3A_612] : memref<3x32x1024xf32, #tpu.memory_space<vmem>> -> memref<1x32x1024xf32, #tpu.memory_space<vmem>>
    %dma_start3A_614 = tpu.memref_squeeze %dma_start3A_613 : memref<1x32x1024xf32, #tpu.memory_space<vmem>> -> memref<32x1024xf32, #tpu.memory_space<vmem>>
    %dma_start3A_615 = arith.constant 0 : i32
    %dma_start3A_616 = tpu.memref_slice %arg5[%dma_start3A_610, %add3A_608, %dma_start3A_615] : memref<4x4096x1024xf32, #tpu.memory_space<hbm>> -> memref<1x32x1024xf32, #tpu.memory_space<hbm>>
    %dma_start3A_617 = tpu.memref_squeeze %dma_start3A_616 : memref<1x32x1024xf32, #tpu.memory_space<hbm>> -> memref<32x1024xf32, #tpu.memory_space<hbm>>
    %dma_start3A_618 = arith.constant 0 : i32
    %dma_start3A_619 = tpu.memref_slice %arg5[%dma_start3A_610, %add3A_608, %dma_start3A_618] : memref<4x4096x1024xf32, #tpu.memory_space<hbm>> -> memref<1x32x1024xf32, #tpu.memory_space<hbm>>
    %dma_start3A_620 = tpu.memref_squeeze %dma_start3A_619 : memref<1x32x1024xf32, #tpu.memory_space<hbm>> -> memref<32x1024xf32, #tpu.memory_space<hbm>>
    %dma_start3A_621 = arith.constant 0 : i32
    %dma_start3A_622 = arith.constant 0 : i32
    %dma_start3A_623 = tpu.memref_slice %arg13[%dma_start3A_609, %dma_start3A_621, %dma_start3A_622] : memref<3x32x1024xf32, #tpu.memory_space<vmem>> -> memref<1x32x1024xf32, #tpu.memory_space<vmem>>
    %dma_start3A_624 = tpu.memref_squeeze %dma_start3A_623 : memref<1x32x1024xf32, #tpu.memory_space<vmem>> -> memref<32x1024xf32, #tpu.memory_space<vmem>>
    tpu.enqueue_dma source(%dma_start3A_624 : memref<32x1024xf32, #tpu.memory_space<vmem>>) target(%dma_start3A_620 : memref<32x1024xf32, #tpu.memory_space<hbm>>) target_semaphore(%arg19 : memref<!tpu.dma_semaphore, #tpu.memory_space<semaphore_mem>>)
    %dma_wait3A_625 = arith.constant 0 : i32
    %dma_wait3A_626 = arith.constant 0 : i32
    %dma_wait3A_627 = arith.constant 0 : i32
    %dma_wait3A_628 = arith.constant 0 : i32
    %dma_wait3A_629 = tpu.memref_slice %arg13[%dma_wait3A_625, %dma_wait3A_627, %dma_wait3A_628] : memref<3x32x1024xf32, #tpu.memory_space<vmem>> -> memref<1x32x1024xf32, #tpu.memory_space<vmem>>
    %dma_wait3A_630 = tpu.memref_squeeze %dma_wait3A_629 : memref<1x32x1024xf32, #tpu.memory_space<vmem>> -> memref<32x1024xf32, #tpu.memory_space<vmem>>
    %dma_wait3A_631 = arith.constant 0 : i32
    %dma_wait3A_632 = tpu.memref_slice %arg5[%dma_wait3A_626, %add3A_608, %dma_wait3A_631] : memref<4x4096x1024xf32, #tpu.memory_space<hbm>> -> memref<1x32x1024xf32, #tpu.memory_space<hbm>>
    %dma_wait3A_633 = tpu.memref_squeeze %dma_wait3A_632 : memref<1x32x1024xf32, #tpu.memory_space<hbm>> -> memref<32x1024xf32, #tpu.memory_space<hbm>>
    %dma_wait3A_634 = arith.constant 0 : i32
    %dma_wait3A_635 = tpu.memref_slice %arg5[%dma_wait3A_626, %add3A_608, %dma_wait3A_634] : memref<4x4096x1024xf32, #tpu.memory_space<hbm>> -> memref<1x32x1024xf32, #tpu.memory_space<hbm>>
    %dma_wait3A_636 = tpu.memref_squeeze %dma_wait3A_635 : memref<1x32x1024xf32, #tpu.memory_space<hbm>> -> memref<32x1024xf32, #tpu.memory_space<hbm>>
    %dma_wait3A_637 = arith.constant 0 : i32
    %dma_wait3A_638 = arith.constant 0 : i32
    %dma_wait3A_639 = tpu.memref_slice %arg13[%dma_wait3A_625, %dma_wait3A_637, %dma_wait3A_638] : memref<3x32x1024xf32, #tpu.memory_space<vmem>> -> memref<1x32x1024xf32, #tpu.memory_space<vmem>>
    %dma_wait3A_640 = tpu.memref_squeeze %dma_wait3A_639 : memref<1x32x1024xf32, #tpu.memory_space<vmem>> -> memref<32x1024xf32, #tpu.memory_space<vmem>>
    tpu.wait_dma2 semaphore(%arg19 : memref<!tpu.dma_semaphore, #tpu.memory_space<semaphore_mem>>) src(%dma_wait3A_640 : memref<32x1024xf32, #tpu.memory_space<vmem>>) dst(%dma_wait3A_636 : memref<32x1024xf32, #tpu.memory_space<hbm>>)
    %dma_start3A_641 = arith.constant 0 : i32
    %dma_start3A_642 = arith.constant 0 : i32
    %dma_start3A_643 = arith.constant 0 : i32
    %dma_start3A_644 = arith.constant 0 : i32
    %dma_start3A_645 = tpu.memref_slice %arg13[%dma_start3A_642, %dma_start3A_643, %dma_start3A_644] : memref<3x32x1024xf32, #tpu.memory_space<vmem>> -> memref<1x32x1024xf32, #tpu.memory_space<vmem>>
    %dma_start3A_646 = tpu.memref_squeeze %dma_start3A_645 : memref<1x32x1024xf32, #tpu.memory_space<vmem>> -> memref<32x1024xf32, #tpu.memory_space<vmem>>
    %dma_start3A_647 = arith.constant 96 : i32
    %dma_start3A_648 = tpu.memref_slice %arg11[%dma_start3A_641, %dma_start3A_647] : memref<4x128xi32, #tpu.memory_space<vmem>> -> memref<1x32xi32, #tpu.memory_space<vmem>>
    %dma_start3A_649 = tpu.memref_squeeze %dma_start3A_648 : memref<1x32xi32, #tpu.memory_space<vmem>> -> memref<32xi32, #tpu.memory_space<vmem>>
    %dma_start3A_650 = arith.constant 0 : i32
    %dma_start3A_651 = arith.constant 0 : i32
    %dma_start3A_652 = tpu.memref_slice %arg4[%dma_start3A_650, %dma_start3A_651] : memref<131072x1024xf32, #tpu.memory_space<hbm>> -> memref<131072x1024xf32, #tpu.memory_space<hbm>>
    tpu.enqueue_indirect_dma source(%dma_start3A_652 : memref<131072x1024xf32, #tpu.memory_space<hbm>>) target(%dma_start3A_646 : memref<32x1024xf32, #tpu.memory_space<vmem>>) offsets(%dma_start3A_649 : memref<32xi32, #tpu.memory_space<vmem>>) semaphore(%arg15 : memref<!tpu.dma_semaphore, #tpu.memory_space<semaphore_mem>>)
    %dma_wait3A_653 = arith.constant 0 : i32
    %dma_wait3A_654 = arith.constant 1 : i32
    %dma_wait3A_655 = arith.constant 0 : i32
    %dma_wait3A_656 = arith.constant 0 : i32
    %dma_wait3A_657 = tpu.memref_slice %arg13[%dma_wait3A_654, %dma_wait3A_655, %dma_wait3A_656] : memref<3x32x1024xf32, #tpu.memory_space<vmem>> -> memref<1x32x1024xf32, #tpu.memory_space<vmem>>
    %dma_wait3A_658 = tpu.memref_squeeze %dma_wait3A_657 : memref<1x32x1024xf32, #tpu.memory_space<vmem>> -> memref<32x1024xf32, #tpu.memory_space<vmem>>
    %dma_wait3A_659 = arith.constant 32 : i32
    %dma_wait3A_660 = tpu.memref_slice %arg11[%dma_wait3A_653, %dma_wait3A_659] : memref<4x128xi32, #tpu.memory_space<vmem>> -> memref<1x32xi32, #tpu.memory_space<vmem>>
    %dma_wait3A_661 = tpu.memref_squeeze %dma_wait3A_660 : memref<1x32xi32, #tpu.memory_space<vmem>> -> memref<32xi32, #tpu.memory_space<vmem>>
    %dma_wait3A_662 = arith.constant 0 : i32
    %dma_wait3A_663 = arith.constant 0 : i32
    %dma_wait3A_664 = tpu.memref_slice %arg4[%dma_wait3A_662, %dma_wait3A_663] : memref<131072x1024xf32, #tpu.memory_space<hbm>> -> memref<131072x1024xf32, #tpu.memory_space<hbm>>
    tpu.wait_indirect_dma semaphore(%arg16 : memref<!tpu.dma_semaphore, #tpu.memory_space<semaphore_mem>>) src(%dma_wait3A_664 : memref<131072x1024xf32, #tpu.memory_space<hbm>>) dst(%dma_wait3A_658 : memref<32x1024xf32, #tpu.memory_space<vmem>>)
    %add3A_665 = arith.constant 32 : i32
    %add3A_666 = arith.addi %mul3A_2, %add3A_665 : i32
    %dma_start3A_667 = arith.constant 1 : i32
    %dma_start3A_668 = arith.constant 0 : i32
    %dma_start3A_669 = arith.constant 0 : i32
    %dma_start3A_670 = arith.constant 0 : i32
    %dma_start3A_671 = tpu.memref_slice %arg13[%dma_start3A_667, %dma_start3A_669, %dma_start3A_670] : memref<3x32x1024xf32, #tpu.memory_space<vmem>> -> memref<1x32x1024xf32, #tpu.memory_space<vmem>>
    %dma_start3A_672 = tpu.memref_squeeze %dma_start3A_671 : memref<1x32x1024xf32, #tpu.memory_space<vmem>> -> memref<32x1024xf32, #tpu.memory_space<vmem>>
    %dma_start3A_673 = arith.constant 0 : i32
    %dma_start3A_674 = tpu.memref_slice %arg5[%dma_start3A_668, %add3A_666, %dma_start3A_673] : memref<4x4096x1024xf32, #tpu.memory_space<hbm>> -> memref<1x32x1024xf32, #tpu.memory_space<hbm>>
    %dma_start3A_675 = tpu.memref_squeeze %dma_start3A_674 : memref<1x32x1024xf32, #tpu.memory_space<hbm>> -> memref<32x1024xf32, #tpu.memory_space<hbm>>
    %dma_start3A_676 = arith.constant 0 : i32
    %dma_start3A_677 = tpu.memref_slice %arg5[%dma_start3A_668, %add3A_666, %dma_start3A_676] : memref<4x4096x1024xf32, #tpu.memory_space<hbm>> -> memref<1x32x1024xf32, #tpu.memory_space<hbm>>
    %dma_start3A_678 = tpu.memref_squeeze %dma_start3A_677 : memref<1x32x1024xf32, #tpu.memory_space<hbm>> -> memref<32x1024xf32, #tpu.memory_space<hbm>>
    %dma_start3A_679 = arith.constant 0 : i32
    %dma_start3A_680 = arith.constant 0 : i32
    %dma_start3A_681 = tpu.memref_slice %arg13[%dma_start3A_667, %dma_start3A_679, %dma_start3A_680] : memref<3x32x1024xf32, #tpu.memory_space<vmem>> -> memref<1x32x1024xf32, #tpu.memory_space<vmem>>
    %dma_start3A_682 = tpu.memref_squeeze %dma_start3A_681 : memref<1x32x1024xf32, #tpu.memory_space<vmem>> -> memref<32x1024xf32, #tpu.memory_space<vmem>>
    tpu.enqueue_dma source(%dma_start3A_682 : memref<32x1024xf32, #tpu.memory_space<vmem>>) target(%dma_start3A_678 : memref<32x1024xf32, #tpu.memory_space<hbm>>) target_semaphore(%arg20 : memref<!tpu.dma_semaphore, #tpu.memory_space<semaphore_mem>>)
    %dma_wait3A_683 = arith.constant 1 : i32
    %dma_wait3A_684 = arith.constant 0 : i32
    %dma_wait3A_685 = arith.constant 0 : i32
    %dma_wait3A_686 = arith.constant 0 : i32
    %dma_wait3A_687 = tpu.memref_slice %arg13[%dma_wait3A_683, %dma_wait3A_685, %dma_wait3A_686] : memref<3x32x1024xf32, #tpu.memory_space<vmem>> -> memref<1x32x1024xf32, #tpu.memory_space<vmem>>
    %dma_wait3A_688 = tpu.memref_squeeze %dma_wait3A_687 : memref<1x32x1024xf32, #tpu.memory_space<vmem>> -> memref<32x1024xf32, #tpu.memory_space<vmem>>
    %dma_wait3A_689 = arith.constant 0 : i32
    %dma_wait3A_690 = tpu.memref_slice %arg5[%dma_wait3A_684, %add3A_666, %dma_wait3A_689] : memref<4x4096x1024xf32, #tpu.memory_space<hbm>> -> memref<1x32x1024xf32, #tpu.memory_space<hbm>>
    %dma_wait3A_691 = tpu.memref_squeeze %dma_wait3A_690 : memref<1x32x1024xf32, #tpu.memory_space<hbm>> -> memref<32x1024xf32, #tpu.memory_space<hbm>>
    %dma_wait3A_692 = arith.constant 0 : i32
    %dma_wait3A_693 = tpu.memref_slice %arg5[%dma_wait3A_684, %add3A_666, %dma_wait3A_692] : memref<4x4096x1024xf32, #tpu.memory_space<hbm>> -> memref<1x32x1024xf32, #tpu.memory_space<hbm>>
    %dma_wait3A_694 = tpu.memref_squeeze %dma_wait3A_693 : memref<1x32x1024xf32, #tpu.memory_space<hbm>> -> memref<32x1024xf32, #tpu.memory_space<hbm>>
    %dma_wait3A_695 = arith.constant 0 : i32
    %dma_wait3A_696 = arith.constant 0 : i32
    %dma_wait3A_697 = tpu.memref_slice %arg13[%dma_wait3A_683, %dma_wait3A_695, %dma_wait3A_696] : memref<3x32x1024xf32, #tpu.memory_space<vmem>> -> memref<1x32x1024xf32, #tpu.memory_space<vmem>>
    %dma_wait3A_698 = tpu.memref_squeeze %dma_wait3A_697 : memref<1x32x1024xf32, #tpu.memory_space<vmem>> -> memref<32x1024xf32, #tpu.memory_space<vmem>>
    tpu.wait_dma2 semaphore(%arg20 : memref<!tpu.dma_semaphore, #tpu.memory_space<semaphore_mem>>) src(%dma_wait3A_698 : memref<32x1024xf32, #tpu.memory_space<vmem>>) dst(%dma_wait3A_694 : memref<32x1024xf32, #tpu.memory_space<hbm>>)
    %dma_start3A_699 = arith.constant 1 : i32
    %dma_start3A_700 = arith.constant 1 : i32
    %dma_start3A_701 = arith.constant 0 : i32
    %dma_start3A_702 = arith.constant 0 : i32
    %dma_start3A_703 = tpu.memref_slice %arg13[%dma_start3A_700, %dma_start3A_701, %dma_start3A_702] : memref<3x32x1024xf32, #tpu.memory_space<vmem>> -> memref<1x32x1024xf32, #tpu.memory_space<vmem>>
    %dma_start3A_704 = tpu.memref_squeeze %dma_start3A_703 : memref<1x32x1024xf32, #tpu.memory_space<vmem>> -> memref<32x1024xf32, #tpu.memory_space<vmem>>
    %dma_start3A_705 = arith.constant 0 : i32
    %dma_start3A_706 = tpu.memref_slice %arg11[%dma_start3A_699, %dma_start3A_705] : memref<4x128xi32, #tpu.memory_space<vmem>> -> memref<1x32xi32, #tpu.memory_space<vmem>>
    %dma_start3A_707 = tpu.memref_squeeze %dma_start3A_706 : memref<1x32xi32, #tpu.memory_space<vmem>> -> memref<32xi32, #tpu.memory_space<vmem>>
    %dma_start3A_708 = arith.constant 0 : i32
    %dma_start3A_709 = arith.constant 0 : i32
    %dma_start3A_710 = tpu.memref_slice %arg4[%dma_start3A_708, %dma_start3A_709] : memref<131072x1024xf32, #tpu.memory_space<hbm>> -> memref<131072x1024xf32, #tpu.memory_space<hbm>>
    tpu.enqueue_indirect_dma source(%dma_start3A_710 : memref<131072x1024xf32, #tpu.memory_space<hbm>>) target(%dma_start3A_704 : memref<32x1024xf32, #tpu.memory_space<vmem>>) offsets(%dma_start3A_707 : memref<32xi32, #tpu.memory_space<vmem>>) semaphore(%arg16 : memref<!tpu.dma_semaphore, #tpu.memory_space<semaphore_mem>>)
    %dma_wait3A_711 = arith.constant 0 : i32
    %dma_wait3A_712 = arith.constant 2 : i32
    %dma_wait3A_713 = arith.constant 0 : i32
    %dma_wait3A_714 = arith.constant 0 : i32
    %dma_wait3A_715 = tpu.memref_slice %arg13[%dma_wait3A_712, %dma_wait3A_713, %dma_wait3A_714] : memref<3x32x1024xf32, #tpu.memory_space<vmem>> -> memref<1x32x1024xf32, #tpu.memory_space<vmem>>
    %dma_wait3A_716 = tpu.memref_squeeze %dma_wait3A_715 : memref<1x32x1024xf32, #tpu.memory_space<vmem>> -> memref<32x1024xf32, #tpu.memory_space<vmem>>
    %dma_wait3A_717 = arith.constant 64 : i32
    %dma_wait3A_718 = tpu.memref_slice %arg11[%dma_wait3A_711, %dma_wait3A_717] : memref<4x128xi32, #tpu.memory_space<vmem>> -> memref<1x32xi32, #tpu.memory_space<vmem>>
    %dma_wait3A_719 = tpu.memref_squeeze %dma_wait3A_718 : memref<1x32xi32, #tpu.memory_space<vmem>> -> memref<32xi32, #tpu.memory_space<vmem>>
    %dma_wait3A_720 = arith.constant 0 : i32
    %dma_wait3A_721 = arith.constant 0 : i32
    %dma_wait3A_722 = tpu.memref_slice %arg4[%dma_wait3A_720, %dma_wait3A_721] : memref<131072x1024xf32, #tpu.memory_space<hbm>> -> memref<131072x1024xf32, #tpu.memory_space<hbm>>
    tpu.wait_indirect_dma semaphore(%arg17 : memref<!tpu.dma_semaphore, #tpu.memory_space<semaphore_mem>>) src(%dma_wait3A_722 : memref<131072x1024xf32, #tpu.memory_space<hbm>>) dst(%dma_wait3A_716 : memref<32x1024xf32, #tpu.memory_space<vmem>>)
    %add3A_723 = arith.constant 64 : i32
    %add3A_724 = arith.addi %mul3A_2, %add3A_723 : i32
    %dma_start3A_725 = arith.constant 2 : i32
    %dma_start3A_726 = arith.constant 0 : i32
    %dma_start3A_727 = arith.constant 0 : i32
    %dma_start3A_728 = arith.constant 0 : i32
    %dma_start3A_729 = tpu.memref_slice %arg13[%dma_start3A_725, %dma_start3A_727, %dma_start3A_728] : memref<3x32x1024xf32, #tpu.memory_space<vmem>> -> memref<1x32x1024xf32, #tpu.memory_space<vmem>>
    %dma_start3A_730 = tpu.memref_squeeze %dma_start3A_729 : memref<1x32x1024xf32, #tpu.memory_space<vmem>> -> memref<32x1024xf32, #tpu.memory_space<vmem>>
    %dma_start3A_731 = arith.constant 0 : i32
    %dma_start3A_732 = tpu.memref_slice %arg5[%dma_start3A_726, %add3A_724, %dma_start3A_731] : memref<4x4096x1024xf32, #tpu.memory_space<hbm>> -> memref<1x32x1024xf32, #tpu.memory_space<hbm>>
    %dma_start3A_733 = tpu.memref_squeeze %dma_start3A_732 : memref<1x32x1024xf32, #tpu.memory_space<hbm>> -> memref<32x1024xf32, #tpu.memory_space<hbm>>
    %dma_start3A_734 = arith.constant 0 : i32
    %dma_start3A_735 = tpu.memref_slice %arg5[%dma_start3A_726, %add3A_724, %dma_start3A_734] : memref<4x4096x1024xf32, #tpu.memory_space<hbm>> -> memref<1x32x1024xf32, #tpu.memory_space<hbm>>
    %dma_start3A_736 = tpu.memref_squeeze %dma_start3A_735 : memref<1x32x1024xf32, #tpu.memory_space<hbm>> -> memref<32x1024xf32, #tpu.memory_space<hbm>>
    %dma_start3A_737 = arith.constant 0 : i32
    %dma_start3A_738 = arith.constant 0 : i32
    %dma_start3A_739 = tpu.memref_slice %arg13[%dma_start3A_725, %dma_start3A_737, %dma_start3A_738] : memref<3x32x1024xf32, #tpu.memory_space<vmem>> -> memref<1x32x1024xf32, #tpu.memory_space<vmem>>
    %dma_start3A_740 = tpu.memref_squeeze %dma_start3A_739 : memref<1x32x1024xf32, #tpu.memory_space<vmem>> -> memref<32x1024xf32, #tpu.memory_space<vmem>>
    tpu.enqueue_dma source(%dma_start3A_740 : memref<32x1024xf32, #tpu.memory_space<vmem>>) target(%dma_start3A_736 : memref<32x1024xf32, #tpu.memory_space<hbm>>) target_semaphore(%arg21 : memref<!tpu.dma_semaphore, #tpu.memory_space<semaphore_mem>>)
    %dma_wait3A_741 = arith.constant 2 : i32
    %dma_wait3A_742 = arith.constant 0 : i32
    %dma_wait3A_743 = arith.constant 0 : i32
    %dma_wait3A_744 = arith.constant 0 : i32
    %dma_wait3A_745 = tpu.memref_slice %arg13[%dma_wait3A_741, %dma_wait3A_743, %dma_wait3A_744] : memref<3x32x1024xf32, #tpu.memory_space<vmem>> -> memref<1x32x1024xf32, #tpu.memory_space<vmem>>
    %dma_wait3A_746 = tpu.memref_squeeze %dma_wait3A_745 : memref<1x32x1024xf32, #tpu.memory_space<vmem>> -> memref<32x1024xf32, #tpu.memory_space<vmem>>
    %dma_wait3A_747 = arith.constant 0 : i32
    %dma_wait3A_748 = tpu.memref_slice %arg5[%dma_wait3A_742, %add3A_724, %dma_wait3A_747] : memref<4x4096x1024xf32, #tpu.memory_space<hbm>> -> memref<1x32x1024xf32, #tpu.memory_space<hbm>>
    %dma_wait3A_749 = tpu.memref_squeeze %dma_wait3A_748 : memref<1x32x1024xf32, #tpu.memory_space<hbm>> -> memref<32x1024xf32, #tpu.memory_space<hbm>>
    %dma_wait3A_750 = arith.constant 0 : i32
    %dma_wait3A_751 = tpu.memref_slice %arg5[%dma_wait3A_742, %add3A_724, %dma_wait3A_750] : memref<4x4096x1024xf32, #tpu.memory_space<hbm>> -> memref<1x32x1024xf32, #tpu.memory_space<hbm>>
    %dma_wait3A_752 = tpu.memref_squeeze %dma_wait3A_751 : memref<1x32x1024xf32, #tpu.memory_space<hbm>> -> memref<32x1024xf32, #tpu.memory_space<hbm>>
    %dma_wait3A_753 = arith.constant 0 : i32
    %dma_wait3A_754 = arith.constant 0 : i32
    %dma_wait3A_755 = tpu.memref_slice %arg13[%dma_wait3A_741, %dma_wait3A_753, %dma_wait3A_754] : memref<3x32x1024xf32, #tpu.memory_space<vmem>> -> memref<1x32x1024xf32, #tpu.memory_space<vmem>>
    %dma_wait3A_756 = tpu.memref_squeeze %dma_wait3A_755 : memref<1x32x1024xf32, #tpu.memory_space<vmem>> -> memref<32x1024xf32, #tpu.memory_space<vmem>>
    tpu.wait_dma2 semaphore(%arg21 : memref<!tpu.dma_semaphore, #tpu.memory_space<semaphore_mem>>) src(%dma_wait3A_756 : memref<32x1024xf32, #tpu.memory_space<vmem>>) dst(%dma_wait3A_752 : memref<32x1024xf32, #tpu.memory_space<hbm>>)
    %dma_start3A_757 = arith.constant 1 : i32
    %dma_start3A_758 = arith.constant 2 : i32
    %dma_start3A_759 = arith.constant 0 : i32
    %dma_start3A_760 = arith.constant 0 : i32
    %dma_start3A_761 = tpu.memref_slice %arg13[%dma_start3A_758, %dma_start3A_759, %dma_start3A_760] : memref<3x32x1024xf32, #tpu.memory_space<vmem>> -> memref<1x32x1024xf32, #tpu.memory_space<vmem>>
    %dma_start3A_762 = tpu.memref_squeeze %dma_start3A_761 : memref<1x32x1024xf32, #tpu.memory_space<vmem>> -> memref<32x1024xf32, #tpu.memory_space<vmem>>
    %dma_start3A_763 = arith.constant 32 : i32
    %dma_start3A_764 = tpu.memref_slice %arg11[%dma_start3A_757, %dma_start3A_763] : memref<4x128xi32, #tpu.memory_space<vmem>> -> memref<1x32xi32, #tpu.memory_space<vmem>>
    %dma_start3A_765 = tpu.memref_squeeze %dma_start3A_764 : memref<1x32xi32, #tpu.memory_space<vmem>> -> memref<32xi32, #tpu.memory_space<vmem>>
    %dma_start3A_766 = arith.constant 0 : i32
    %dma_start3A_767 = arith.constant 0 : i32
    %dma_start3A_768 = tpu.memref_slice %arg4[%dma_start3A_766, %dma_start3A_767] : memref<131072x1024xf32, #tpu.memory_space<hbm>> -> memref<131072x1024xf32, #tpu.memory_space<hbm>>
    tpu.enqueue_indirect_dma source(%dma_start3A_768 : memref<131072x1024xf32, #tpu.memory_space<hbm>>) target(%dma_start3A_762 : memref<32x1024xf32, #tpu.memory_space<vmem>>) offsets(%dma_start3A_765 : memref<32xi32, #tpu.memory_space<vmem>>) semaphore(%arg17 : memref<!tpu.dma_semaphore, #tpu.memory_space<semaphore_mem>>)
    %dma_wait3A_769 = arith.constant 0 : i32
    %dma_wait3A_770 = arith.constant 0 : i32
    %dma_wait3A_771 = arith.constant 0 : i32
    %dma_wait3A_772 = arith.constant 0 : i32
    %dma_wait3A_773 = tpu.memref_slice %arg13[%dma_wait3A_770, %dma_wait3A_771, %dma_wait3A_772] : memref<3x32x1024xf32, #tpu.memory_space<vmem>> -> memref<1x32x1024xf32, #tpu.memory_space<vmem>>
    %dma_wait3A_774 = tpu.memref_squeeze %dma_wait3A_773 : memref<1x32x1024xf32, #tpu.memory_space<vmem>> -> memref<32x1024xf32, #tpu.memory_space<vmem>>
    %dma_wait3A_775 = arith.constant 96 : i32
    %dma_wait3A_776 = tpu.memref_slice %arg11[%dma_wait3A_769, %dma_wait3A_775] : memref<4x128xi32, #tpu.memory_space<vmem>> -> memref<1x32xi32, #tpu.memory_space<vmem>>
    %dma_wait3A_777 = tpu.memref_squeeze %dma_wait3A_776 : memref<1x32xi32, #tpu.memory_space<vmem>> -> memref<32xi32, #tpu.memory_space<vmem>>
    %dma_wait3A_778 = arith.constant 0 : i32
    %dma_wait3A_779 = arith.constant 0 : i32
    %dma_wait3A_780 = tpu.memref_slice %arg4[%dma_wait3A_778, %dma_wait3A_779] : memref<131072x1024xf32, #tpu.memory_space<hbm>> -> memref<131072x1024xf32, #tpu.memory_space<hbm>>
    tpu.wait_indirect_dma semaphore(%arg15 : memref<!tpu.dma_semaphore, #tpu.memory_space<semaphore_mem>>) src(%dma_wait3A_780 : memref<131072x1024xf32, #tpu.memory_space<hbm>>) dst(%dma_wait3A_774 : memref<32x1024xf32, #tpu.memory_space<vmem>>)
    %add3A_781 = arith.constant 96 : i32
    %add3A_782 = arith.addi %mul3A_2, %add3A_781 : i32
    %dma_start3A_783 = arith.constant 0 : i32
    %dma_start3A_784 = arith.constant 0 : i32
    %dma_start3A_785 = arith.constant 0 : i32
    %dma_start3A_786 = arith.constant 0 : i32
    %dma_start3A_787 = tpu.memref_slice %arg13[%dma_start3A_783, %dma_start3A_785, %dma_start3A_786] : memref<3x32x1024xf32, #tpu.memory_space<vmem>> -> memref<1x32x1024xf32, #tpu.memory_space<vmem>>
    %dma_start3A_788 = tpu.memref_squeeze %dma_start3A_787 : memref<1x32x1024xf32, #tpu.memory_space<vmem>> -> memref<32x1024xf32, #tpu.memory_space<vmem>>
    %dma_start3A_789 = arith.constant 0 : i32
    %dma_start3A_790 = tpu.memref_slice %arg5[%dma_start3A_784, %add3A_782, %dma_start3A_789] : memref<4x4096x1024xf32, #tpu.memory_space<hbm>> -> memref<1x32x1024xf32, #tpu.memory_space<hbm>>
    %dma_start3A_791 = tpu.memref_squeeze %dma_start3A_790 : memref<1x32x1024xf32, #tpu.memory_space<hbm>> -> memref<32x1024xf32, #tpu.memory_space<hbm>>
    %dma_start3A_792 = arith.constant 0 : i32
    %dma_start3A_793 = tpu.memref_slice %arg5[%dma_start3A_784, %add3A_782, %dma_start3A_792] : memref<4x4096x1024xf32, #tpu.memory_space<hbm>> -> memref<1x32x1024xf32, #tpu.memory_space<hbm>>
    %dma_start3A_794 = tpu.memref_squeeze %dma_start3A_793 : memref<1x32x1024xf32, #tpu.memory_space<hbm>> -> memref<32x1024xf32, #tpu.memory_space<hbm>>
    %dma_start3A_795 = arith.constant 0 : i32
    %dma_start3A_796 = arith.constant 0 : i32
    %dma_start3A_797 = tpu.memref_slice %arg13[%dma_start3A_783, %dma_start3A_795, %dma_start3A_796] : memref<3x32x1024xf32, #tpu.memory_space<vmem>> -> memref<1x32x1024xf32, #tpu.memory_space<vmem>>
    %dma_start3A_798 = tpu.memref_squeeze %dma_start3A_797 : memref<1x32x1024xf32, #tpu.memory_space<vmem>> -> memref<32x1024xf32, #tpu.memory_space<vmem>>
    tpu.enqueue_dma source(%dma_start3A_798 : memref<32x1024xf32, #tpu.memory_space<vmem>>) target(%dma_start3A_794 : memref<32x1024xf32, #tpu.memory_space<hbm>>) target_semaphore(%arg19 : memref<!tpu.dma_semaphore, #tpu.memory_space<semaphore_mem>>)
    %dma_wait3A_799 = arith.constant 0 : i32
    %dma_wait3A_800 = arith.constant 0 : i32
    %dma_wait3A_801 = arith.constant 0 : i32
    %dma_wait3A_802 = arith.constant 0 : i32
    %dma_wait3A_803 = tpu.memref_slice %arg13[%dma_wait3A_799, %dma_wait3A_801, %dma_wait3A_802] : memref<3x32x1024xf32, #tpu.memory_space<vmem>> -> memref<1x32x1024xf32, #tpu.memory_space<vmem>>
    %dma_wait3A_804 = tpu.memref_squeeze %dma_wait3A_803 : memref<1x32x1024xf32, #tpu.memory_space<vmem>> -> memref<32x1024xf32, #tpu.memory_space<vmem>>
    %dma_wait3A_805 = arith.constant 0 : i32
    %dma_wait3A_806 = tpu.memref_slice %arg5[%dma_wait3A_800, %add3A_782, %dma_wait3A_805] : memref<4x4096x1024xf32, #tpu.memory_space<hbm>> -> memref<1x32x1024xf32, #tpu.memory_space<hbm>>
    %dma_wait3A_807 = tpu.memref_squeeze %dma_wait3A_806 : memref<1x32x1024xf32, #tpu.memory_space<hbm>> -> memref<32x1024xf32, #tpu.memory_space<hbm>>
    %dma_wait3A_808 = arith.constant 0 : i32
    %dma_wait3A_809 = tpu.memref_slice %arg5[%dma_wait3A_800, %add3A_782, %dma_wait3A_808] : memref<4x4096x1024xf32, #tpu.memory_space<hbm>> -> memref<1x32x1024xf32, #tpu.memory_space<hbm>>
    %dma_wait3A_810 = tpu.memref_squeeze %dma_wait3A_809 : memref<1x32x1024xf32, #tpu.memory_space<hbm>> -> memref<32x1024xf32, #tpu.memory_space<hbm>>
    %dma_wait3A_811 = arith.constant 0 : i32
    %dma_wait3A_812 = arith.constant 0 : i32
    %dma_wait3A_813 = tpu.memref_slice %arg13[%dma_wait3A_799, %dma_wait3A_811, %dma_wait3A_812] : memref<3x32x1024xf32, #tpu.memory_space<vmem>> -> memref<1x32x1024xf32, #tpu.memory_space<vmem>>
    %dma_wait3A_814 = tpu.memref_squeeze %dma_wait3A_813 : memref<1x32x1024xf32, #tpu.memory_space<vmem>> -> memref<32x1024xf32, #tpu.memory_space<vmem>>
    tpu.wait_dma2 semaphore(%arg19 : memref<!tpu.dma_semaphore, #tpu.memory_space<semaphore_mem>>) src(%dma_wait3A_814 : memref<32x1024xf32, #tpu.memory_space<vmem>>) dst(%dma_wait3A_810 : memref<32x1024xf32, #tpu.memory_space<hbm>>)
    %dma_start3A_815 = arith.constant 1 : i32
    %dma_start3A_816 = arith.constant 0 : i32
    %dma_start3A_817 = arith.constant 0 : i32
    %dma_start3A_818 = arith.constant 0 : i32
    %dma_start3A_819 = tpu.memref_slice %arg13[%dma_start3A_816, %dma_start3A_817, %dma_start3A_818] : memref<3x32x1024xf32, #tpu.memory_space<vmem>> -> memref<1x32x1024xf32, #tpu.memory_space<vmem>>
    %dma_start3A_820 = tpu.memref_squeeze %dma_start3A_819 : memref<1x32x1024xf32, #tpu.memory_space<vmem>> -> memref<32x1024xf32, #tpu.memory_space<vmem>>
    %dma_start3A_821 = arith.constant 64 : i32
    %dma_start3A_822 = tpu.memref_slice %arg11[%dma_start3A_815, %dma_start3A_821] : memref<4x128xi32, #tpu.memory_space<vmem>> -> memref<1x32xi32, #tpu.memory_space<vmem>>
    %dma_start3A_823 = tpu.memref_squeeze %dma_start3A_822 : memref<1x32xi32, #tpu.memory_space<vmem>> -> memref<32xi32, #tpu.memory_space<vmem>>
    %dma_start3A_824 = arith.constant 0 : i32
    %dma_start3A_825 = arith.constant 0 : i32
    %dma_start3A_826 = tpu.memref_slice %arg4[%dma_start3A_824, %dma_start3A_825] : memref<131072x1024xf32, #tpu.memory_space<hbm>> -> memref<131072x1024xf32, #tpu.memory_space<hbm>>
    tpu.enqueue_indirect_dma source(%dma_start3A_826 : memref<131072x1024xf32, #tpu.memory_space<hbm>>) target(%dma_start3A_820 : memref<32x1024xf32, #tpu.memory_space<vmem>>) offsets(%dma_start3A_823 : memref<32xi32, #tpu.memory_space<vmem>>) semaphore(%arg15 : memref<!tpu.dma_semaphore, #tpu.memory_space<semaphore_mem>>)
    %dma_wait3A_827 = arith.constant 1 : i32
    %dma_wait3A_828 = arith.constant 1 : i32
    %dma_wait3A_829 = arith.constant 0 : i32
    %dma_wait3A_830 = arith.constant 0 : i32
    %dma_wait3A_831 = tpu.memref_slice %arg13[%dma_wait3A_828, %dma_wait3A_829, %dma_wait3A_830] : memref<3x32x1024xf32, #tpu.memory_space<vmem>> -> memref<1x32x1024xf32, #tpu.memory_space<vmem>>
    %dma_wait3A_832 = tpu.memref_squeeze %dma_wait3A_831 : memref<1x32x1024xf32, #tpu.memory_space<vmem>> -> memref<32x1024xf32, #tpu.memory_space<vmem>>
    %dma_wait3A_833 = arith.constant 0 : i32
    %dma_wait3A_834 = tpu.memref_slice %arg11[%dma_wait3A_827, %dma_wait3A_833] : memref<4x128xi32, #tpu.memory_space<vmem>> -> memref<1x32xi32, #tpu.memory_space<vmem>>
    %dma_wait3A_835 = tpu.memref_squeeze %dma_wait3A_834 : memref<1x32xi32, #tpu.memory_space<vmem>> -> memref<32xi32, #tpu.memory_space<vmem>>
    %dma_wait3A_836 = arith.constant 0 : i32
    %dma_wait3A_837 = arith.constant 0 : i32
    %dma_wait3A_838 = tpu.memref_slice %arg4[%dma_wait3A_836, %dma_wait3A_837] : memref<131072x1024xf32, #tpu.memory_space<hbm>> -> memref<131072x1024xf32, #tpu.memory_space<hbm>>
    tpu.wait_indirect_dma semaphore(%arg16 : memref<!tpu.dma_semaphore, #tpu.memory_space<semaphore_mem>>) src(%dma_wait3A_838 : memref<131072x1024xf32, #tpu.memory_space<hbm>>) dst(%dma_wait3A_832 : memref<32x1024xf32, #tpu.memory_space<vmem>>)
    %add3A_839 = arith.constant 0 : i32
    %add3A_840 = arith.addi %mul3A_2, %add3A_839 : i32
    %dma_start3A_841 = arith.constant 1 : i32
    %dma_start3A_842 = arith.constant 1 : i32
    %dma_start3A_843 = arith.constant 0 : i32
    %dma_start3A_844 = arith.constant 0 : i32
    %dma_start3A_845 = tpu.memref_slice %arg13[%dma_start3A_841, %dma_start3A_843, %dma_start3A_844] : memref<3x32x1024xf32, #tpu.memory_space<vmem>> -> memref<1x32x1024xf32, #tpu.memory_space<vmem>>
    %dma_start3A_846 = tpu.memref_squeeze %dma_start3A_845 : memref<1x32x1024xf32, #tpu.memory_space<vmem>> -> memref<32x1024xf32, #tpu.memory_space<vmem>>
    %dma_start3A_847 = arith.constant 0 : i32
    %dma_start3A_848 = tpu.memref_slice %arg5[%dma_start3A_842, %add3A_840, %dma_start3A_847] : memref<4x4096x1024xf32, #tpu.memory_space<hbm>> -> memref<1x32x1024xf32, #tpu.memory_space<hbm>>
    %dma_start3A_849 = tpu.memref_squeeze %dma_start3A_848 : memref<1x32x1024xf32, #tpu.memory_space<hbm>> -> memref<32x1024xf32, #tpu.memory_space<hbm>>
    %dma_start3A_850 = arith.constant 0 : i32
    %dma_start3A_851 = tpu.memref_slice %arg5[%dma_start3A_842, %add3A_840, %dma_start3A_850] : memref<4x4096x1024xf32, #tpu.memory_space<hbm>> -> memref<1x32x1024xf32, #tpu.memory_space<hbm>>
    %dma_start3A_852 = tpu.memref_squeeze %dma_start3A_851 : memref<1x32x1024xf32, #tpu.memory_space<hbm>> -> memref<32x1024xf32, #tpu.memory_space<hbm>>
    %dma_start3A_853 = arith.constant 0 : i32
    %dma_start3A_854 = arith.constant 0 : i32
    %dma_start3A_855 = tpu.memref_slice %arg13[%dma_start3A_841, %dma_start3A_853, %dma_start3A_854] : memref<3x32x1024xf32, #tpu.memory_space<vmem>> -> memref<1x32x1024xf32, #tpu.memory_space<vmem>>
    %dma_start3A_856 = tpu.memref_squeeze %dma_start3A_855 : memref<1x32x1024xf32, #tpu.memory_space<vmem>> -> memref<32x1024xf32, #tpu.memory_space<vmem>>
    tpu.enqueue_dma source(%dma_start3A_856 : memref<32x1024xf32, #tpu.memory_space<vmem>>) target(%dma_start3A_852 : memref<32x1024xf32, #tpu.memory_space<hbm>>) target_semaphore(%arg20 : memref<!tpu.dma_semaphore, #tpu.memory_space<semaphore_mem>>)
    %dma_wait3A_857 = arith.constant 1 : i32
    %dma_wait3A_858 = arith.constant 1 : i32
    %dma_wait3A_859 = arith.constant 0 : i32
    %dma_wait3A_860 = arith.constant 0 : i32
    %dma_wait3A_861 = tpu.memref_slice %arg13[%dma_wait3A_857, %dma_wait3A_859, %dma_wait3A_860] : memref<3x32x1024xf32, #tpu.memory_space<vmem>> -> memref<1x32x1024xf32, #tpu.memory_space<vmem>>
    %dma_wait3A_862 = tpu.memref_squeeze %dma_wait3A_861 : memref<1x32x1024xf32, #tpu.memory_space<vmem>> -> memref<32x1024xf32, #tpu.memory_space<vmem>>
    %dma_wait3A_863 = arith.constant 0 : i32
    %dma_wait3A_864 = tpu.memref_slice %arg5[%dma_wait3A_858, %add3A_840, %dma_wait3A_863] : memref<4x4096x1024xf32, #tpu.memory_space<hbm>> -> memref<1x32x1024xf32, #tpu.memory_space<hbm>>
    %dma_wait3A_865 = tpu.memref_squeeze %dma_wait3A_864 : memref<1x32x1024xf32, #tpu.memory_space<hbm>> -> memref<32x1024xf32, #tpu.memory_space<hbm>>
    %dma_wait3A_866 = arith.constant 0 : i32
    %dma_wait3A_867 = tpu.memref_slice %arg5[%dma_wait3A_858, %add3A_840, %dma_wait3A_866] : memref<4x4096x1024xf32, #tpu.memory_space<hbm>> -> memref<1x32x1024xf32, #tpu.memory_space<hbm>>
    %dma_wait3A_868 = tpu.memref_squeeze %dma_wait3A_867 : memref<1x32x1024xf32, #tpu.memory_space<hbm>> -> memref<32x1024xf32, #tpu.memory_space<hbm>>
    %dma_wait3A_869 = arith.constant 0 : i32
    %dma_wait3A_870 = arith.constant 0 : i32
    %dma_wait3A_871 = tpu.memref_slice %arg13[%dma_wait3A_857, %dma_wait3A_869, %dma_wait3A_870] : memref<3x32x1024xf32, #tpu.memory_space<vmem>> -> memref<1x32x1024xf32, #tpu.memory_space<vmem>>
    %dma_wait3A_872 = tpu.memref_squeeze %dma_wait3A_871 : memref<1x32x1024xf32, #tpu.memory_space<vmem>> -> memref<32x1024xf32, #tpu.memory_space<vmem>>
    tpu.wait_dma2 semaphore(%arg20 : memref<!tpu.dma_semaphore, #tpu.memory_space<semaphore_mem>>) src(%dma_wait3A_872 : memref<32x1024xf32, #tpu.memory_space<vmem>>) dst(%dma_wait3A_868 : memref<32x1024xf32, #tpu.memory_space<hbm>>)
    %dma_start3A_873 = arith.constant 1 : i32
    %dma_start3A_874 = arith.constant 1 : i32
    %dma_start3A_875 = arith.constant 0 : i32
    %dma_start3A_876 = arith.constant 0 : i32
    %dma_start3A_877 = tpu.memref_slice %arg13[%dma_start3A_874, %dma_start3A_875, %dma_start3A_876] : memref<3x32x1024xf32, #tpu.memory_space<vmem>> -> memref<1x32x1024xf32, #tpu.memory_space<vmem>>
    %dma_start3A_878 = tpu.memref_squeeze %dma_start3A_877 : memref<1x32x1024xf32, #tpu.memory_space<vmem>> -> memref<32x1024xf32, #tpu.memory_space<vmem>>
    %dma_start3A_879 = arith.constant 96 : i32
    %dma_start3A_880 = tpu.memref_slice %arg11[%dma_start3A_873, %dma_start3A_879] : memref<4x128xi32, #tpu.memory_space<vmem>> -> memref<1x32xi32, #tpu.memory_space<vmem>>
    %dma_start3A_881 = tpu.memref_squeeze %dma_start3A_880 : memref<1x32xi32, #tpu.memory_space<vmem>> -> memref<32xi32, #tpu.memory_space<vmem>>
    %dma_start3A_882 = arith.constant 0 : i32
    %dma_start3A_883 = arith.constant 0 : i32
    %dma_start3A_884 = tpu.memref_slice %arg4[%dma_start3A_882, %dma_start3A_883] : memref<131072x1024xf32, #tpu.memory_space<hbm>> -> memref<131072x1024xf32, #tpu.memory_space<hbm>>
    tpu.enqueue_indirect_dma source(%dma_start3A_884 : memref<131072x1024xf32, #tpu.memory_space<hbm>>) target(%dma_start3A_878 : memref<32x1024xf32, #tpu.memory_space<vmem>>) offsets(%dma_start3A_881 : memref<32xi32, #tpu.memory_space<vmem>>) semaphore(%arg16 : memref<!tpu.dma_semaphore, #tpu.memory_space<semaphore_mem>>)
    %dma_wait3A_885 = arith.constant 1 : i32
    %dma_wait3A_886 = arith.constant 2 : i32
    %dma_wait3A_887 = arith.constant 0 : i32
    %dma_wait3A_888 = arith.constant 0 : i32
    %dma_wait3A_889 = tpu.memref_slice %arg13[%dma_wait3A_886, %dma_wait3A_887, %dma_wait3A_888] : memref<3x32x1024xf32, #tpu.memory_space<vmem>> -> memref<1x32x1024xf32, #tpu.memory_space<vmem>>
    %dma_wait3A_890 = tpu.memref_squeeze %dma_wait3A_889 : memref<1x32x1024xf32, #tpu.memory_space<vmem>> -> memref<32x1024xf32, #tpu.memory_space<vmem>>
    %dma_wait3A_891 = arith.constant 32 : i32
    %dma_wait3A_892 = tpu.memref_slice %arg11[%dma_wait3A_885, %dma_wait3A_891] : memref<4x128xi32, #tpu.memory_space<vmem>> -> memref<1x32xi32, #tpu.memory_space<vmem>>
    %dma_wait3A_893 = tpu.memref_squeeze %dma_wait3A_892 : memref<1x32xi32, #tpu.memory_space<vmem>> -> memref<32xi32, #tpu.memory_space<vmem>>
    %dma_wait3A_894 = arith.constant 0 : i32
    %dma_wait3A_895 = arith.constant 0 : i32
    %dma_wait3A_896 = tpu.memref_slice %arg4[%dma_wait3A_894, %dma_wait3A_895] : memref<131072x1024xf32, #tpu.memory_space<hbm>> -> memref<131072x1024xf32, #tpu.memory_space<hbm>>
    tpu.wait_indirect_dma semaphore(%arg17 : memref<!tpu.dma_semaphore, #tpu.memory_space<semaphore_mem>>) src(%dma_wait3A_896 : memref<131072x1024xf32, #tpu.memory_space<hbm>>) dst(%dma_wait3A_890 : memref<32x1024xf32, #tpu.memory_space<vmem>>)
    %add3A_897 = arith.constant 32 : i32
    %add3A_898 = arith.addi %mul3A_2, %add3A_897 : i32
    %dma_start3A_899 = arith.constant 2 : i32
    %dma_start3A_900 = arith.constant 1 : i32
    %dma_start3A_901 = arith.constant 0 : i32
    %dma_start3A_902 = arith.constant 0 : i32
    %dma_start3A_903 = tpu.memref_slice %arg13[%dma_start3A_899, %dma_start3A_901, %dma_start3A_902] : memref<3x32x1024xf32, #tpu.memory_space<vmem>> -> memref<1x32x1024xf32, #tpu.memory_space<vmem>>
    %dma_start3A_904 = tpu.memref_squeeze %dma_start3A_903 : memref<1x32x1024xf32, #tpu.memory_space<vmem>> -> memref<32x1024xf32, #tpu.memory_space<vmem>>
    %dma_start3A_905 = arith.constant 0 : i32
    %dma_start3A_906 = tpu.memref_slice %arg5[%dma_start3A_900, %add3A_898, %dma_start3A_905] : memref<4x4096x1024xf32, #tpu.memory_space<hbm>> -> memref<1x32x1024xf32, #tpu.memory_space<hbm>>
    %dma_start3A_907 = tpu.memref_squeeze %dma_start3A_906 : memref<1x32x1024xf32, #tpu.memory_space<hbm>> -> memref<32x1024xf32, #tpu.memory_space<hbm>>
    %dma_start3A_908 = arith.constant 0 : i32
    %dma_start3A_909 = tpu.memref_slice %arg5[%dma_start3A_900, %add3A_898, %dma_start3A_908] : memref<4x4096x1024xf32, #tpu.memory_space<hbm>> -> memref<1x32x1024xf32, #tpu.memory_space<hbm>>
    %dma_start3A_910 = tpu.memref_squeeze %dma_start3A_909 : memref<1x32x1024xf32, #tpu.memory_space<hbm>> -> memref<32x1024xf32, #tpu.memory_space<hbm>>
    %dma_start3A_911 = arith.constant 0 : i32
    %dma_start3A_912 = arith.constant 0 : i32
    %dma_start3A_913 = tpu.memref_slice %arg13[%dma_start3A_899, %dma_start3A_911, %dma_start3A_912] : memref<3x32x1024xf32, #tpu.memory_space<vmem>> -> memref<1x32x1024xf32, #tpu.memory_space<vmem>>
    %dma_start3A_914 = tpu.memref_squeeze %dma_start3A_913 : memref<1x32x1024xf32, #tpu.memory_space<vmem>> -> memref<32x1024xf32, #tpu.memory_space<vmem>>
    tpu.enqueue_dma source(%dma_start3A_914 : memref<32x1024xf32, #tpu.memory_space<vmem>>) target(%dma_start3A_910 : memref<32x1024xf32, #tpu.memory_space<hbm>>) target_semaphore(%arg21 : memref<!tpu.dma_semaphore, #tpu.memory_space<semaphore_mem>>)
    %dma_wait3A_915 = arith.constant 2 : i32
    %dma_wait3A_916 = arith.constant 1 : i32
    %dma_wait3A_917 = arith.constant 0 : i32
    %dma_wait3A_918 = arith.constant 0 : i32
    %dma_wait3A_919 = tpu.memref_slice %arg13[%dma_wait3A_915, %dma_wait3A_917, %dma_wait3A_918] : memref<3x32x1024xf32, #tpu.memory_space<vmem>> -> memref<1x32x1024xf32, #tpu.memory_space<vmem>>
    %dma_wait3A_920 = tpu.memref_squeeze %dma_wait3A_919 : memref<1x32x1024xf32, #tpu.memory_space<vmem>> -> memref<32x1024xf32, #tpu.memory_space<vmem>>
    %dma_wait3A_921 = arith.constant 0 : i32
    %dma_wait3A_922 = tpu.memref_slice %arg5[%dma_wait3A_916, %add3A_898, %dma_wait3A_921] : memref<4x4096x1024xf32, #tpu.memory_space<hbm>> -> memref<1x32x1024xf32, #tpu.memory_space<hbm>>
    %dma_wait3A_923 = tpu.memref_squeeze %dma_wait3A_922 : memref<1x32x1024xf32, #tpu.memory_space<hbm>> -> memref<32x1024xf32, #tpu.memory_space<hbm>>
    %dma_wait3A_924 = arith.constant 0 : i32
    %dma_wait3A_925 = tpu.memref_slice %arg5[%dma_wait3A_916, %add3A_898, %dma_wait3A_924] : memref<4x4096x1024xf32, #tpu.memory_space<hbm>> -> memref<1x32x1024xf32, #tpu.memory_space<hbm>>
    %dma_wait3A_926 = tpu.memref_squeeze %dma_wait3A_925 : memref<1x32x1024xf32, #tpu.memory_space<hbm>> -> memref<32x1024xf32, #tpu.memory_space<hbm>>
    %dma_wait3A_927 = arith.constant 0 : i32
    %dma_wait3A_928 = arith.constant 0 : i32
    %dma_wait3A_929 = tpu.memref_slice %arg13[%dma_wait3A_915, %dma_wait3A_927, %dma_wait3A_928] : memref<3x32x1024xf32, #tpu.memory_space<vmem>> -> memref<1x32x1024xf32, #tpu.memory_space<vmem>>
    %dma_wait3A_930 = tpu.memref_squeeze %dma_wait3A_929 : memref<1x32x1024xf32, #tpu.memory_space<vmem>> -> memref<32x1024xf32, #tpu.memory_space<vmem>>
    tpu.wait_dma2 semaphore(%arg21 : memref<!tpu.dma_semaphore, #tpu.memory_space<semaphore_mem>>) src(%dma_wait3A_930 : memref<32x1024xf32, #tpu.memory_space<vmem>>) dst(%dma_wait3A_926 : memref<32x1024xf32, #tpu.memory_space<hbm>>)
    %dma_start3A_931 = arith.constant 2 : i32
    %dma_start3A_932 = arith.constant 2 : i32
    %dma_start3A_933 = arith.constant 0 : i32
    %dma_start3A_934 = arith.constant 0 : i32
    %dma_start3A_935 = tpu.memref_slice %arg13[%dma_start3A_932, %dma_start3A_933, %dma_start3A_934] : memref<3x32x1024xf32, #tpu.memory_space<vmem>> -> memref<1x32x1024xf32, #tpu.memory_space<vmem>>
    %dma_start3A_936 = tpu.memref_squeeze %dma_start3A_935 : memref<1x32x1024xf32, #tpu.memory_space<vmem>> -> memref<32x1024xf32, #tpu.memory_space<vmem>>
    %dma_start3A_937 = arith.constant 0 : i32
    %dma_start3A_938 = tpu.memref_slice %arg11[%dma_start3A_931, %dma_start3A_937] : memref<4x128xi32, #tpu.memory_space<vmem>> -> memref<1x32xi32, #tpu.memory_space<vmem>>
    %dma_start3A_939 = tpu.memref_squeeze %dma_start3A_938 : memref<1x32xi32, #tpu.memory_space<vmem>> -> memref<32xi32, #tpu.memory_space<vmem>>
    %dma_start3A_940 = arith.constant 0 : i32
    %dma_start3A_941 = arith.constant 0 : i32
    %dma_start3A_942 = tpu.memref_slice %arg4[%dma_start3A_940, %dma_start3A_941] : memref<131072x1024xf32, #tpu.memory_space<hbm>> -> memref<131072x1024xf32, #tpu.memory_space<hbm>>
    tpu.enqueue_indirect_dma source(%dma_start3A_942 : memref<131072x1024xf32, #tpu.memory_space<hbm>>) target(%dma_start3A_936 : memref<32x1024xf32, #tpu.memory_space<vmem>>) offsets(%dma_start3A_939 : memref<32xi32, #tpu.memory_space<vmem>>) semaphore(%arg17 : memref<!tpu.dma_semaphore, #tpu.memory_space<semaphore_mem>>)
    %dma_wait3A_943 = arith.constant 1 : i32
    %dma_wait3A_944 = arith.constant 0 : i32
    %dma_wait3A_945 = arith.constant 0 : i32
    %dma_wait3A_946 = arith.constant 0 : i32
    %dma_wait3A_947 = tpu.memref_slice %arg13[%dma_wait3A_944, %dma_wait3A_945, %dma_wait3A_946] : memref<3x32x1024xf32, #tpu.memory_space<vmem>> -> memref<1x32x1024xf32, #tpu.memory_space<vmem>>
    %dma_wait3A_948 = tpu.memref_squeeze %dma_wait3A_947 : memref<1x32x1024xf32, #tpu.memory_space<vmem>> -> memref<32x1024xf32, #tpu.memory_space<vmem>>
    %dma_wait3A_949 = arith.constant 64 : i32
    %dma_wait3A_950 = tpu.memref_slice %arg11[%dma_wait3A_943, %dma_wait3A_949] : memref<4x128xi32, #tpu.memory_space<vmem>> -> memref<1x32xi32, #tpu.memory_space<vmem>>
    %dma_wait3A_951 = tpu.memref_squeeze %dma_wait3A_950 : memref<1x32xi32, #tpu.memory_space<vmem>> -> memref<32xi32, #tpu.memory_space<vmem>>
    %dma_wait3A_952 = arith.constant 0 : i32
    %dma_wait3A_953 = arith.constant 0 : i32
    %dma_wait3A_954 = tpu.memref_slice %arg4[%dma_wait3A_952, %dma_wait3A_953] : memref<131072x1024xf32, #tpu.memory_space<hbm>> -> memref<131072x1024xf32, #tpu.memory_space<hbm>>
    tpu.wait_indirect_dma semaphore(%arg15 : memref<!tpu.dma_semaphore, #tpu.memory_space<semaphore_mem>>) src(%dma_wait3A_954 : memref<131072x1024xf32, #tpu.memory_space<hbm>>) dst(%dma_wait3A_948 : memref<32x1024xf32, #tpu.memory_space<vmem>>)
    %add3A_955 = arith.constant 64 : i32
    %add3A_956 = arith.addi %mul3A_2, %add3A_955 : i32
    %dma_start3A_957 = arith.constant 0 : i32
    %dma_start3A_958 = arith.constant 1 : i32
    %dma_start3A_959 = arith.constant 0 : i32
    %dma_start3A_960 = arith.constant 0 : i32
    %dma_start3A_961 = tpu.memref_slice %arg13[%dma_start3A_957, %dma_start3A_959, %dma_start3A_960] : memref<3x32x1024xf32, #tpu.memory_space<vmem>> -> memref<1x32x1024xf32, #tpu.memory_space<vmem>>
    %dma_start3A_962 = tpu.memref_squeeze %dma_start3A_961 : memref<1x32x1024xf32, #tpu.memory_space<vmem>> -> memref<32x1024xf32, #tpu.memory_space<vmem>>
    %dma_start3A_963 = arith.constant 0 : i32
    %dma_start3A_964 = tpu.memref_slice %arg5[%dma_start3A_958, %add3A_956, %dma_start3A_963] : memref<4x4096x1024xf32, #tpu.memory_space<hbm>> -> memref<1x32x1024xf32, #tpu.memory_space<hbm>>
    %dma_start3A_965 = tpu.memref_squeeze %dma_start3A_964 : memref<1x32x1024xf32, #tpu.memory_space<hbm>> -> memref<32x1024xf32, #tpu.memory_space<hbm>>
    %dma_start3A_966 = arith.constant 0 : i32
    %dma_start3A_967 = tpu.memref_slice %arg5[%dma_start3A_958, %add3A_956, %dma_start3A_966] : memref<4x4096x1024xf32, #tpu.memory_space<hbm>> -> memref<1x32x1024xf32, #tpu.memory_space<hbm>>
    %dma_start3A_968 = tpu.memref_squeeze %dma_start3A_967 : memref<1x32x1024xf32, #tpu.memory_space<hbm>> -> memref<32x1024xf32, #tpu.memory_space<hbm>>
    %dma_start3A_969 = arith.constant 0 : i32
    %dma_start3A_970 = arith.constant 0 : i32
    %dma_start3A_971 = tpu.memref_slice %arg13[%dma_start3A_957, %dma_start3A_969, %dma_start3A_970] : memref<3x32x1024xf32, #tpu.memory_space<vmem>> -> memref<1x32x1024xf32, #tpu.memory_space<vmem>>
    %dma_start3A_972 = tpu.memref_squeeze %dma_start3A_971 : memref<1x32x1024xf32, #tpu.memory_space<vmem>> -> memref<32x1024xf32, #tpu.memory_space<vmem>>
    tpu.enqueue_dma source(%dma_start3A_972 : memref<32x1024xf32, #tpu.memory_space<vmem>>) target(%dma_start3A_968 : memref<32x1024xf32, #tpu.memory_space<hbm>>) target_semaphore(%arg19 : memref<!tpu.dma_semaphore, #tpu.memory_space<semaphore_mem>>)
    %dma_wait3A_973 = arith.constant 0 : i32
    %dma_wait3A_974 = arith.constant 1 : i32
    %dma_wait3A_975 = arith.constant 0 : i32
    %dma_wait3A_976 = arith.constant 0 : i32
    %dma_wait3A_977 = tpu.memref_slice %arg13[%dma_wait3A_973, %dma_wait3A_975, %dma_wait3A_976] : memref<3x32x1024xf32, #tpu.memory_space<vmem>> -> memref<1x32x1024xf32, #tpu.memory_space<vmem>>
    %dma_wait3A_978 = tpu.memref_squeeze %dma_wait3A_977 : memref<1x32x1024xf32, #tpu.memory_space<vmem>> -> memref<32x1024xf32, #tpu.memory_space<vmem>>
    %dma_wait3A_979 = arith.constant 0 : i32
    %dma_wait3A_980 = tpu.memref_slice %arg5[%dma_wait3A_974, %add3A_956, %dma_wait3A_979] : memref<4x4096x1024xf32, #tpu.memory_space<hbm>> -> memref<1x32x1024xf32, #tpu.memory_space<hbm>>
    %dma_wait3A_981 = tpu.memref_squeeze %dma_wait3A_980 : memref<1x32x1024xf32, #tpu.memory_space<hbm>> -> memref<32x1024xf32, #tpu.memory_space<hbm>>
    %dma_wait3A_982 = arith.constant 0 : i32
    %dma_wait3A_983 = tpu.memref_slice %arg5[%dma_wait3A_974, %add3A_956, %dma_wait3A_982] : memref<4x4096x1024xf32, #tpu.memory_space<hbm>> -> memref<1x32x1024xf32, #tpu.memory_space<hbm>>
    %dma_wait3A_984 = tpu.memref_squeeze %dma_wait3A_983 : memref<1x32x1024xf32, #tpu.memory_space<hbm>> -> memref<32x1024xf32, #tpu.memory_space<hbm>>
    %dma_wait3A_985 = arith.constant 0 : i32
    %dma_wait3A_986 = arith.constant 0 : i32
    %dma_wait3A_987 = tpu.memref_slice %arg13[%dma_wait3A_973, %dma_wait3A_985, %dma_wait3A_986] : memref<3x32x1024xf32, #tpu.memory_space<vmem>> -> memref<1x32x1024xf32, #tpu.memory_space<vmem>>
    %dma_wait3A_988 = tpu.memref_squeeze %dma_wait3A_987 : memref<1x32x1024xf32, #tpu.memory_space<vmem>> -> memref<32x1024xf32, #tpu.memory_space<vmem>>
    tpu.wait_dma2 semaphore(%arg19 : memref<!tpu.dma_semaphore, #tpu.memory_space<semaphore_mem>>) src(%dma_wait3A_988 : memref<32x1024xf32, #tpu.memory_space<vmem>>) dst(%dma_wait3A_984 : memref<32x1024xf32, #tpu.memory_space<hbm>>)
    %dma_start3A_989 = arith.constant 2 : i32
    %dma_start3A_990 = arith.constant 0 : i32
    %dma_start3A_991 = arith.constant 0 : i32
    %dma_start3A_992 = arith.constant 0 : i32
    %dma_start3A_993 = tpu.memref_slice %arg13[%dma_start3A_990, %dma_start3A_991, %dma_start3A_992] : memref<3x32x1024xf32, #tpu.memory_space<vmem>> -> memref<1x32x1024xf32, #tpu.memory_space<vmem>>
    %dma_start3A_994 = tpu.memref_squeeze %dma_start3A_993 : memref<1x32x1024xf32, #tpu.memory_space<vmem>> -> memref<32x1024xf32, #tpu.memory_space<vmem>>
    %dma_start3A_995 = arith.constant 32 : i32
    %dma_start3A_996 = tpu.memref_slice %arg11[%dma_start3A_989, %dma_start3A_995] : memref<4x128xi32, #tpu.memory_space<vmem>> -> memref<1x32xi32, #tpu.memory_space<vmem>>
    %dma_start3A_997 = tpu.memref_squeeze %dma_start3A_996 : memref<1x32xi32, #tpu.memory_space<vmem>> -> memref<32xi32, #tpu.memory_space<vmem>>
    %dma_start3A_998 = arith.constant 0 : i32
    %dma_start3A_999 = arith.constant 0 : i32
    %dma_start3A_1000 = tpu.memref_slice %arg4[%dma_start3A_998, %dma_start3A_999] : memref<131072x1024xf32, #tpu.memory_space<hbm>> -> memref<131072x1024xf32, #tpu.memory_space<hbm>>
    tpu.enqueue_indirect_dma source(%dma_start3A_1000 : memref<131072x1024xf32, #tpu.memory_space<hbm>>) target(%dma_start3A_994 : memref<32x1024xf32, #tpu.memory_space<vmem>>) offsets(%dma_start3A_997 : memref<32xi32, #tpu.memory_space<vmem>>) semaphore(%arg15 : memref<!tpu.dma_semaphore, #tpu.memory_space<semaphore_mem>>)
    %dma_wait3A_1001 = arith.constant 1 : i32
    %dma_wait3A_1002 = arith.constant 1 : i32
    %dma_wait3A_1003 = arith.constant 0 : i32
    %dma_wait3A_1004 = arith.constant 0 : i32
    %dma_wait3A_1005 = tpu.memref_slice %arg13[%dma_wait3A_1002, %dma_wait3A_1003, %dma_wait3A_1004] : memref<3x32x1024xf32, #tpu.memory_space<vmem>> -> memref<1x32x1024xf32, #tpu.memory_space<vmem>>
    %dma_wait3A_1006 = tpu.memref_squeeze %dma_wait3A_1005 : memref<1x32x1024xf32, #tpu.memory_space<vmem>> -> memref<32x1024xf32, #tpu.memory_space<vmem>>
    %dma_wait3A_1007 = arith.constant 96 : i32
    %dma_wait3A_1008 = tpu.memref_slice %arg11[%dma_wait3A_1001, %dma_wait3A_1007] : memref<4x128xi32, #tpu.memory_space<vmem>> -> memref<1x32xi32, #tpu.memory_space<vmem>>
    %dma_wait3A_1009 = tpu.memref_squeeze %dma_wait3A_1008 : memref<1x32xi32, #tpu.memory_space<vmem>> -> memref<32xi32, #tpu.memory_space<vmem>>
    %dma_wait3A_1010 = arith.constant 0 : i32
    %dma_wait3A_1011 = arith.constant 0 : i32
    %dma_wait3A_1012 = tpu.memref_slice %arg4[%dma_wait3A_1010, %dma_wait3A_1011] : memref<131072x1024xf32, #tpu.memory_space<hbm>> -> memref<131072x1024xf32, #tpu.memory_space<hbm>>
    tpu.wait_indirect_dma semaphore(%arg16 : memref<!tpu.dma_semaphore, #tpu.memory_space<semaphore_mem>>) src(%dma_wait3A_1012 : memref<131072x1024xf32, #tpu.memory_space<hbm>>) dst(%dma_wait3A_1006 : memref<32x1024xf32, #tpu.memory_space<vmem>>)
    %add3A_1013 = arith.constant 96 : i32
    %add3A_1014 = arith.addi %mul3A_2, %add3A_1013 : i32
    %dma_start3A_1015 = arith.constant 1 : i32
    %dma_start3A_1016 = arith.constant 1 : i32
    %dma_start3A_1017 = arith.constant 0 : i32
    %dma_start3A_1018 = arith.constant 0 : i32
    %dma_start3A_1019 = tpu.memref_slice %arg13[%dma_start3A_1015, %dma_start3A_1017, %dma_start3A_1018] : memref<3x32x1024xf32, #tpu.memory_space<vmem>> -> memref<1x32x1024xf32, #tpu.memory_space<vmem>>
    %dma_start3A_1020 = tpu.memref_squeeze %dma_start3A_1019 : memref<1x32x1024xf32, #tpu.memory_space<vmem>> -> memref<32x1024xf32, #tpu.memory_space<vmem>>
    %dma_start3A_1021 = arith.constant 0 : i32
    %dma_start3A_1022 = tpu.memref_slice %arg5[%dma_start3A_1016, %add3A_1014, %dma_start3A_1021] : memref<4x4096x1024xf32, #tpu.memory_space<hbm>> -> memref<1x32x1024xf32, #tpu.memory_space<hbm>>
    %dma_start3A_1023 = tpu.memref_squeeze %dma_start3A_1022 : memref<1x32x1024xf32, #tpu.memory_space<hbm>> -> memref<32x1024xf32, #tpu.memory_space<hbm>>
    %dma_start3A_1024 = arith.constant 0 : i32
    %dma_start3A_1025 = tpu.memref_slice %arg5[%dma_start3A_1016, %add3A_1014, %dma_start3A_1024] : memref<4x4096x1024xf32, #tpu.memory_space<hbm>> -> memref<1x32x1024xf32, #tpu.memory_space<hbm>>
    %dma_start3A_1026 = tpu.memref_squeeze %dma_start3A_1025 : memref<1x32x1024xf32, #tpu.memory_space<hbm>> -> memref<32x1024xf32, #tpu.memory_space<hbm>>
    %dma_start3A_1027 = arith.constant 0 : i32
    %dma_start3A_1028 = arith.constant 0 : i32
    %dma_start3A_1029 = tpu.memref_slice %arg13[%dma_start3A_1015, %dma_start3A_1027, %dma_start3A_1028] : memref<3x32x1024xf32, #tpu.memory_space<vmem>> -> memref<1x32x1024xf32, #tpu.memory_space<vmem>>
    %dma_start3A_1030 = tpu.memref_squeeze %dma_start3A_1029 : memref<1x32x1024xf32, #tpu.memory_space<vmem>> -> memref<32x1024xf32, #tpu.memory_space<vmem>>
    tpu.enqueue_dma source(%dma_start3A_1030 : memref<32x1024xf32, #tpu.memory_space<vmem>>) target(%dma_start3A_1026 : memref<32x1024xf32, #tpu.memory_space<hbm>>) target_semaphore(%arg20 : memref<!tpu.dma_semaphore, #tpu.memory_space<semaphore_mem>>)
    %dma_wait3A_1031 = arith.constant 1 : i32
    %dma_wait3A_1032 = arith.constant 1 : i32
    %dma_wait3A_1033 = arith.constant 0 : i32
    %dma_wait3A_1034 = arith.constant 0 : i32
    %dma_wait3A_1035 = tpu.memref_slice %arg13[%dma_wait3A_1031, %dma_wait3A_1033, %dma_wait3A_1034] : memref<3x32x1024xf32, #tpu.memory_space<vmem>> -> memref<1x32x1024xf32, #tpu.memory_space<vmem>>
    %dma_wait3A_1036 = tpu.memref_squeeze %dma_wait3A_1035 : memref<1x32x1024xf32, #tpu.memory_space<vmem>> -> memref<32x1024xf32, #tpu.memory_space<vmem>>
    %dma_wait3A_1037 = arith.constant 0 : i32
    %dma_wait3A_1038 = tpu.memref_slice %arg5[%dma_wait3A_1032, %add3A_1014, %dma_wait3A_1037] : memref<4x4096x1024xf32, #tpu.memory_space<hbm>> -> memref<1x32x1024xf32, #tpu.memory_space<hbm>>
    %dma_wait3A_1039 = tpu.memref_squeeze %dma_wait3A_1038 : memref<1x32x1024xf32, #tpu.memory_space<hbm>> -> memref<32x1024xf32, #tpu.memory_space<hbm>>
    %dma_wait3A_1040 = arith.constant 0 : i32
    %dma_wait3A_1041 = tpu.memref_slice %arg5[%dma_wait3A_1032, %add3A_1014, %dma_wait3A_1040] : memref<4x4096x1024xf32, #tpu.memory_space<hbm>> -> memref<1x32x1024xf32, #tpu.memory_space<hbm>>
    %dma_wait3A_1042 = tpu.memref_squeeze %dma_wait3A_1041 : memref<1x32x1024xf32, #tpu.memory_space<hbm>> -> memref<32x1024xf32, #tpu.memory_space<hbm>>
    %dma_wait3A_1043 = arith.constant 0 : i32
    %dma_wait3A_1044 = arith.constant 0 : i32
    %dma_wait3A_1045 = tpu.memref_slice %arg13[%dma_wait3A_1031, %dma_wait3A_1043, %dma_wait3A_1044] : memref<3x32x1024xf32, #tpu.memory_space<vmem>> -> memref<1x32x1024xf32, #tpu.memory_space<vmem>>
    %dma_wait3A_1046 = tpu.memref_squeeze %dma_wait3A_1045 : memref<1x32x1024xf32, #tpu.memory_space<vmem>> -> memref<32x1024xf32, #tpu.memory_space<vmem>>
    tpu.wait_dma2 semaphore(%arg20 : memref<!tpu.dma_semaphore, #tpu.memory_space<semaphore_mem>>) src(%dma_wait3A_1046 : memref<32x1024xf32, #tpu.memory_space<vmem>>) dst(%dma_wait3A_1042 : memref<32x1024xf32, #tpu.memory_space<hbm>>)
    %dma_start3A_1047 = arith.constant 2 : i32
    %dma_start3A_1048 = arith.constant 1 : i32
    %dma_start3A_1049 = arith.constant 0 : i32
    %dma_start3A_1050 = arith.constant 0 : i32
    %dma_start3A_1051 = tpu.memref_slice %arg13[%dma_start3A_1048, %dma_start3A_1049, %dma_start3A_1050] : memref<3x32x1024xf32, #tpu.memory_space<vmem>> -> memref<1x32x1024xf32, #tpu.memory_space<vmem>>
    %dma_start3A_1052 = tpu.memref_squeeze %dma_start3A_1051 : memref<1x32x1024xf32, #tpu.memory_space<vmem>> -> memref<32x1024xf32, #tpu.memory_space<vmem>>
    %dma_start3A_1053 = arith.constant 64 : i32
    %dma_start3A_1054 = tpu.memref_slice %arg11[%dma_start3A_1047, %dma_start3A_1053] : memref<4x128xi32, #tpu.memory_space<vmem>> -> memref<1x32xi32, #tpu.memory_space<vmem>>
    %dma_start3A_1055 = tpu.memref_squeeze %dma_start3A_1054 : memref<1x32xi32, #tpu.memory_space<vmem>> -> memref<32xi32, #tpu.memory_space<vmem>>
    %dma_start3A_1056 = arith.constant 0 : i32
    %dma_start3A_1057 = arith.constant 0 : i32
    %dma_start3A_1058 = tpu.memref_slice %arg4[%dma_start3A_1056, %dma_start3A_1057] : memref<131072x1024xf32, #tpu.memory_space<hbm>> -> memref<131072x1024xf32, #tpu.memory_space<hbm>>
    tpu.enqueue_indirect_dma source(%dma_start3A_1058 : memref<131072x1024xf32, #tpu.memory_space<hbm>>) target(%dma_start3A_1052 : memref<32x1024xf32, #tpu.memory_space<vmem>>) offsets(%dma_start3A_1055 : memref<32xi32, #tpu.memory_space<vmem>>) semaphore(%arg16 : memref<!tpu.dma_semaphore, #tpu.memory_space<semaphore_mem>>)
    %dma_wait3A_1059 = arith.constant 2 : i32
    %dma_wait3A_1060 = arith.constant 2 : i32
    %dma_wait3A_1061 = arith.constant 0 : i32
    %dma_wait3A_1062 = arith.constant 0 : i32
    %dma_wait3A_1063 = tpu.memref_slice %arg13[%dma_wait3A_1060, %dma_wait3A_1061, %dma_wait3A_1062] : memref<3x32x1024xf32, #tpu.memory_space<vmem>> -> memref<1x32x1024xf32, #tpu.memory_space<vmem>>
    %dma_wait3A_1064 = tpu.memref_squeeze %dma_wait3A_1063 : memref<1x32x1024xf32, #tpu.memory_space<vmem>> -> memref<32x1024xf32, #tpu.memory_space<vmem>>
    %dma_wait3A_1065 = arith.constant 0 : i32
    %dma_wait3A_1066 = tpu.memref_slice %arg11[%dma_wait3A_1059, %dma_wait3A_1065] : memref<4x128xi32, #tpu.memory_space<vmem>> -> memref<1x32xi32, #tpu.memory_space<vmem>>
    %dma_wait3A_1067 = tpu.memref_squeeze %dma_wait3A_1066 : memref<1x32xi32, #tpu.memory_space<vmem>> -> memref<32xi32, #tpu.memory_space<vmem>>
    %dma_wait3A_1068 = arith.constant 0 : i32
    %dma_wait3A_1069 = arith.constant 0 : i32
    %dma_wait3A_1070 = tpu.memref_slice %arg4[%dma_wait3A_1068, %dma_wait3A_1069] : memref<131072x1024xf32, #tpu.memory_space<hbm>> -> memref<131072x1024xf32, #tpu.memory_space<hbm>>
    tpu.wait_indirect_dma semaphore(%arg17 : memref<!tpu.dma_semaphore, #tpu.memory_space<semaphore_mem>>) src(%dma_wait3A_1070 : memref<131072x1024xf32, #tpu.memory_space<hbm>>) dst(%dma_wait3A_1064 : memref<32x1024xf32, #tpu.memory_space<vmem>>)
    %add3A_1071 = arith.constant 0 : i32
    %add3A_1072 = arith.addi %mul3A_2, %add3A_1071 : i32
    %dma_start3A_1073 = arith.constant 2 : i32
    %dma_start3A_1074 = arith.constant 2 : i32
    %dma_start3A_1075 = arith.constant 0 : i32
    %dma_start3A_1076 = arith.constant 0 : i32
    %dma_start3A_1077 = tpu.memref_slice %arg13[%dma_start3A_1073, %dma_start3A_1075, %dma_start3A_1076] : memref<3x32x1024xf32, #tpu.memory_space<vmem>> -> memref<1x32x1024xf32, #tpu.memory_space<vmem>>
    %dma_start3A_1078 = tpu.memref_squeeze %dma_start3A_1077 : memref<1x32x1024xf32, #tpu.memory_space<vmem>> -> memref<32x1024xf32, #tpu.memory_space<vmem>>
    %dma_start3A_1079 = arith.constant 0 : i32
    %dma_start3A_1080 = tpu.memref_slice %arg5[%dma_start3A_1074, %add3A_1072, %dma_start3A_1079] : memref<4x4096x1024xf32, #tpu.memory_space<hbm>> -> memref<1x32x1024xf32, #tpu.memory_space<hbm>>
    %dma_start3A_1081 = tpu.memref_squeeze %dma_start3A_1080 : memref<1x32x1024xf32, #tpu.memory_space<hbm>> -> memref<32x1024xf32, #tpu.memory_space<hbm>>
    %dma_start3A_1082 = arith.constant 0 : i32
    %dma_start3A_1083 = tpu.memref_slice %arg5[%dma_start3A_1074, %add3A_1072, %dma_start3A_1082] : memref<4x4096x1024xf32, #tpu.memory_space<hbm>> -> memref<1x32x1024xf32, #tpu.memory_space<hbm>>
    %dma_start3A_1084 = tpu.memref_squeeze %dma_start3A_1083 : memref<1x32x1024xf32, #tpu.memory_space<hbm>> -> memref<32x1024xf32, #tpu.memory_space<hbm>>
    %dma_start3A_1085 = arith.constant 0 : i32
    %dma_start3A_1086 = arith.constant 0 : i32
    %dma_start3A_1087 = tpu.memref_slice %arg13[%dma_start3A_1073, %dma_start3A_1085, %dma_start3A_1086] : memref<3x32x1024xf32, #tpu.memory_space<vmem>> -> memref<1x32x1024xf32, #tpu.memory_space<vmem>>
    %dma_start3A_1088 = tpu.memref_squeeze %dma_start3A_1087 : memref<1x32x1024xf32, #tpu.memory_space<vmem>> -> memref<32x1024xf32, #tpu.memory_space<vmem>>
    tpu.enqueue_dma source(%dma_start3A_1088 : memref<32x1024xf32, #tpu.memory_space<vmem>>) target(%dma_start3A_1084 : memref<32x1024xf32, #tpu.memory_space<hbm>>) target_semaphore(%arg21 : memref<!tpu.dma_semaphore, #tpu.memory_space<semaphore_mem>>)
    %dma_wait3A_1089 = arith.constant 2 : i32
    %dma_wait3A_1090 = arith.constant 2 : i32
    %dma_wait3A_1091 = arith.constant 0 : i32
    %dma_wait3A_1092 = arith.constant 0 : i32
    %dma_wait3A_1093 = tpu.memref_slice %arg13[%dma_wait3A_1089, %dma_wait3A_1091, %dma_wait3A_1092] : memref<3x32x1024xf32, #tpu.memory_space<vmem>> -> memref<1x32x1024xf32, #tpu.memory_space<vmem>>
    %dma_wait3A_1094 = tpu.memref_squeeze %dma_wait3A_1093 : memref<1x32x1024xf32, #tpu.memory_space<vmem>> -> memref<32x1024xf32, #tpu.memory_space<vmem>>
    %dma_wait3A_1095 = arith.constant 0 : i32
    %dma_wait3A_1096 = tpu.memref_slice %arg5[%dma_wait3A_1090, %add3A_1072, %dma_wait3A_1095] : memref<4x4096x1024xf32, #tpu.memory_space<hbm>> -> memref<1x32x1024xf32, #tpu.memory_space<hbm>>
    %dma_wait3A_1097 = tpu.memref_squeeze %dma_wait3A_1096 : memref<1x32x1024xf32, #tpu.memory_space<hbm>> -> memref<32x1024xf32, #tpu.memory_space<hbm>>
    %dma_wait3A_1098 = arith.constant 0 : i32
    %dma_wait3A_1099 = tpu.memref_slice %arg5[%dma_wait3A_1090, %add3A_1072, %dma_wait3A_1098] : memref<4x4096x1024xf32, #tpu.memory_space<hbm>> -> memref<1x32x1024xf32, #tpu.memory_space<hbm>>
    %dma_wait3A_1100 = tpu.memref_squeeze %dma_wait3A_1099 : memref<1x32x1024xf32, #tpu.memory_space<hbm>> -> memref<32x1024xf32, #tpu.memory_space<hbm>>
    %dma_wait3A_1101 = arith.constant 0 : i32
    %dma_wait3A_1102 = arith.constant 0 : i32
    %dma_wait3A_1103 = tpu.memref_slice %arg13[%dma_wait3A_1089, %dma_wait3A_1101, %dma_wait3A_1102] : memref<3x32x1024xf32, #tpu.memory_space<vmem>> -> memref<1x32x1024xf32, #tpu.memory_space<vmem>>
    %dma_wait3A_1104 = tpu.memref_squeeze %dma_wait3A_1103 : memref<1x32x1024xf32, #tpu.memory_space<vmem>> -> memref<32x1024xf32, #tpu.memory_space<vmem>>
    tpu.wait_dma2 semaphore(%arg21 : memref<!tpu.dma_semaphore, #tpu.memory_space<semaphore_mem>>) src(%dma_wait3A_1104 : memref<32x1024xf32, #tpu.memory_space<vmem>>) dst(%dma_wait3A_1100 : memref<32x1024xf32, #tpu.memory_space<hbm>>)
    %dma_start3A_1105 = arith.constant 2 : i32
    %dma_start3A_1106 = arith.constant 2 : i32
    %dma_start3A_1107 = arith.constant 0 : i32
    %dma_start3A_1108 = arith.constant 0 : i32
    %dma_start3A_1109 = tpu.memref_slice %arg13[%dma_start3A_1106, %dma_start3A_1107, %dma_start3A_1108] : memref<3x32x1024xf32, #tpu.memory_space<vmem>> -> memref<1x32x1024xf32, #tpu.memory_space<vmem>>
    %dma_start3A_1110 = tpu.memref_squeeze %dma_start3A_1109 : memref<1x32x1024xf32, #tpu.memory_space<vmem>> -> memref<32x1024xf32, #tpu.memory_space<vmem>>
    %dma_start3A_1111 = arith.constant 96 : i32
    %dma_start3A_1112 = tpu.memref_slice %arg11[%dma_start3A_1105, %dma_start3A_1111] : memref<4x128xi32, #tpu.memory_space<vmem>> -> memref<1x32xi32, #tpu.memory_space<vmem>>
    %dma_start3A_1113 = tpu.memref_squeeze %dma_start3A_1112 : memref<1x32xi32, #tpu.memory_space<vmem>> -> memref<32xi32, #tpu.memory_space<vmem>>
    %dma_start3A_1114 = arith.constant 0 : i32
    %dma_start3A_1115 = arith.constant 0 : i32
    %dma_start3A_1116 = tpu.memref_slice %arg4[%dma_start3A_1114, %dma_start3A_1115] : memref<131072x1024xf32, #tpu.memory_space<hbm>> -> memref<131072x1024xf32, #tpu.memory_space<hbm>>
    tpu.enqueue_indirect_dma source(%dma_start3A_1116 : memref<131072x1024xf32, #tpu.memory_space<hbm>>) target(%dma_start3A_1110 : memref<32x1024xf32, #tpu.memory_space<vmem>>) offsets(%dma_start3A_1113 : memref<32xi32, #tpu.memory_space<vmem>>) semaphore(%arg17 : memref<!tpu.dma_semaphore, #tpu.memory_space<semaphore_mem>>)
    %dma_wait3A_1117 = arith.constant 2 : i32
    %dma_wait3A_1118 = arith.constant 0 : i32
    %dma_wait3A_1119 = arith.constant 0 : i32
    %dma_wait3A_1120 = arith.constant 0 : i32
    %dma_wait3A_1121 = tpu.memref_slice %arg13[%dma_wait3A_1118, %dma_wait3A_1119, %dma_wait3A_1120] : memref<3x32x1024xf32, #tpu.memory_space<vmem>> -> memref<1x32x1024xf32, #tpu.memory_space<vmem>>
    %dma_wait3A_1122 = tpu.memref_squeeze %dma_wait3A_1121 : memref<1x32x1024xf32, #tpu.memory_space<vmem>> -> memref<32x1024xf32, #tpu.memory_space<vmem>>
    %dma_wait3A_1123 = arith.constant 32 : i32
    %dma_wait3A_1124 = tpu.memref_slice %arg11[%dma_wait3A_1117, %dma_wait3A_1123] : memref<4x128xi32, #tpu.memory_space<vmem>> -> memref<1x32xi32, #tpu.memory_space<vmem>>
    %dma_wait3A_1125 = tpu.memref_squeeze %dma_wait3A_1124 : memref<1x32xi32, #tpu.memory_space<vmem>> -> memref<32xi32, #tpu.memory_space<vmem>>
    %dma_wait3A_1126 = arith.constant 0 : i32
    %dma_wait3A_1127 = arith.constant 0 : i32
    %dma_wait3A_1128 = tpu.memref_slice %arg4[%dma_wait3A_1126, %dma_wait3A_1127] : memref<131072x1024xf32, #tpu.memory_space<hbm>> -> memref<131072x1024xf32, #tpu.memory_space<hbm>>
    tpu.wait_indirect_dma semaphore(%arg15 : memref<!tpu.dma_semaphore, #tpu.memory_space<semaphore_mem>>) src(%dma_wait3A_1128 : memref<131072x1024xf32, #tpu.memory_space<hbm>>) dst(%dma_wait3A_1122 : memref<32x1024xf32, #tpu.memory_space<vmem>>)
    %add3A_1129 = arith.constant 32 : i32
    %add3A_1130 = arith.addi %mul3A_2, %add3A_1129 : i32
    %dma_start3A_1131 = arith.constant 0 : i32
    %dma_start3A_1132 = arith.constant 2 : i32
    %dma_start3A_1133 = arith.constant 0 : i32
    %dma_start3A_1134 = arith.constant 0 : i32
    %dma_start3A_1135 = tpu.memref_slice %arg13[%dma_start3A_1131, %dma_start3A_1133, %dma_start3A_1134] : memref<3x32x1024xf32, #tpu.memory_space<vmem>> -> memref<1x32x1024xf32, #tpu.memory_space<vmem>>
    %dma_start3A_1136 = tpu.memref_squeeze %dma_start3A_1135 : memref<1x32x1024xf32, #tpu.memory_space<vmem>> -> memref<32x1024xf32, #tpu.memory_space<vmem>>
    %dma_start3A_1137 = arith.constant 0 : i32
    %dma_start3A_1138 = tpu.memref_slice %arg5[%dma_start3A_1132, %add3A_1130, %dma_start3A_1137] : memref<4x4096x1024xf32, #tpu.memory_space<hbm>> -> memref<1x32x1024xf32, #tpu.memory_space<hbm>>
    %dma_start3A_1139 = tpu.memref_squeeze %dma_start3A_1138 : memref<1x32x1024xf32, #tpu.memory_space<hbm>> -> memref<32x1024xf32, #tpu.memory_space<hbm>>
    %dma_start3A_1140 = arith.constant 0 : i32
    %dma_start3A_1141 = tpu.memref_slice %arg5[%dma_start3A_1132, %add3A_1130, %dma_start3A_1140] : memref<4x4096x1024xf32, #tpu.memory_space<hbm>> -> memref<1x32x1024xf32, #tpu.memory_space<hbm>>
    %dma_start3A_1142 = tpu.memref_squeeze %dma_start3A_1141 : memref<1x32x1024xf32, #tpu.memory_space<hbm>> -> memref<32x1024xf32, #tpu.memory_space<hbm>>
    %dma_start3A_1143 = arith.constant 0 : i32
    %dma_start3A_1144 = arith.constant 0 : i32
    %dma_start3A_1145 = tpu.memref_slice %arg13[%dma_start3A_1131, %dma_start3A_1143, %dma_start3A_1144] : memref<3x32x1024xf32, #tpu.memory_space<vmem>> -> memref<1x32x1024xf32, #tpu.memory_space<vmem>>
    %dma_start3A_1146 = tpu.memref_squeeze %dma_start3A_1145 : memref<1x32x1024xf32, #tpu.memory_space<vmem>> -> memref<32x1024xf32, #tpu.memory_space<vmem>>
    tpu.enqueue_dma source(%dma_start3A_1146 : memref<32x1024xf32, #tpu.memory_space<vmem>>) target(%dma_start3A_1142 : memref<32x1024xf32, #tpu.memory_space<hbm>>) target_semaphore(%arg19 : memref<!tpu.dma_semaphore, #tpu.memory_space<semaphore_mem>>)
    %dma_wait3A_1147 = arith.constant 0 : i32
    %dma_wait3A_1148 = arith.constant 2 : i32
    %dma_wait3A_1149 = arith.constant 0 : i32
    %dma_wait3A_1150 = arith.constant 0 : i32
    %dma_wait3A_1151 = tpu.memref_slice %arg13[%dma_wait3A_1147, %dma_wait3A_1149, %dma_wait3A_1150] : memref<3x32x1024xf32, #tpu.memory_space<vmem>> -> memref<1x32x1024xf32, #tpu.memory_space<vmem>>
    %dma_wait3A_1152 = tpu.memref_squeeze %dma_wait3A_1151 : memref<1x32x1024xf32, #tpu.memory_space<vmem>> -> memref<32x1024xf32, #tpu.memory_space<vmem>>
    %dma_wait3A_1153 = arith.constant 0 : i32
    %dma_wait3A_1154 = tpu.memref_slice %arg5[%dma_wait3A_1148, %add3A_1130, %dma_wait3A_1153] : memref<4x4096x1024xf32, #tpu.memory_space<hbm>> -> memref<1x32x1024xf32, #tpu.memory_space<hbm>>
    %dma_wait3A_1155 = tpu.memref_squeeze %dma_wait3A_1154 : memref<1x32x1024xf32, #tpu.memory_space<hbm>> -> memref<32x1024xf32, #tpu.memory_space<hbm>>
    %dma_wait3A_1156 = arith.constant 0 : i32
    %dma_wait3A_1157 = tpu.memref_slice %arg5[%dma_wait3A_1148, %add3A_1130, %dma_wait3A_1156] : memref<4x4096x1024xf32, #tpu.memory_space<hbm>> -> memref<1x32x1024xf32, #tpu.memory_space<hbm>>
    %dma_wait3A_1158 = tpu.memref_squeeze %dma_wait3A_1157 : memref<1x32x1024xf32, #tpu.memory_space<hbm>> -> memref<32x1024xf32, #tpu.memory_space<hbm>>
    %dma_wait3A_1159 = arith.constant 0 : i32
    %dma_wait3A_1160 = arith.constant 0 : i32
    %dma_wait3A_1161 = tpu.memref_slice %arg13[%dma_wait3A_1147, %dma_wait3A_1159, %dma_wait3A_1160] : memref<3x32x1024xf32, #tpu.memory_space<vmem>> -> memref<1x32x1024xf32, #tpu.memory_space<vmem>>
    %dma_wait3A_1162 = tpu.memref_squeeze %dma_wait3A_1161 : memref<1x32x1024xf32, #tpu.memory_space<vmem>> -> memref<32x1024xf32, #tpu.memory_space<vmem>>
    tpu.wait_dma2 semaphore(%arg19 : memref<!tpu.dma_semaphore, #tpu.memory_space<semaphore_mem>>) src(%dma_wait3A_1162 : memref<32x1024xf32, #tpu.memory_space<vmem>>) dst(%dma_wait3A_1158 : memref<32x1024xf32, #tpu.memory_space<hbm>>)
    %dma_start3A_1163 = arith.constant 3 : i32
    %dma_start3A_1164 = arith.constant 0 : i32
    %dma_start3A_1165 = arith.constant 0 : i32
    %dma_start3A_1166 = arith.constant 0 : i32
    %dma_start3A_1167 = tpu.memref_slice %arg13[%dma_start3A_1164, %dma_start3A_1165, %dma_start3A_1166] : memref<3x32x1024xf32, #tpu.memory_space<vmem>> -> memref<1x32x1024xf32, #tpu.memory_space<vmem>>
    %dma_start3A_1168 = tpu.memref_squeeze %dma_start3A_1167 : memref<1x32x1024xf32, #tpu.memory_space<vmem>> -> memref<32x1024xf32, #tpu.memory_space<vmem>>
    %dma_start3A_1169 = arith.constant 0 : i32
    %dma_start3A_1170 = tpu.memref_slice %arg11[%dma_start3A_1163, %dma_start3A_1169] : memref<4x128xi32, #tpu.memory_space<vmem>> -> memref<1x32xi32, #tpu.memory_space<vmem>>
    %dma_start3A_1171 = tpu.memref_squeeze %dma_start3A_1170 : memref<1x32xi32, #tpu.memory_space<vmem>> -> memref<32xi32, #tpu.memory_space<vmem>>
    %dma_start3A_1172 = arith.constant 0 : i32
    %dma_start3A_1173 = arith.constant 0 : i32
    %dma_start3A_1174 = tpu.memref_slice %arg4[%dma_start3A_1172, %dma_start3A_1173] : memref<131072x1024xf32, #tpu.memory_space<hbm>> -> memref<131072x1024xf32, #tpu.memory_space<hbm>>
    tpu.enqueue_indirect_dma source(%dma_start3A_1174 : memref<131072x1024xf32, #tpu.memory_space<hbm>>) target(%dma_start3A_1168 : memref<32x1024xf32, #tpu.memory_space<vmem>>) offsets(%dma_start3A_1171 : memref<32xi32, #tpu.memory_space<vmem>>) semaphore(%arg15 : memref<!tpu.dma_semaphore, #tpu.memory_space<semaphore_mem>>)
    %dma_wait3A_1175 = arith.constant 2 : i32
    %dma_wait3A_1176 = arith.constant 1 : i32
    %dma_wait3A_1177 = arith.constant 0 : i32
    %dma_wait3A_1178 = arith.constant 0 : i32
    %dma_wait3A_1179 = tpu.memref_slice %arg13[%dma_wait3A_1176, %dma_wait3A_1177, %dma_wait3A_1178] : memref<3x32x1024xf32, #tpu.memory_space<vmem>> -> memref<1x32x1024xf32, #tpu.memory_space<vmem>>
    %dma_wait3A_1180 = tpu.memref_squeeze %dma_wait3A_1179 : memref<1x32x1024xf32, #tpu.memory_space<vmem>> -> memref<32x1024xf32, #tpu.memory_space<vmem>>
    %dma_wait3A_1181 = arith.constant 64 : i32
    %dma_wait3A_1182 = tpu.memref_slice %arg11[%dma_wait3A_1175, %dma_wait3A_1181] : memref<4x128xi32, #tpu.memory_space<vmem>> -> memref<1x32xi32, #tpu.memory_space<vmem>>
    %dma_wait3A_1183 = tpu.memref_squeeze %dma_wait3A_1182 : memref<1x32xi32, #tpu.memory_space<vmem>> -> memref<32xi32, #tpu.memory_space<vmem>>
    %dma_wait3A_1184 = arith.constant 0 : i32
    %dma_wait3A_1185 = arith.constant 0 : i32
    %dma_wait3A_1186 = tpu.memref_slice %arg4[%dma_wait3A_1184, %dma_wait3A_1185] : memref<131072x1024xf32, #tpu.memory_space<hbm>> -> memref<131072x1024xf32, #tpu.memory_space<hbm>>
    tpu.wait_indirect_dma semaphore(%arg16 : memref<!tpu.dma_semaphore, #tpu.memory_space<semaphore_mem>>) src(%dma_wait3A_1186 : memref<131072x1024xf32, #tpu.memory_space<hbm>>) dst(%dma_wait3A_1180 : memref<32x1024xf32, #tpu.memory_space<vmem>>)
    %add3A_1187 = arith.constant 64 : i32
    %add3A_1188 = arith.addi %mul3A_2, %add3A_1187 : i32
    %dma_start3A_1189 = arith.constant 1 : i32
    %dma_start3A_1190 = arith.constant 2 : i32
    %dma_start3A_1191 = arith.constant 0 : i32
    %dma_start3A_1192 = arith.constant 0 : i32
    %dma_start3A_1193 = tpu.memref_slice %arg13[%dma_start3A_1189, %dma_start3A_1191, %dma_start3A_1192] : memref<3x32x1024xf32, #tpu.memory_space<vmem>> -> memref<1x32x1024xf32, #tpu.memory_space<vmem>>
    %dma_start3A_1194 = tpu.memref_squeeze %dma_start3A_1193 : memref<1x32x1024xf32, #tpu.memory_space<vmem>> -> memref<32x1024xf32, #tpu.memory_space<vmem>>
    %dma_start3A_1195 = arith.constant 0 : i32
    %dma_start3A_1196 = tpu.memref_slice %arg5[%dma_start3A_1190, %add3A_1188, %dma_start3A_1195] : memref<4x4096x1024xf32, #tpu.memory_space<hbm>> -> memref<1x32x1024xf32, #tpu.memory_space<hbm>>
    %dma_start3A_1197 = tpu.memref_squeeze %dma_start3A_1196 : memref<1x32x1024xf32, #tpu.memory_space<hbm>> -> memref<32x1024xf32, #tpu.memory_space<hbm>>
    %dma_start3A_1198 = arith.constant 0 : i32
    %dma_start3A_1199 = tpu.memref_slice %arg5[%dma_start3A_1190, %add3A_1188, %dma_start3A_1198] : memref<4x4096x1024xf32, #tpu.memory_space<hbm>> -> memref<1x32x1024xf32, #tpu.memory_space<hbm>>
    %dma_start3A_1200 = tpu.memref_squeeze %dma_start3A_1199 : memref<1x32x1024xf32, #tpu.memory_space<hbm>> -> memref<32x1024xf32, #tpu.memory_space<hbm>>
    %dma_start3A_1201 = arith.constant 0 : i32
    %dma_start3A_1202 = arith.constant 0 : i32
    %dma_start3A_1203 = tpu.memref_slice %arg13[%dma_start3A_1189, %dma_start3A_1201, %dma_start3A_1202] : memref<3x32x1024xf32, #tpu.memory_space<vmem>> -> memref<1x32x1024xf32, #tpu.memory_space<vmem>>
    %dma_start3A_1204 = tpu.memref_squeeze %dma_start3A_1203 : memref<1x32x1024xf32, #tpu.memory_space<vmem>> -> memref<32x1024xf32, #tpu.memory_space<vmem>>
    tpu.enqueue_dma source(%dma_start3A_1204 : memref<32x1024xf32, #tpu.memory_space<vmem>>) target(%dma_start3A_1200 : memref<32x1024xf32, #tpu.memory_space<hbm>>) target_semaphore(%arg20 : memref<!tpu.dma_semaphore, #tpu.memory_space<semaphore_mem>>)
    %dma_wait3A_1205 = arith.constant 1 : i32
    %dma_wait3A_1206 = arith.constant 2 : i32
    %dma_wait3A_1207 = arith.constant 0 : i32
    %dma_wait3A_1208 = arith.constant 0 : i32
    %dma_wait3A_1209 = tpu.memref_slice %arg13[%dma_wait3A_1205, %dma_wait3A_1207, %dma_wait3A_1208] : memref<3x32x1024xf32, #tpu.memory_space<vmem>> -> memref<1x32x1024xf32, #tpu.memory_space<vmem>>
    %dma_wait3A_1210 = tpu.memref_squeeze %dma_wait3A_1209 : memref<1x32x1024xf32, #tpu.memory_space<vmem>> -> memref<32x1024xf32, #tpu.memory_space<vmem>>
    %dma_wait3A_1211 = arith.constant 0 : i32
    %dma_wait3A_1212 = tpu.memref_slice %arg5[%dma_wait3A_1206, %add3A_1188, %dma_wait3A_1211] : memref<4x4096x1024xf32, #tpu.memory_space<hbm>> -> memref<1x32x1024xf32, #tpu.memory_space<hbm>>
    %dma_wait3A_1213 = tpu.memref_squeeze %dma_wait3A_1212 : memref<1x32x1024xf32, #tpu.memory_space<hbm>> -> memref<32x1024xf32, #tpu.memory_space<hbm>>
    %dma_wait3A_1214 = arith.constant 0 : i32
    %dma_wait3A_1215 = tpu.memref_slice %arg5[%dma_wait3A_1206, %add3A_1188, %dma_wait3A_1214] : memref<4x4096x1024xf32, #tpu.memory_space<hbm>> -> memref<1x32x1024xf32, #tpu.memory_space<hbm>>
    %dma_wait3A_1216 = tpu.memref_squeeze %dma_wait3A_1215 : memref<1x32x1024xf32, #tpu.memory_space<hbm>> -> memref<32x1024xf32, #tpu.memory_space<hbm>>
    %dma_wait3A_1217 = arith.constant 0 : i32
    %dma_wait3A_1218 = arith.constant 0 : i32
    %dma_wait3A_1219 = tpu.memref_slice %arg13[%dma_wait3A_1205, %dma_wait3A_1217, %dma_wait3A_1218] : memref<3x32x1024xf32, #tpu.memory_space<vmem>> -> memref<1x32x1024xf32, #tpu.memory_space<vmem>>
    %dma_wait3A_1220 = tpu.memref_squeeze %dma_wait3A_1219 : memref<1x32x1024xf32, #tpu.memory_space<vmem>> -> memref<32x1024xf32, #tpu.memory_space<vmem>>
    tpu.wait_dma2 semaphore(%arg20 : memref<!tpu.dma_semaphore, #tpu.memory_space<semaphore_mem>>) src(%dma_wait3A_1220 : memref<32x1024xf32, #tpu.memory_space<vmem>>) dst(%dma_wait3A_1216 : memref<32x1024xf32, #tpu.memory_space<hbm>>)
    %dma_start3A_1221 = arith.constant 3 : i32
    %dma_start3A_1222 = arith.constant 1 : i32
    %dma_start3A_1223 = arith.constant 0 : i32
    %dma_start3A_1224 = arith.constant 0 : i32
    %dma_start3A_1225 = tpu.memref_slice %arg13[%dma_start3A_1222, %dma_start3A_1223, %dma_start3A_1224] : memref<3x32x1024xf32, #tpu.memory_space<vmem>> -> memref<1x32x1024xf32, #tpu.memory_space<vmem>>
    %dma_start3A_1226 = tpu.memref_squeeze %dma_start3A_1225 : memref<1x32x1024xf32, #tpu.memory_space<vmem>> -> memref<32x1024xf32, #tpu.memory_space<vmem>>
    %dma_start3A_1227 = arith.constant 32 : i32
    %dma_start3A_1228 = tpu.memref_slice %arg11[%dma_start3A_1221, %dma_start3A_1227] : memref<4x128xi32, #tpu.memory_space<vmem>> -> memref<1x32xi32, #tpu.memory_space<vmem>>
    %dma_start3A_1229 = tpu.memref_squeeze %dma_start3A_1228 : memref<1x32xi32, #tpu.memory_space<vmem>> -> memref<32xi32, #tpu.memory_space<vmem>>
    %dma_start3A_1230 = arith.constant 0 : i32
    %dma_start3A_1231 = arith.constant 0 : i32
    %dma_start3A_1232 = tpu.memref_slice %arg4[%dma_start3A_1230, %dma_start3A_1231] : memref<131072x1024xf32, #tpu.memory_space<hbm>> -> memref<131072x1024xf32, #tpu.memory_space<hbm>>
    tpu.enqueue_indirect_dma source(%dma_start3A_1232 : memref<131072x1024xf32, #tpu.memory_space<hbm>>) target(%dma_start3A_1226 : memref<32x1024xf32, #tpu.memory_space<vmem>>) offsets(%dma_start3A_1229 : memref<32xi32, #tpu.memory_space<vmem>>) semaphore(%arg16 : memref<!tpu.dma_semaphore, #tpu.memory_space<semaphore_mem>>)
    %dma_wait3A_1233 = arith.constant 2 : i32
    %dma_wait3A_1234 = arith.constant 2 : i32
    %dma_wait3A_1235 = arith.constant 0 : i32
    %dma_wait3A_1236 = arith.constant 0 : i32
    %dma_wait3A_1237 = tpu.memref_slice %arg13[%dma_wait3A_1234, %dma_wait3A_1235, %dma_wait3A_1236] : memref<3x32x1024xf32, #tpu.memory_space<vmem>> -> memref<1x32x1024xf32, #tpu.memory_space<vmem>>
    %dma_wait3A_1238 = tpu.memref_squeeze %dma_wait3A_1237 : memref<1x32x1024xf32, #tpu.memory_space<vmem>> -> memref<32x1024xf32, #tpu.memory_space<vmem>>
    %dma_wait3A_1239 = arith.constant 96 : i32
    %dma_wait3A_1240 = tpu.memref_slice %arg11[%dma_wait3A_1233, %dma_wait3A_1239] : memref<4x128xi32, #tpu.memory_space<vmem>> -> memref<1x32xi32, #tpu.memory_space<vmem>>
    %dma_wait3A_1241 = tpu.memref_squeeze %dma_wait3A_1240 : memref<1x32xi32, #tpu.memory_space<vmem>> -> memref<32xi32, #tpu.memory_space<vmem>>
    %dma_wait3A_1242 = arith.constant 0 : i32
    %dma_wait3A_1243 = arith.constant 0 : i32
    %dma_wait3A_1244 = tpu.memref_slice %arg4[%dma_wait3A_1242, %dma_wait3A_1243] : memref<131072x1024xf32, #tpu.memory_space<hbm>> -> memref<131072x1024xf32, #tpu.memory_space<hbm>>
    tpu.wait_indirect_dma semaphore(%arg17 : memref<!tpu.dma_semaphore, #tpu.memory_space<semaphore_mem>>) src(%dma_wait3A_1244 : memref<131072x1024xf32, #tpu.memory_space<hbm>>) dst(%dma_wait3A_1238 : memref<32x1024xf32, #tpu.memory_space<vmem>>)
    %add3A_1245 = arith.constant 96 : i32
    %add3A_1246 = arith.addi %mul3A_2, %add3A_1245 : i32
    %dma_start3A_1247 = arith.constant 2 : i32
    %dma_start3A_1248 = arith.constant 2 : i32
    %dma_start3A_1249 = arith.constant 0 : i32
    %dma_start3A_1250 = arith.constant 0 : i32
    %dma_start3A_1251 = tpu.memref_slice %arg13[%dma_start3A_1247, %dma_start3A_1249, %dma_start3A_1250] : memref<3x32x1024xf32, #tpu.memory_space<vmem>> -> memref<1x32x1024xf32, #tpu.memory_space<vmem>>
    %dma_start3A_1252 = tpu.memref_squeeze %dma_start3A_1251 : memref<1x32x1024xf32, #tpu.memory_space<vmem>> -> memref<32x1024xf32, #tpu.memory_space<vmem>>
    %dma_start3A_1253 = arith.constant 0 : i32
    %dma_start3A_1254 = tpu.memref_slice %arg5[%dma_start3A_1248, %add3A_1246, %dma_start3A_1253] : memref<4x4096x1024xf32, #tpu.memory_space<hbm>> -> memref<1x32x1024xf32, #tpu.memory_space<hbm>>
    %dma_start3A_1255 = tpu.memref_squeeze %dma_start3A_1254 : memref<1x32x1024xf32, #tpu.memory_space<hbm>> -> memref<32x1024xf32, #tpu.memory_space<hbm>>
    %dma_start3A_1256 = arith.constant 0 : i32
    %dma_start3A_1257 = tpu.memref_slice %arg5[%dma_start3A_1248, %add3A_1246, %dma_start3A_1256] : memref<4x4096x1024xf32, #tpu.memory_space<hbm>> -> memref<1x32x1024xf32, #tpu.memory_space<hbm>>
    %dma_start3A_1258 = tpu.memref_squeeze %dma_start3A_1257 : memref<1x32x1024xf32, #tpu.memory_space<hbm>> -> memref<32x1024xf32, #tpu.memory_space<hbm>>
    %dma_start3A_1259 = arith.constant 0 : i32
    %dma_start3A_1260 = arith.constant 0 : i32
    %dma_start3A_1261 = tpu.memref_slice %arg13[%dma_start3A_1247, %dma_start3A_1259, %dma_start3A_1260] : memref<3x32x1024xf32, #tpu.memory_space<vmem>> -> memref<1x32x1024xf32, #tpu.memory_space<vmem>>
    %dma_start3A_1262 = tpu.memref_squeeze %dma_start3A_1261 : memref<1x32x1024xf32, #tpu.memory_space<vmem>> -> memref<32x1024xf32, #tpu.memory_space<vmem>>
    tpu.enqueue_dma source(%dma_start3A_1262 : memref<32x1024xf32, #tpu.memory_space<vmem>>) target(%dma_start3A_1258 : memref<32x1024xf32, #tpu.memory_space<hbm>>) target_semaphore(%arg21 : memref<!tpu.dma_semaphore, #tpu.memory_space<semaphore_mem>>)
    %dma_wait3A_1263 = arith.constant 2 : i32
    %dma_wait3A_1264 = arith.constant 2 : i32
    %dma_wait3A_1265 = arith.constant 0 : i32
    %dma_wait3A_1266 = arith.constant 0 : i32
    %dma_wait3A_1267 = tpu.memref_slice %arg13[%dma_wait3A_1263, %dma_wait3A_1265, %dma_wait3A_1266] : memref<3x32x1024xf32, #tpu.memory_space<vmem>> -> memref<1x32x1024xf32, #tpu.memory_space<vmem>>
    %dma_wait3A_1268 = tpu.memref_squeeze %dma_wait3A_1267 : memref<1x32x1024xf32, #tpu.memory_space<vmem>> -> memref<32x1024xf32, #tpu.memory_space<vmem>>
    %dma_wait3A_1269 = arith.constant 0 : i32
    %dma_wait3A_1270 = tpu.memref_slice %arg5[%dma_wait3A_1264, %add3A_1246, %dma_wait3A_1269] : memref<4x4096x1024xf32, #tpu.memory_space<hbm>> -> memref<1x32x1024xf32, #tpu.memory_space<hbm>>
    %dma_wait3A_1271 = tpu.memref_squeeze %dma_wait3A_1270 : memref<1x32x1024xf32, #tpu.memory_space<hbm>> -> memref<32x1024xf32, #tpu.memory_space<hbm>>
    %dma_wait3A_1272 = arith.constant 0 : i32
    %dma_wait3A_1273 = tpu.memref_slice %arg5[%dma_wait3A_1264, %add3A_1246, %dma_wait3A_1272] : memref<4x4096x1024xf32, #tpu.memory_space<hbm>> -> memref<1x32x1024xf32, #tpu.memory_space<hbm>>
    %dma_wait3A_1274 = tpu.memref_squeeze %dma_wait3A_1273 : memref<1x32x1024xf32, #tpu.memory_space<hbm>> -> memref<32x1024xf32, #tpu.memory_space<hbm>>
    %dma_wait3A_1275 = arith.constant 0 : i32
    %dma_wait3A_1276 = arith.constant 0 : i32
    %dma_wait3A_1277 = tpu.memref_slice %arg13[%dma_wait3A_1263, %dma_wait3A_1275, %dma_wait3A_1276] : memref<3x32x1024xf32, #tpu.memory_space<vmem>> -> memref<1x32x1024xf32, #tpu.memory_space<vmem>>
    %dma_wait3A_1278 = tpu.memref_squeeze %dma_wait3A_1277 : memref<1x32x1024xf32, #tpu.memory_space<vmem>> -> memref<32x1024xf32, #tpu.memory_space<vmem>>
    tpu.wait_dma2 semaphore(%arg21 : memref<!tpu.dma_semaphore, #tpu.memory_space<semaphore_mem>>) src(%dma_wait3A_1278 : memref<32x1024xf32, #tpu.memory_space<vmem>>) dst(%dma_wait3A_1274 : memref<32x1024xf32, #tpu.memory_space<hbm>>)
    %dma_start3A_1279 = arith.constant 3 : i32
    %dma_start3A_1280 = arith.constant 2 : i32
    %dma_start3A_1281 = arith.constant 0 : i32
    %dma_start3A_1282 = arith.constant 0 : i32
    %dma_start3A_1283 = tpu.memref_slice %arg13[%dma_start3A_1280, %dma_start3A_1281, %dma_start3A_1282] : memref<3x32x1024xf32, #tpu.memory_space<vmem>> -> memref<1x32x1024xf32, #tpu.memory_space<vmem>>
    %dma_start3A_1284 = tpu.memref_squeeze %dma_start3A_1283 : memref<1x32x1024xf32, #tpu.memory_space<vmem>> -> memref<32x1024xf32, #tpu.memory_space<vmem>>
    %dma_start3A_1285 = arith.constant 64 : i32
    %dma_start3A_1286 = tpu.memref_slice %arg11[%dma_start3A_1279, %dma_start3A_1285] : memref<4x128xi32, #tpu.memory_space<vmem>> -> memref<1x32xi32, #tpu.memory_space<vmem>>
    %dma_start3A_1287 = tpu.memref_squeeze %dma_start3A_1286 : memref<1x32xi32, #tpu.memory_space<vmem>> -> memref<32xi32, #tpu.memory_space<vmem>>
    %dma_start3A_1288 = arith.constant 0 : i32
    %dma_start3A_1289 = arith.constant 0 : i32
    %dma_start3A_1290 = tpu.memref_slice %arg4[%dma_start3A_1288, %dma_start3A_1289] : memref<131072x1024xf32, #tpu.memory_space<hbm>> -> memref<131072x1024xf32, #tpu.memory_space<hbm>>
    tpu.enqueue_indirect_dma source(%dma_start3A_1290 : memref<131072x1024xf32, #tpu.memory_space<hbm>>) target(%dma_start3A_1284 : memref<32x1024xf32, #tpu.memory_space<vmem>>) offsets(%dma_start3A_1287 : memref<32xi32, #tpu.memory_space<vmem>>) semaphore(%arg17 : memref<!tpu.dma_semaphore, #tpu.memory_space<semaphore_mem>>)
    %dma_wait3A_1291 = arith.constant 3 : i32
    %dma_wait3A_1292 = arith.constant 0 : i32
    %dma_wait3A_1293 = arith.constant 0 : i32
    %dma_wait3A_1294 = arith.constant 0 : i32
    %dma_wait3A_1295 = tpu.memref_slice %arg13[%dma_wait3A_1292, %dma_wait3A_1293, %dma_wait3A_1294] : memref<3x32x1024xf32, #tpu.memory_space<vmem>> -> memref<1x32x1024xf32, #tpu.memory_space<vmem>>
    %dma_wait3A_1296 = tpu.memref_squeeze %dma_wait3A_1295 : memref<1x32x1024xf32, #tpu.memory_space<vmem>> -> memref<32x1024xf32, #tpu.memory_space<vmem>>
    %dma_wait3A_1297 = arith.constant 0 : i32
    %dma_wait3A_1298 = tpu.memref_slice %arg11[%dma_wait3A_1291, %dma_wait3A_1297] : memref<4x128xi32, #tpu.memory_space<vmem>> -> memref<1x32xi32, #tpu.memory_space<vmem>>
    %dma_wait3A_1299 = tpu.memref_squeeze %dma_wait3A_1298 : memref<1x32xi32, #tpu.memory_space<vmem>> -> memref<32xi32, #tpu.memory_space<vmem>>
    %dma_wait3A_1300 = arith.constant 0 : i32
    %dma_wait3A_1301 = arith.constant 0 : i32
    %dma_wait3A_1302 = tpu.memref_slice %arg4[%dma_wait3A_1300, %dma_wait3A_1301] : memref<131072x1024xf32, #tpu.memory_space<hbm>> -> memref<131072x1024xf32, #tpu.memory_space<hbm>>
    tpu.wait_indirect_dma semaphore(%arg15 : memref<!tpu.dma_semaphore, #tpu.memory_space<semaphore_mem>>) src(%dma_wait3A_1302 : memref<131072x1024xf32, #tpu.memory_space<hbm>>) dst(%dma_wait3A_1296 : memref<32x1024xf32, #tpu.memory_space<vmem>>)
    %add3A_1303 = arith.constant 0 : i32
    %add3A_1304 = arith.addi %mul3A_2, %add3A_1303 : i32
    %dma_start3A_1305 = arith.constant 0 : i32
    %dma_start3A_1306 = arith.constant 3 : i32
    %dma_start3A_1307 = arith.constant 0 : i32
    %dma_start3A_1308 = arith.constant 0 : i32
    %dma_start3A_1309 = tpu.memref_slice %arg13[%dma_start3A_1305, %dma_start3A_1307, %dma_start3A_1308] : memref<3x32x1024xf32, #tpu.memory_space<vmem>> -> memref<1x32x1024xf32, #tpu.memory_space<vmem>>
    %dma_start3A_1310 = tpu.memref_squeeze %dma_start3A_1309 : memref<1x32x1024xf32, #tpu.memory_space<vmem>> -> memref<32x1024xf32, #tpu.memory_space<vmem>>
    %dma_start3A_1311 = arith.constant 0 : i32
    %dma_start3A_1312 = tpu.memref_slice %arg5[%dma_start3A_1306, %add3A_1304, %dma_start3A_1311] : memref<4x4096x1024xf32, #tpu.memory_space<hbm>> -> memref<1x32x1024xf32, #tpu.memory_space<hbm>>
    %dma_start3A_1313 = tpu.memref_squeeze %dma_start3A_1312 : memref<1x32x1024xf32, #tpu.memory_space<hbm>> -> memref<32x1024xf32, #tpu.memory_space<hbm>>
    %dma_start3A_1314 = arith.constant 0 : i32
    %dma_start3A_1315 = tpu.memref_slice %arg5[%dma_start3A_1306, %add3A_1304, %dma_start3A_1314] : memref<4x4096x1024xf32, #tpu.memory_space<hbm>> -> memref<1x32x1024xf32, #tpu.memory_space<hbm>>
    %dma_start3A_1316 = tpu.memref_squeeze %dma_start3A_1315 : memref<1x32x1024xf32, #tpu.memory_space<hbm>> -> memref<32x1024xf32, #tpu.memory_space<hbm>>
    %dma_start3A_1317 = arith.constant 0 : i32
    %dma_start3A_1318 = arith.constant 0 : i32
    %dma_start3A_1319 = tpu.memref_slice %arg13[%dma_start3A_1305, %dma_start3A_1317, %dma_start3A_1318] : memref<3x32x1024xf32, #tpu.memory_space<vmem>> -> memref<1x32x1024xf32, #tpu.memory_space<vmem>>
    %dma_start3A_1320 = tpu.memref_squeeze %dma_start3A_1319 : memref<1x32x1024xf32, #tpu.memory_space<vmem>> -> memref<32x1024xf32, #tpu.memory_space<vmem>>
    tpu.enqueue_dma source(%dma_start3A_1320 : memref<32x1024xf32, #tpu.memory_space<vmem>>) target(%dma_start3A_1316 : memref<32x1024xf32, #tpu.memory_space<hbm>>) target_semaphore(%arg19 : memref<!tpu.dma_semaphore, #tpu.memory_space<semaphore_mem>>)
    %dma_wait3A_1321 = arith.constant 0 : i32
    %dma_wait3A_1322 = arith.constant 3 : i32
    %dma_wait3A_1323 = arith.constant 0 : i32
    %dma_wait3A_1324 = arith.constant 0 : i32
    %dma_wait3A_1325 = tpu.memref_slice %arg13[%dma_wait3A_1321, %dma_wait3A_1323, %dma_wait3A_1324] : memref<3x32x1024xf32, #tpu.memory_space<vmem>> -> memref<1x32x1024xf32, #tpu.memory_space<vmem>>
    %dma_wait3A_1326 = tpu.memref_squeeze %dma_wait3A_1325 : memref<1x32x1024xf32, #tpu.memory_space<vmem>> -> memref<32x1024xf32, #tpu.memory_space<vmem>>
    %dma_wait3A_1327 = arith.constant 0 : i32
    %dma_wait3A_1328 = tpu.memref_slice %arg5[%dma_wait3A_1322, %add3A_1304, %dma_wait3A_1327] : memref<4x4096x1024xf32, #tpu.memory_space<hbm>> -> memref<1x32x1024xf32, #tpu.memory_space<hbm>>
    %dma_wait3A_1329 = tpu.memref_squeeze %dma_wait3A_1328 : memref<1x32x1024xf32, #tpu.memory_space<hbm>> -> memref<32x1024xf32, #tpu.memory_space<hbm>>
    %dma_wait3A_1330 = arith.constant 0 : i32
    %dma_wait3A_1331 = tpu.memref_slice %arg5[%dma_wait3A_1322, %add3A_1304, %dma_wait3A_1330] : memref<4x4096x1024xf32, #tpu.memory_space<hbm>> -> memref<1x32x1024xf32, #tpu.memory_space<hbm>>
    %dma_wait3A_1332 = tpu.memref_squeeze %dma_wait3A_1331 : memref<1x32x1024xf32, #tpu.memory_space<hbm>> -> memref<32x1024xf32, #tpu.memory_space<hbm>>
    %dma_wait3A_1333 = arith.constant 0 : i32
    %dma_wait3A_1334 = arith.constant 0 : i32
    %dma_wait3A_1335 = tpu.memref_slice %arg13[%dma_wait3A_1321, %dma_wait3A_1333, %dma_wait3A_1334] : memref<3x32x1024xf32, #tpu.memory_space<vmem>> -> memref<1x32x1024xf32, #tpu.memory_space<vmem>>
    %dma_wait3A_1336 = tpu.memref_squeeze %dma_wait3A_1335 : memref<1x32x1024xf32, #tpu.memory_space<vmem>> -> memref<32x1024xf32, #tpu.memory_space<vmem>>
    tpu.wait_dma2 semaphore(%arg19 : memref<!tpu.dma_semaphore, #tpu.memory_space<semaphore_mem>>) src(%dma_wait3A_1336 : memref<32x1024xf32, #tpu.memory_space<vmem>>) dst(%dma_wait3A_1332 : memref<32x1024xf32, #tpu.memory_space<hbm>>)
    %dma_start3A_1337 = arith.constant 3 : i32
    %dma_start3A_1338 = arith.constant 0 : i32
    %dma_start3A_1339 = arith.constant 0 : i32
    %dma_start3A_1340 = arith.constant 0 : i32
    %dma_start3A_1341 = tpu.memref_slice %arg13[%dma_start3A_1338, %dma_start3A_1339, %dma_start3A_1340] : memref<3x32x1024xf32, #tpu.memory_space<vmem>> -> memref<1x32x1024xf32, #tpu.memory_space<vmem>>
    %dma_start3A_1342 = tpu.memref_squeeze %dma_start3A_1341 : memref<1x32x1024xf32, #tpu.memory_space<vmem>> -> memref<32x1024xf32, #tpu.memory_space<vmem>>
    %dma_start3A_1343 = arith.constant 96 : i32
    %dma_start3A_1344 = tpu.memref_slice %arg11[%dma_start3A_1337, %dma_start3A_1343] : memref<4x128xi32, #tpu.memory_space<vmem>> -> memref<1x32xi32, #tpu.memory_space<vmem>>
    %dma_start3A_1345 = tpu.memref_squeeze %dma_start3A_1344 : memref<1x32xi32, #tpu.memory_space<vmem>> -> memref<32xi32, #tpu.memory_space<vmem>>
    %dma_start3A_1346 = arith.constant 0 : i32
    %dma_start3A_1347 = arith.constant 0 : i32
    %dma_start3A_1348 = tpu.memref_slice %arg4[%dma_start3A_1346, %dma_start3A_1347] : memref<131072x1024xf32, #tpu.memory_space<hbm>> -> memref<131072x1024xf32, #tpu.memory_space<hbm>>
    tpu.enqueue_indirect_dma source(%dma_start3A_1348 : memref<131072x1024xf32, #tpu.memory_space<hbm>>) target(%dma_start3A_1342 : memref<32x1024xf32, #tpu.memory_space<vmem>>) offsets(%dma_start3A_1345 : memref<32xi32, #tpu.memory_space<vmem>>) semaphore(%arg15 : memref<!tpu.dma_semaphore, #tpu.memory_space<semaphore_mem>>)
    %dma_wait3A_1349 = arith.constant 3 : i32
    %dma_wait3A_1350 = arith.constant 1 : i32
    %dma_wait3A_1351 = arith.constant 0 : i32
    %dma_wait3A_1352 = arith.constant 0 : i32
    %dma_wait3A_1353 = tpu.memref_slice %arg13[%dma_wait3A_1350, %dma_wait3A_1351, %dma_wait3A_1352] : memref<3x32x1024xf32, #tpu.memory_space<vmem>> -> memref<1x32x1024xf32, #tpu.memory_space<vmem>>
    %dma_wait3A_1354 = tpu.memref_squeeze %dma_wait3A_1353 : memref<1x32x1024xf32, #tpu.memory_space<vmem>> -> memref<32x1024xf32, #tpu.memory_space<vmem>>
    %dma_wait3A_1355 = arith.constant 32 : i32
    %dma_wait3A_1356 = tpu.memref_slice %arg11[%dma_wait3A_1349, %dma_wait3A_1355] : memref<4x128xi32, #tpu.memory_space<vmem>> -> memref<1x32xi32, #tpu.memory_space<vmem>>
    %dma_wait3A_1357 = tpu.memref_squeeze %dma_wait3A_1356 : memref<1x32xi32, #tpu.memory_space<vmem>> -> memref<32xi32, #tpu.memory_space<vmem>>
    %dma_wait3A_1358 = arith.constant 0 : i32
    %dma_wait3A_1359 = arith.constant 0 : i32
    %dma_wait3A_1360 = tpu.memref_slice %arg4[%dma_wait3A_1358, %dma_wait3A_1359] : memref<131072x1024xf32, #tpu.memory_space<hbm>> -> memref<131072x1024xf32, #tpu.memory_space<hbm>>
    tpu.wait_indirect_dma semaphore(%arg16 : memref<!tpu.dma_semaphore, #tpu.memory_space<semaphore_mem>>) src(%dma_wait3A_1360 : memref<131072x1024xf32, #tpu.memory_space<hbm>>) dst(%dma_wait3A_1354 : memref<32x1024xf32, #tpu.memory_space<vmem>>)
    %add3A_1361 = arith.constant 32 : i32
    %add3A_1362 = arith.addi %mul3A_2, %add3A_1361 : i32
    %dma_start3A_1363 = arith.constant 1 : i32
    %dma_start3A_1364 = arith.constant 3 : i32
    %dma_start3A_1365 = arith.constant 0 : i32
    %dma_start3A_1366 = arith.constant 0 : i32
    %dma_start3A_1367 = tpu.memref_slice %arg13[%dma_start3A_1363, %dma_start3A_1365, %dma_start3A_1366] : memref<3x32x1024xf32, #tpu.memory_space<vmem>> -> memref<1x32x1024xf32, #tpu.memory_space<vmem>>
    %dma_start3A_1368 = tpu.memref_squeeze %dma_start3A_1367 : memref<1x32x1024xf32, #tpu.memory_space<vmem>> -> memref<32x1024xf32, #tpu.memory_space<vmem>>
    %dma_start3A_1369 = arith.constant 0 : i32
    %dma_start3A_1370 = tpu.memref_slice %arg5[%dma_start3A_1364, %add3A_1362, %dma_start3A_1369] : memref<4x4096x1024xf32, #tpu.memory_space<hbm>> -> memref<1x32x1024xf32, #tpu.memory_space<hbm>>
    %dma_start3A_1371 = tpu.memref_squeeze %dma_start3A_1370 : memref<1x32x1024xf32, #tpu.memory_space<hbm>> -> memref<32x1024xf32, #tpu.memory_space<hbm>>
    %dma_start3A_1372 = arith.constant 0 : i32
    %dma_start3A_1373 = tpu.memref_slice %arg5[%dma_start3A_1364, %add3A_1362, %dma_start3A_1372] : memref<4x4096x1024xf32, #tpu.memory_space<hbm>> -> memref<1x32x1024xf32, #tpu.memory_space<hbm>>
    %dma_start3A_1374 = tpu.memref_squeeze %dma_start3A_1373 : memref<1x32x1024xf32, #tpu.memory_space<hbm>> -> memref<32x1024xf32, #tpu.memory_space<hbm>>
    %dma_start3A_1375 = arith.constant 0 : i32
    %dma_start3A_1376 = arith.constant 0 : i32
    %dma_start3A_1377 = tpu.memref_slice %arg13[%dma_start3A_1363, %dma_start3A_1375, %dma_start3A_1376] : memref<3x32x1024xf32, #tpu.memory_space<vmem>> -> memref<1x32x1024xf32, #tpu.memory_space<vmem>>
    %dma_start3A_1378 = tpu.memref_squeeze %dma_start3A_1377 : memref<1x32x1024xf32, #tpu.memory_space<vmem>> -> memref<32x1024xf32, #tpu.memory_space<vmem>>
    tpu.enqueue_dma source(%dma_start3A_1378 : memref<32x1024xf32, #tpu.memory_space<vmem>>) target(%dma_start3A_1374 : memref<32x1024xf32, #tpu.memory_space<hbm>>) target_semaphore(%arg20 : memref<!tpu.dma_semaphore, #tpu.memory_space<semaphore_mem>>)
    %dma_wait3A_1379 = arith.constant 3 : i32
    %dma_wait3A_1380 = arith.constant 2 : i32
    %dma_wait3A_1381 = arith.constant 0 : i32
    %dma_wait3A_1382 = arith.constant 0 : i32
    %dma_wait3A_1383 = tpu.memref_slice %arg13[%dma_wait3A_1380, %dma_wait3A_1381, %dma_wait3A_1382] : memref<3x32x1024xf32, #tpu.memory_space<vmem>> -> memref<1x32x1024xf32, #tpu.memory_space<vmem>>
    %dma_wait3A_1384 = tpu.memref_squeeze %dma_wait3A_1383 : memref<1x32x1024xf32, #tpu.memory_space<vmem>> -> memref<32x1024xf32, #tpu.memory_space<vmem>>
    %dma_wait3A_1385 = arith.constant 64 : i32
    %dma_wait3A_1386 = tpu.memref_slice %arg11[%dma_wait3A_1379, %dma_wait3A_1385] : memref<4x128xi32, #tpu.memory_space<vmem>> -> memref<1x32xi32, #tpu.memory_space<vmem>>
    %dma_wait3A_1387 = tpu.memref_squeeze %dma_wait3A_1386 : memref<1x32xi32, #tpu.memory_space<vmem>> -> memref<32xi32, #tpu.memory_space<vmem>>
    %dma_wait3A_1388 = arith.constant 0 : i32
    %dma_wait3A_1389 = arith.constant 0 : i32
    %dma_wait3A_1390 = tpu.memref_slice %arg4[%dma_wait3A_1388, %dma_wait3A_1389] : memref<131072x1024xf32, #tpu.memory_space<hbm>> -> memref<131072x1024xf32, #tpu.memory_space<hbm>>
    tpu.wait_indirect_dma semaphore(%arg17 : memref<!tpu.dma_semaphore, #tpu.memory_space<semaphore_mem>>) src(%dma_wait3A_1390 : memref<131072x1024xf32, #tpu.memory_space<hbm>>) dst(%dma_wait3A_1384 : memref<32x1024xf32, #tpu.memory_space<vmem>>)
    %add3A_1391 = arith.constant 64 : i32
    %add3A_1392 = arith.addi %mul3A_2, %add3A_1391 : i32
    %dma_start3A_1393 = arith.constant 2 : i32
    %dma_start3A_1394 = arith.constant 3 : i32
    %dma_start3A_1395 = arith.constant 0 : i32
    %dma_start3A_1396 = arith.constant 0 : i32
    %dma_start3A_1397 = tpu.memref_slice %arg13[%dma_start3A_1393, %dma_start3A_1395, %dma_start3A_1396] : memref<3x32x1024xf32, #tpu.memory_space<vmem>> -> memref<1x32x1024xf32, #tpu.memory_space<vmem>>
    %dma_start3A_1398 = tpu.memref_squeeze %dma_start3A_1397 : memref<1x32x1024xf32, #tpu.memory_space<vmem>> -> memref<32x1024xf32, #tpu.memory_space<vmem>>
    %dma_start3A_1399 = arith.constant 0 : i32
    %dma_start3A_1400 = tpu.memref_slice %arg5[%dma_start3A_1394, %add3A_1392, %dma_start3A_1399] : memref<4x4096x1024xf32, #tpu.memory_space<hbm>> -> memref<1x32x1024xf32, #tpu.memory_space<hbm>>
    %dma_start3A_1401 = tpu.memref_squeeze %dma_start3A_1400 : memref<1x32x1024xf32, #tpu.memory_space<hbm>> -> memref<32x1024xf32, #tpu.memory_space<hbm>>
    %dma_start3A_1402 = arith.constant 0 : i32
    %dma_start3A_1403 = tpu.memref_slice %arg5[%dma_start3A_1394, %add3A_1392, %dma_start3A_1402] : memref<4x4096x1024xf32, #tpu.memory_space<hbm>> -> memref<1x32x1024xf32, #tpu.memory_space<hbm>>
    %dma_start3A_1404 = tpu.memref_squeeze %dma_start3A_1403 : memref<1x32x1024xf32, #tpu.memory_space<hbm>> -> memref<32x1024xf32, #tpu.memory_space<hbm>>
    %dma_start3A_1405 = arith.constant 0 : i32
    %dma_start3A_1406 = arith.constant 0 : i32
    %dma_start3A_1407 = tpu.memref_slice %arg13[%dma_start3A_1393, %dma_start3A_1405, %dma_start3A_1406] : memref<3x32x1024xf32, #tpu.memory_space<vmem>> -> memref<1x32x1024xf32, #tpu.memory_space<vmem>>
    %dma_start3A_1408 = tpu.memref_squeeze %dma_start3A_1407 : memref<1x32x1024xf32, #tpu.memory_space<vmem>> -> memref<32x1024xf32, #tpu.memory_space<vmem>>
    tpu.enqueue_dma source(%dma_start3A_1408 : memref<32x1024xf32, #tpu.memory_space<vmem>>) target(%dma_start3A_1404 : memref<32x1024xf32, #tpu.memory_space<hbm>>) target_semaphore(%arg21 : memref<!tpu.dma_semaphore, #tpu.memory_space<semaphore_mem>>)
    %dma_wait3A_1409 = arith.constant 3 : i32
    %dma_wait3A_1410 = arith.constant 0 : i32
    %dma_wait3A_1411 = arith.constant 0 : i32
    %dma_wait3A_1412 = arith.constant 0 : i32
    %dma_wait3A_1413 = tpu.memref_slice %arg13[%dma_wait3A_1410, %dma_wait3A_1411, %dma_wait3A_1412] : memref<3x32x1024xf32, #tpu.memory_space<vmem>> -> memref<1x32x1024xf32, #tpu.memory_space<vmem>>
    %dma_wait3A_1414 = tpu.memref_squeeze %dma_wait3A_1413 : memref<1x32x1024xf32, #tpu.memory_space<vmem>> -> memref<32x1024xf32, #tpu.memory_space<vmem>>
    %dma_wait3A_1415 = arith.constant 96 : i32
    %dma_wait3A_1416 = tpu.memref_slice %arg11[%dma_wait3A_1409, %dma_wait3A_1415] : memref<4x128xi32, #tpu.memory_space<vmem>> -> memref<1x32xi32, #tpu.memory_space<vmem>>
    %dma_wait3A_1417 = tpu.memref_squeeze %dma_wait3A_1416 : memref<1x32xi32, #tpu.memory_space<vmem>> -> memref<32xi32, #tpu.memory_space<vmem>>
    %dma_wait3A_1418 = arith.constant 0 : i32
    %dma_wait3A_1419 = arith.constant 0 : i32
    %dma_wait3A_1420 = tpu.memref_slice %arg4[%dma_wait3A_1418, %dma_wait3A_1419] : memref<131072x1024xf32, #tpu.memory_space<hbm>> -> memref<131072x1024xf32, #tpu.memory_space<hbm>>
    tpu.wait_indirect_dma semaphore(%arg15 : memref<!tpu.dma_semaphore, #tpu.memory_space<semaphore_mem>>) src(%dma_wait3A_1420 : memref<131072x1024xf32, #tpu.memory_space<hbm>>) dst(%dma_wait3A_1414 : memref<32x1024xf32, #tpu.memory_space<vmem>>)
    %add3A_1421 = arith.constant 96 : i32
    %add3A_1422 = arith.addi %mul3A_2, %add3A_1421 : i32
    %dma_start3A_1423 = arith.constant 0 : i32
    %dma_start3A_1424 = arith.constant 3 : i32
    %dma_start3A_1425 = arith.constant 0 : i32
    %dma_start3A_1426 = arith.constant 0 : i32
    %dma_start3A_1427 = tpu.memref_slice %arg13[%dma_start3A_1423, %dma_start3A_1425, %dma_start3A_1426] : memref<3x32x1024xf32, #tpu.memory_space<vmem>> -> memref<1x32x1024xf32, #tpu.memory_space<vmem>>
    %dma_start3A_1428 = tpu.memref_squeeze %dma_start3A_1427 : memref<1x32x1024xf32, #tpu.memory_space<vmem>> -> memref<32x1024xf32, #tpu.memory_space<vmem>>
    %dma_start3A_1429 = arith.constant 0 : i32
    %dma_start3A_1430 = tpu.memref_slice %arg5[%dma_start3A_1424, %add3A_1422, %dma_start3A_1429] : memref<4x4096x1024xf32, #tpu.memory_space<hbm>> -> memref<1x32x1024xf32, #tpu.memory_space<hbm>>
    %dma_start3A_1431 = tpu.memref_squeeze %dma_start3A_1430 : memref<1x32x1024xf32, #tpu.memory_space<hbm>> -> memref<32x1024xf32, #tpu.memory_space<hbm>>
    %dma_start3A_1432 = arith.constant 0 : i32
    %dma_start3A_1433 = tpu.memref_slice %arg5[%dma_start3A_1424, %add3A_1422, %dma_start3A_1432] : memref<4x4096x1024xf32, #tpu.memory_space<hbm>> -> memref<1x32x1024xf32, #tpu.memory_space<hbm>>
    %dma_start3A_1434 = tpu.memref_squeeze %dma_start3A_1433 : memref<1x32x1024xf32, #tpu.memory_space<hbm>> -> memref<32x1024xf32, #tpu.memory_space<hbm>>
    %dma_start3A_1435 = arith.constant 0 : i32
    %dma_start3A_1436 = arith.constant 0 : i32
    %dma_start3A_1437 = tpu.memref_slice %arg13[%dma_start3A_1423, %dma_start3A_1435, %dma_start3A_1436] : memref<3x32x1024xf32, #tpu.memory_space<vmem>> -> memref<1x32x1024xf32, #tpu.memory_space<vmem>>
    %dma_start3A_1438 = tpu.memref_squeeze %dma_start3A_1437 : memref<1x32x1024xf32, #tpu.memory_space<vmem>> -> memref<32x1024xf32, #tpu.memory_space<vmem>>
    tpu.enqueue_dma source(%dma_start3A_1438 : memref<32x1024xf32, #tpu.memory_space<vmem>>) target(%dma_start3A_1434 : memref<32x1024xf32, #tpu.memory_space<hbm>>) target_semaphore(%arg19 : memref<!tpu.dma_semaphore, #tpu.memory_space<semaphore_mem>>)
    %dma_wait3A_1439 = arith.constant 1 : i32
    %dma_wait3A_1440 = arith.constant 3 : i32
    %dma_wait3A_1441 = arith.constant 0 : i32
    %dma_wait3A_1442 = arith.constant 0 : i32
    %dma_wait3A_1443 = tpu.memref_slice %arg13[%dma_wait3A_1439, %dma_wait3A_1441, %dma_wait3A_1442] : memref<3x32x1024xf32, #tpu.memory_space<vmem>> -> memref<1x32x1024xf32, #tpu.memory_space<vmem>>
    %dma_wait3A_1444 = tpu.memref_squeeze %dma_wait3A_1443 : memref<1x32x1024xf32, #tpu.memory_space<vmem>> -> memref<32x1024xf32, #tpu.memory_space<vmem>>
    %dma_wait3A_1445 = arith.constant 0 : i32
    %dma_wait3A_1446 = tpu.memref_slice %arg5[%dma_wait3A_1440, %add3A_1362, %dma_wait3A_1445] : memref<4x4096x1024xf32, #tpu.memory_space<hbm>> -> memref<1x32x1024xf32, #tpu.memory_space<hbm>>
    %dma_wait3A_1447 = tpu.memref_squeeze %dma_wait3A_1446 : memref<1x32x1024xf32, #tpu.memory_space<hbm>> -> memref<32x1024xf32, #tpu.memory_space<hbm>>
    %dma_wait3A_1448 = arith.constant 0 : i32
    %dma_wait3A_1449 = tpu.memref_slice %arg5[%dma_wait3A_1440, %add3A_1362, %dma_wait3A_1448] : memref<4x4096x1024xf32, #tpu.memory_space<hbm>> -> memref<1x32x1024xf32, #tpu.memory_space<hbm>>
    %dma_wait3A_1450 = tpu.memref_squeeze %dma_wait3A_1449 : memref<1x32x1024xf32, #tpu.memory_space<hbm>> -> memref<32x1024xf32, #tpu.memory_space<hbm>>
    %dma_wait3A_1451 = arith.constant 0 : i32
    %dma_wait3A_1452 = arith.constant 0 : i32
    %dma_wait3A_1453 = tpu.memref_slice %arg13[%dma_wait3A_1439, %dma_wait3A_1451, %dma_wait3A_1452] : memref<3x32x1024xf32, #tpu.memory_space<vmem>> -> memref<1x32x1024xf32, #tpu.memory_space<vmem>>
    %dma_wait3A_1454 = tpu.memref_squeeze %dma_wait3A_1453 : memref<1x32x1024xf32, #tpu.memory_space<vmem>> -> memref<32x1024xf32, #tpu.memory_space<vmem>>
    tpu.wait_dma2 semaphore(%arg20 : memref<!tpu.dma_semaphore, #tpu.memory_space<semaphore_mem>>) src(%dma_wait3A_1454 : memref<32x1024xf32, #tpu.memory_space<vmem>>) dst(%dma_wait3A_1450 : memref<32x1024xf32, #tpu.memory_space<hbm>>)
    %dma_wait3A_1455 = arith.constant 2 : i32
    %dma_wait3A_1456 = arith.constant 3 : i32
    %dma_wait3A_1457 = arith.constant 0 : i32
    %dma_wait3A_1458 = arith.constant 0 : i32
    %dma_wait3A_1459 = tpu.memref_slice %arg13[%dma_wait3A_1455, %dma_wait3A_1457, %dma_wait3A_1458] : memref<3x32x1024xf32, #tpu.memory_space<vmem>> -> memref<1x32x1024xf32, #tpu.memory_space<vmem>>
    %dma_wait3A_1460 = tpu.memref_squeeze %dma_wait3A_1459 : memref<1x32x1024xf32, #tpu.memory_space<vmem>> -> memref<32x1024xf32, #tpu.memory_space<vmem>>
    %dma_wait3A_1461 = arith.constant 0 : i32
    %dma_wait3A_1462 = tpu.memref_slice %arg5[%dma_wait3A_1456, %add3A_1392, %dma_wait3A_1461] : memref<4x4096x1024xf32, #tpu.memory_space<hbm>> -> memref<1x32x1024xf32, #tpu.memory_space<hbm>>
    %dma_wait3A_1463 = tpu.memref_squeeze %dma_wait3A_1462 : memref<1x32x1024xf32, #tpu.memory_space<hbm>> -> memref<32x1024xf32, #tpu.memory_space<hbm>>
    %dma_wait3A_1464 = arith.constant 0 : i32
    %dma_wait3A_1465 = tpu.memref_slice %arg5[%dma_wait3A_1456, %add3A_1392, %dma_wait3A_1464] : memref<4x4096x1024xf32, #tpu.memory_space<hbm>> -> memref<1x32x1024xf32, #tpu.memory_space<hbm>>
    %dma_wait3A_1466 = tpu.memref_squeeze %dma_wait3A_1465 : memref<1x32x1024xf32, #tpu.memory_space<hbm>> -> memref<32x1024xf32, #tpu.memory_space<hbm>>
    %dma_wait3A_1467 = arith.constant 0 : i32
    %dma_wait3A_1468 = arith.constant 0 : i32
    %dma_wait3A_1469 = tpu.memref_slice %arg13[%dma_wait3A_1455, %dma_wait3A_1467, %dma_wait3A_1468] : memref<3x32x1024xf32, #tpu.memory_space<vmem>> -> memref<1x32x1024xf32, #tpu.memory_space<vmem>>
    %dma_wait3A_1470 = tpu.memref_squeeze %dma_wait3A_1469 : memref<1x32x1024xf32, #tpu.memory_space<vmem>> -> memref<32x1024xf32, #tpu.memory_space<vmem>>
    tpu.wait_dma2 semaphore(%arg21 : memref<!tpu.dma_semaphore, #tpu.memory_space<semaphore_mem>>) src(%dma_wait3A_1470 : memref<32x1024xf32, #tpu.memory_space<vmem>>) dst(%dma_wait3A_1466 : memref<32x1024xf32, #tpu.memory_space<hbm>>)
    %dma_wait3A_1471 = arith.constant 0 : i32
    %dma_wait3A_1472 = arith.constant 3 : i32
    %dma_wait3A_1473 = arith.constant 0 : i32
    %dma_wait3A_1474 = arith.constant 0 : i32
    %dma_wait3A_1475 = tpu.memref_slice %arg13[%dma_wait3A_1471, %dma_wait3A_1473, %dma_wait3A_1474] : memref<3x32x1024xf32, #tpu.memory_space<vmem>> -> memref<1x32x1024xf32, #tpu.memory_space<vmem>>
    %dma_wait3A_1476 = tpu.memref_squeeze %dma_wait3A_1475 : memref<1x32x1024xf32, #tpu.memory_space<vmem>> -> memref<32x1024xf32, #tpu.memory_space<vmem>>
    %dma_wait3A_1477 = arith.constant 0 : i32
    %dma_wait3A_1478 = tpu.memref_slice %arg5[%dma_wait3A_1472, %add3A_1422, %dma_wait3A_1477] : memref<4x4096x1024xf32, #tpu.memory_space<hbm>> -> memref<1x32x1024xf32, #tpu.memory_space<hbm>>
    %dma_wait3A_1479 = tpu.memref_squeeze %dma_wait3A_1478 : memref<1x32x1024xf32, #tpu.memory_space<hbm>> -> memref<32x1024xf32, #tpu.memory_space<hbm>>
    %dma_wait3A_1480 = arith.constant 0 : i32
    %dma_wait3A_1481 = tpu.memref_slice %arg5[%dma_wait3A_1472, %add3A_1422, %dma_wait3A_1480] : memref<4x4096x1024xf32, #tpu.memory_space<hbm>> -> memref<1x32x1024xf32, #tpu.memory_space<hbm>>
    %dma_wait3A_1482 = tpu.memref_squeeze %dma_wait3A_1481 : memref<1x32x1024xf32, #tpu.memory_space<hbm>> -> memref<32x1024xf32, #tpu.memory_space<hbm>>
    %dma_wait3A_1483 = arith.constant 0 : i32
    %dma_wait3A_1484 = arith.constant 0 : i32
    %dma_wait3A_1485 = tpu.memref_slice %arg13[%dma_wait3A_1471, %dma_wait3A_1483, %dma_wait3A_1484] : memref<3x32x1024xf32, #tpu.memory_space<vmem>> -> memref<1x32x1024xf32, #tpu.memory_space<vmem>>
    %dma_wait3A_1486 = tpu.memref_squeeze %dma_wait3A_1485 : memref<1x32x1024xf32, #tpu.memory_space<vmem>> -> memref<32x1024xf32, #tpu.memory_space<vmem>>
    tpu.wait_dma2 semaphore(%arg19 : memref<!tpu.dma_semaphore, #tpu.memory_space<semaphore_mem>>) src(%dma_wait3A_1486 : memref<32x1024xf32, #tpu.memory_space<vmem>>) dst(%dma_wait3A_1482 : memref<32x1024xf32, #tpu.memory_space<hbm>>)
    %dma_wait3A_1487 = tpu.memref_slice %arg6[%mul3A_2] : memref<4096xi32, #tpu.memory_space<hbm>> -> memref<128xi32, #tpu.memory_space<hbm>>
    %dma_wait3A_1488 = tpu.memref_slice %arg6[%mul3A_2] : memref<4096xi32, #tpu.memory_space<hbm>> -> memref<128xi32, #tpu.memory_space<hbm>>
    tpu.wait_dma2 semaphore(%arg14 : memref<!tpu.dma_semaphore, #tpu.memory_space<semaphore_mem>>) src(%arg12 : memref<128xi32, #tpu.memory_space<vmem>>) dst(%dma_wait3A_1488 : memref<128xi32, #tpu.memory_space<hbm>>)
    return
  }
}

module attributes {stable_mosaic.version = 14 : i64} {
  func.func @_tc_body(%arg0: i32, %arg1: memref<512x1024xf32, #tpu.memory_space<vmem>>, %arg2: memref<4x512x1024xf32, #tpu.memory_space<vmem>>, %arg3: memref<512x1xi32, #tpu.memory_space<vmem>>, %arg4: memref<2048x1024xbf16, #tpu.memory_space<vmem>>, %arg5: memref<1024x3072xbf16, #tpu.memory_space<vmem>>, %arg6: memref<512x1024xf32, #tpu.memory_space<vmem>>) attributes {dimension_semantics = [#tpu.dimension_semantics<arbitrary>], iteration_bounds = array<i64: 8>, scalar_prefetch = 0 : i64, scratch_operands = 0 : i64, tpu.core_type = #tpu.core_type<tc>, window_params = [{transform_indices = @transform_0, window_bounds = array<i64: 512, 1024>}, {transform_indices = @transform_1, window_bounds = array<i64: 4, 512, 1024>}, {transform_indices = @transform_2, window_bounds = array<i64: 512, 1>}, {pipeline_mode = #tpu.pipeline_mode<synchronous>, transform_indices = @transform_3, window_bounds = array<i64: 2048, 1024>}, {pipeline_mode = #tpu.pipeline_mode<synchronous>, transform_indices = @transform_4, window_bounds = array<i64: 1024, 3072>}, {transform_indices = @transform_5, window_bounds = array<i64: 512, 1024>}]} {
    %get3A = arith.constant 0 : index
    %get3A_0 = arith.constant 0 : index
    %get3A_1 = vector.load %arg1[%get3A, %get3A_0] : memref<512x1024xf32, #tpu.memory_space<vmem>>, vector<512x1024xf32>
    %mul3A = arith.mulf %get3A_1, %get3A_1 : vector<512x1024xf32>
    %reduce_sum3A = arith.constant dense<0.000000e+00> : vector<512xf32>
    %reduce_sum3A_2 = vector.multi_reduction <add>, %mul3A, %reduce_sum3A [1] : vector<512x1024xf32> to vector<512xf32>
    %broadcast_in_dim3A = vector.shape_cast %reduce_sum3A_2 : vector<512xf32> to vector<512x1xf32>
    %div3A = arith.constant 1.024000e+03 : f32
    %div3A_3 = vector.broadcast %div3A : f32 to vector<512x1xf32>
    %div3A_4 = arith.divf %broadcast_in_dim3A, %div3A_3 : vector<512x1xf32>
    %add3A = arith.constant 1.1920929E-7 : f32
    %add3A_5 = vector.broadcast %add3A : f32 to vector<512x1xf32>
    %add3A_6 = arith.addf %div3A_4, %add3A_5 : vector<512x1xf32>
    %rsqrt3A = math.rsqrt %add3A_6 : vector<512x1xf32>
    %mul3A_7 = vector.broadcast %rsqrt3A : vector<512x1xf32> to vector<512x1024xf32>
    %mul3A_8 = arith.mulf %get3A_1, %mul3A_7 : vector<512x1024xf32>
    %get3A_9 = arith.constant 0 : index
    %get3A_10 = arith.constant 0 : index
    %get3A_11 = vector.load %arg3[%get3A_9, %get3A_10] : memref<512x1xi32, #tpu.memory_space<vmem>>, vector<512x1xi32>
    %get3A_12 = arith.constant 0 : index
    %get3A_13 = arith.constant 0 : index
    %get3A_14 = arith.constant 0 : index
    %get3A_15 = vector.load %arg2[%get3A_12, %get3A_13, %get3A_14] : memref<4x512x1024xf32, #tpu.memory_space<vmem>>, vector<1x512x1024xf32>
    %get3A_16 = vector.shape_cast %get3A_15 : vector<1x512x1024xf32> to vector<512x1024xf32>
    %get3A_17 = arith.constant 1 : index
    %get3A_18 = arith.constant 0 : index
    %get3A_19 = arith.constant 0 : index
    %get3A_20 = vector.load %arg2[%get3A_17, %get3A_18, %get3A_19] : memref<4x512x1024xf32, #tpu.memory_space<vmem>>, vector<1x512x1024xf32>
    %get3A_21 = vector.shape_cast %get3A_20 : vector<1x512x1024xf32> to vector<512x1024xf32>
    %get3A_22 = arith.constant 2 : index
    %get3A_23 = arith.constant 0 : index
    %get3A_24 = arith.constant 0 : index
    %get3A_25 = vector.load %arg2[%get3A_22, %get3A_23, %get3A_24] : memref<4x512x1024xf32, #tpu.memory_space<vmem>>, vector<1x512x1024xf32>
    %get3A_26 = vector.shape_cast %get3A_25 : vector<1x512x1024xf32> to vector<512x1024xf32>
    %get3A_27 = arith.constant 3 : index
    %get3A_28 = arith.constant 0 : index
    %get3A_29 = arith.constant 0 : index
    %get3A_30 = vector.load %arg2[%get3A_27, %get3A_28, %get3A_29] : memref<4x512x1024xf32, #tpu.memory_space<vmem>>, vector<1x512x1024xf32>
    %get3A_31 = vector.shape_cast %get3A_30 : vector<1x512x1024xf32> to vector<512x1024xf32>
    %mul3A_32 = arith.mulf %get3A_16, %mul3A_8 : vector<512x1024xf32>
    %reduce_sum3A_33 = arith.constant dense<0.000000e+00> : vector<512xf32>
    %reduce_sum3A_34 = vector.multi_reduction <add>, %mul3A_32, %reduce_sum3A_33 [1] : vector<512x1024xf32> to vector<512xf32>
    %broadcast_in_dim3A_35 = vector.shape_cast %reduce_sum3A_34 : vector<512xf32> to vector<512x1xf32>
    %mul3A_36 = arith.mulf %get3A_21, %mul3A_8 : vector<512x1024xf32>
    %reduce_sum3A_37 = arith.constant dense<0.000000e+00> : vector<512xf32>
    %reduce_sum3A_38 = vector.multi_reduction <add>, %mul3A_36, %reduce_sum3A_37 [1] : vector<512x1024xf32> to vector<512xf32>
    %broadcast_in_dim3A_39 = vector.shape_cast %reduce_sum3A_38 : vector<512xf32> to vector<512x1xf32>
    %mul3A_40 = arith.mulf %get3A_26, %mul3A_8 : vector<512x1024xf32>
    %reduce_sum3A_41 = arith.constant dense<0.000000e+00> : vector<512xf32>
    %reduce_sum3A_42 = vector.multi_reduction <add>, %mul3A_40, %reduce_sum3A_41 [1] : vector<512x1024xf32> to vector<512xf32>
    %broadcast_in_dim3A_43 = vector.shape_cast %reduce_sum3A_42 : vector<512xf32> to vector<512x1xf32>
    %mul3A_44 = arith.mulf %get3A_31, %mul3A_8 : vector<512x1024xf32>
    %reduce_sum3A_45 = arith.constant dense<0.000000e+00> : vector<512xf32>
    %reduce_sum3A_46 = vector.multi_reduction <add>, %mul3A_44, %reduce_sum3A_45 [1] : vector<512x1024xf32> to vector<512xf32>
    %broadcast_in_dim3A_47 = vector.shape_cast %reduce_sum3A_46 : vector<512xf32> to vector<512x1xf32>
    %gt3A = arith.constant 1 : i32
    %gt3A_48 = vector.broadcast %gt3A : i32 to vector<512x1xi32>
    %gt3A_49 = arith.cmpi sgt, %get3A_11, %gt3A_48 : vector<512x1xi32>
    %max3A = arith.maximumf %broadcast_in_dim3A_35, %broadcast_in_dim3A_39 : vector<512x1xf32>
    %select_n3A = arith.select %gt3A_49, %max3A, %broadcast_in_dim3A_35 : vector<512x1xi1>, vector<512x1xf32>
    %gt3A_50 = arith.constant 2 : i32
    %gt3A_51 = vector.broadcast %gt3A_50 : i32 to vector<512x1xi32>
    %gt3A_52 = arith.cmpi sgt, %get3A_11, %gt3A_51 : vector<512x1xi32>
    %max3A_53 = arith.maximumf %select_n3A, %broadcast_in_dim3A_43 : vector<512x1xf32>
    %select_n3A_54 = arith.select %gt3A_52, %max3A_53, %select_n3A : vector<512x1xi1>, vector<512x1xf32>
    %gt3A_55 = arith.constant 3 : i32
    %gt3A_56 = vector.broadcast %gt3A_55 : i32 to vector<512x1xi32>
    %gt3A_57 = arith.cmpi sgt, %get3A_11, %gt3A_56 : vector<512x1xi32>
    %max3A_58 = arith.maximumf %select_n3A_54, %broadcast_in_dim3A_47 : vector<512x1xf32>
    %select_n3A_59 = arith.select %gt3A_57, %max3A_58, %select_n3A_54 : vector<512x1xi1>, vector<512x1xf32>
    %sub3A = arith.subf %broadcast_in_dim3A_35, %select_n3A_59 : vector<512x1xf32>
    %exp3A = math.exp %sub3A : vector<512x1xf32>
    %gt3A_60 = arith.constant 1 : i32
    %gt3A_61 = vector.broadcast %gt3A_60 : i32 to vector<512x1xi32>
    %gt3A_62 = arith.cmpi sgt, %get3A_11, %gt3A_61 : vector<512x1xi32>
    %sub3A_63 = arith.subf %broadcast_in_dim3A_39, %select_n3A_59 : vector<512x1xf32>
    %exp3A_64 = math.exp %sub3A_63 : vector<512x1xf32>
    %jit3A = arith.constant 0.000000e+00 : f32
    %broadcast_in_dim3A_65 = vector.broadcast %jit3A : f32 to vector<512x1xf32>
    %select_n3A_66 = arith.select %gt3A_62, %exp3A_64, %broadcast_in_dim3A_65 : vector<512x1xi1>, vector<512x1xf32>
    %gt3A_67 = arith.constant 2 : i32
    %gt3A_68 = vector.broadcast %gt3A_67 : i32 to vector<512x1xi32>
    %gt3A_69 = arith.cmpi sgt, %get3A_11, %gt3A_68 : vector<512x1xi32>
    %sub3A_70 = arith.subf %broadcast_in_dim3A_43, %select_n3A_59 : vector<512x1xf32>
    %exp3A_71 = math.exp %sub3A_70 : vector<512x1xf32>
    %jit3A_72 = arith.constant 0.000000e+00 : f32
    %broadcast_in_dim3A_73 = vector.broadcast %jit3A_72 : f32 to vector<512x1xf32>
    %select_n3A_74 = arith.select %gt3A_69, %exp3A_71, %broadcast_in_dim3A_73 : vector<512x1xi1>, vector<512x1xf32>
    %gt3A_75 = arith.constant 3 : i32
    %gt3A_76 = vector.broadcast %gt3A_75 : i32 to vector<512x1xi32>
    %gt3A_77 = arith.cmpi sgt, %get3A_11, %gt3A_76 : vector<512x1xi32>
    %sub3A_78 = arith.subf %broadcast_in_dim3A_47, %select_n3A_59 : vector<512x1xf32>
    %exp3A_79 = math.exp %sub3A_78 : vector<512x1xf32>
    %jit3A_80 = arith.constant 0.000000e+00 : f32
    %broadcast_in_dim3A_81 = vector.broadcast %jit3A_80 : f32 to vector<512x1xf32>
    %select_n3A_82 = arith.select %gt3A_77, %exp3A_79, %broadcast_in_dim3A_81 : vector<512x1xi1>, vector<512x1xf32>
    %add3A_83 = arith.addf %exp3A, %select_n3A_66 : vector<512x1xf32>
    %add3A_84 = arith.addf %add3A_83, %select_n3A_74 : vector<512x1xf32>
    %add3A_85 = arith.addf %add3A_84, %select_n3A_82 : vector<512x1xf32>
    %div3A_86 = arith.constant 1.000000e+00 : f32
    %div3A_87 = vector.broadcast %div3A_86 : f32 to vector<512x1xf32>
    %div3A_88 = arith.divf %div3A_87, %add3A_85 : vector<512x1xf32>
    %mul3A_89 = arith.mulf %exp3A, %div3A_88 : vector<512x1xf32>
    %mul3A_90 = vector.broadcast %mul3A_89 : vector<512x1xf32> to vector<512x1024xf32>
    %mul3A_91 = arith.mulf %mul3A_90, %get3A_16 : vector<512x1024xf32>
    %mul3A_92 = arith.mulf %select_n3A_66, %div3A_88 : vector<512x1xf32>
    %mul3A_93 = vector.broadcast %mul3A_92 : vector<512x1xf32> to vector<512x1024xf32>
    %mul3A_94 = arith.mulf %mul3A_93, %get3A_21 : vector<512x1024xf32>
    %add3A_95 = arith.addf %mul3A_91, %mul3A_94 : vector<512x1024xf32>
    %mul3A_96 = arith.mulf %select_n3A_74, %div3A_88 : vector<512x1xf32>
    %mul3A_97 = vector.broadcast %mul3A_96 : vector<512x1xf32> to vector<512x1024xf32>
    %mul3A_98 = arith.mulf %mul3A_97, %get3A_26 : vector<512x1024xf32>
    %add3A_99 = arith.addf %add3A_95, %mul3A_98 : vector<512x1024xf32>
    %mul3A_100 = arith.mulf %select_n3A_82, %div3A_88 : vector<512x1xf32>
    %mul3A_101 = vector.broadcast %mul3A_100 : vector<512x1xf32> to vector<512x1024xf32>
    %mul3A_102 = arith.mulf %mul3A_101, %get3A_31 : vector<512x1024xf32>
    %add3A_103 = arith.addf %add3A_99, %mul3A_102 : vector<512x1024xf32>
    %convert_element_type3A = arith.truncf %add3A_103 : vector<512x1024xf32> to vector<512x1024xbf16>
    %get3A_104 = arith.constant 0 : index
    %get3A_105 = arith.constant 0 : index
    %get3A_106 = vector.load %arg4[%get3A_104, %get3A_105] : memref<2048x1024xbf16, #tpu.memory_space<vmem>>, vector<2048x1024xbf16>
    %dot_general3A = arith.constant dense<0.000000e+00> : vector<512x2048xf32>
    %dot_general3A_107 = tpu.matmul %convert_element_type3A, %get3A_106, %dot_general3A {dimension_numbers = #tpu.dot_dimension_numbers<[1], [1], [0], [0], [0, 0, 1, 0], [], []>, transpose_lhs_hint = false} : vector<512x1024xbf16>, vector<2048x1024xbf16>, vector<512x2048xf32> -> vector<512x2048xf32>
    %mul3A_108 = arith.mulf %dot_general3A_107, %dot_general3A_107 : vector<512x2048xf32>
    %reduce_sum3A_109 = arith.constant dense<0.000000e+00> : vector<512xf32>
    %reduce_sum3A_110 = vector.multi_reduction <add>, %mul3A_108, %reduce_sum3A_109 [1] : vector<512x2048xf32> to vector<512xf32>
    %broadcast_in_dim3A_111 = vector.shape_cast %reduce_sum3A_110 : vector<512xf32> to vector<512x1xf32>
    %div3A_112 = arith.constant 2.048000e+03 : f32
    %div3A_113 = vector.broadcast %div3A_112 : f32 to vector<512x1xf32>
    %div3A_114 = arith.divf %broadcast_in_dim3A_111, %div3A_113 : vector<512x1xf32>
    %add3A_115 = arith.constant 1.1920929E-7 : f32
    %add3A_116 = vector.broadcast %add3A_115 : f32 to vector<512x1xf32>
    %add3A_117 = arith.addf %div3A_114, %add3A_116 : vector<512x1xf32>
    %rsqrt3A_118 = math.rsqrt %add3A_117 : vector<512x1xf32>
    %mul3A_119 = vector.broadcast %rsqrt3A_118 : vector<512x1xf32> to vector<512x2048xf32>
    %mul3A_120 = arith.mulf %dot_general3A_107, %mul3A_119 : vector<512x2048xf32>
    %convert_element_type3A_121 = arith.truncf %mul3A_120 : vector<512x2048xf32> to vector<512x2048xbf16>
    %get3A_122 = arith.constant 0 : index
    %get3A_123 = arith.constant 0 : index
    %get3A_124 = vector.load %arg5[%get3A_122, %get3A_123] : memref<1024x3072xbf16, #tpu.memory_space<vmem>>, vector<1024x2048xbf16>
    %dot_general3A_125 = arith.constant dense<0.000000e+00> : vector<512x1024xf32>
    %dot_general3A_126 = tpu.matmul %convert_element_type3A_121, %get3A_124, %dot_general3A_125 {dimension_numbers = #tpu.dot_dimension_numbers<[1], [1], [0], [0], [0, 0, 1, 0], [], []>, transpose_lhs_hint = false} : vector<512x2048xbf16>, vector<1024x2048xbf16>, vector<512x1024xf32> -> vector<512x1024xf32>
    %convert_element_type3A_127 = arith.truncf %get3A_1 : vector<512x1024xf32> to vector<512x1024xbf16>
    %get3A_128 = arith.constant 0 : index
    %get3A_129 = arith.constant 2048 : index
    %get3A_130 = vector.load %arg5[%get3A_128, %get3A_129] : memref<1024x3072xbf16, #tpu.memory_space<vmem>>, vector<1024x1024xbf16>
    %dot_general3A_131 = arith.constant dense<0.000000e+00> : vector<512x1024xf32>
    %dot_general3A_132 = tpu.matmul %convert_element_type3A_127, %get3A_130, %dot_general3A_131 {dimension_numbers = #tpu.dot_dimension_numbers<[1], [1], [0], [0], [0, 0, 1, 0], [], []>, transpose_lhs_hint = false} : vector<512x1024xbf16>, vector<1024x1024xbf16>, vector<512x1024xf32> -> vector<512x1024xf32>
    %add3A_133 = arith.addf %dot_general3A_126, %dot_general3A_132 : vector<512x1024xf32>
    %swap3A = arith.constant 0 : index
    %swap3A_134 = arith.constant 0 : index
    %swap3A_135 = vector.load %arg6[%swap3A, %swap3A_134] : memref<512x1024xf32, #tpu.memory_space<vmem>>, vector<512x1024xf32>
    tpu.vector_store %arg6[%swap3A, %swap3A_134], %add3A_133 {strides = array<i32>} : memref<512x1024xf32, #tpu.memory_space<vmem>>, vector<512x1024xf32>,
    return
  }
  func.func @transform_0(%arg0: i32) -> (i32, i32) {
    %c0_i32 = arith.constant 0 : i32
    %c0_i32_0 = arith.constant 0 : i32
    return %arg0, %c0_i32 : i32, i32
  }
  func.func @transform_1(%arg0: i32) -> (i32, i32, i32) {
    %c0_i32 = arith.constant 0 : i32
    %c0_i32_0 = arith.constant 0 : i32
    %c0_i32_1 = arith.constant 0 : i32
    return %c0_i32, %arg0, %c0_i32_0 : i32, i32, i32
  }
  func.func @transform_2(%arg0: i32) -> (i32, i32) {
    %c0_i32 = arith.constant 0 : i32
    %c0_i32_0 = arith.constant 0 : i32
    return %arg0, %c0_i32 : i32, i32
  }
  func.func @transform_3(%arg0: i32) -> (i32, i32) {
    %c0_i32 = arith.constant 0 : i32
    %c0_i32_0 = arith.constant 0 : i32
    %c0_i32_1 = arith.constant 0 : i32
    return %c0_i32, %c0_i32_0 : i32, i32
  }
  func.func @transform_4(%arg0: i32) -> (i32, i32) {
    %c0_i32 = arith.constant 0 : i32
    %c0_i32_0 = arith.constant 0 : i32
    %c0_i32_1 = arith.constant 0 : i32
    return %c0_i32, %c0_i32_0 : i32, i32
  }
  func.func @transform_5(%arg0: i32) -> (i32, i32) {
    %c0_i32 = arith.constant 0 : i32
    %c0_i32_0 = arith.constant 0 : i32
    return %arg0, %c0_i32 : i32, i32
  }
}

</mosaic_0001>

<sc_bundles>
// kernel: kernel.4.cloned.1.call-start
scs
__scs_entry_jumppad:
0x0: {  	(pc) =	sbr.rel $0x88, $3  }
0x1: {  	(tag) =	ssettag $0x0;
	lr =	simm.s32 $0x1  }
0x2: {  	[smem:$0x3F9B] =	sst lr;
	_ =	strace $0xD0000000  }
0x3: {  	_ = 	snop  }
0x4: {  	_ = 	snop  }
0x5: {  	_ = 	snop  }
0x6: {  	_ = 	snop  }
0x7: {  	_ = 	snop  }
__scs_overlays_trampoline_lowered:
0x8: {  	[smem:$0x3FAA] =	sst s0  }
0x9: {  	[smem:$0x3FAB] =	sst s1  }
0xa: {  	[smem:$0x3FAC] =	sst s2  }
0xb: {  	[smem:$0x3FAD] =	sst s3  }
0xc: {  	[smem:$0x3FAE] =	sst s4  }
0xd: {  	[smem:$0x3FAF] =	sst s5  }
0xe: {  	[smem:$0x3FB0] =	sst s6  }
0xf: {  	[smem:$0x3FB1] =	sst s7  }
0x10: {  	[smem:$0x3FB2] =	sst s8  }
0x11: {  	[smem:$0x3FB3] =	sst s9;
	s0 =	simm.s32 @!p0 $0x0  }
0x12: {  	s1 =	sld [smem:$0x3F99];
	s0 =	simm.s32 @p0 $0x1  }
0x13: {  	[smem:$0x3FB4] =	sst s0;
	s0 =	simm.s32 @!p1 $0x0  }
0x14: {  	s2 =	sld [smem:$0x3F98];
	s0 =	simm.s32 @p1 $0x1  }
0x15: {  	[smem:$0x3FB5] =	sst s0;
	s0 =	simm.s32 @!p2 $0x0  }
0x16: {  	s3 =	sld [smem:$0x3FDB];
	s0 =	simm.s32 @p2 $0x1  }
0x17: {  	s4 =	simm.s32 $0x1BF5;
	[smem:$0x3FB7] =	sst s0  }
0x18: {  	s0 =	sld [smem:$0x3F9A];
	_ =	swait.ge [sflag:s4], $0x0  }
0x19: {  	s7 =	sld [smem:$0x3F9B]  }
0x1a: {  	s8 =	sadd.s32 $0xFFFFE003, lr  }
0x1b: {  	s9 =	sadd.s32 $0xFFFFFEF7, lr;
	s5 =	simm.s32 $0xFFFFFFFF;
	p2 =	slt.u32 s8, $0xFFFFF086  }
0x1c: {  	p1 =	slt.u32 s9, $0xF7A;
	s5 =	simm.s32 @!p2 $0x0  }
0x1d: {  	s5 =	simm.s32 @p1 $0x1;
	p0 =	seq.s32 s7, s2  }
0x1e: {  	s7 =	smul.u32 @!p0 $0xF7A, s2;
	p2 =	seq.s32 @!p0 s5, $0x0  }
0x1f: {  	s9 =	smul.u32 $0xF7A, s1;
	s8 =	simm.s32 @!p0 $0x1BF5;
	p2 =	por !p2, p0  }
0x20: {  	[sflag:s8] =	ssyncset.s32 @!p0 $0xFFFFF086;
	s6 =	sadd.s32 @!p0 s3, s7;
	s7 =	simm.s32 @!p0 $0x108  }
0x21: {  	s3 =	sadd.s32 s3, s9;
	s6 =	sadd.s32 @!p0 $0x88, s6;
	s7 =	simm.s32 @p2 $0x1082  }
0x22: {  	[simem:s7], [sflag:s8] =	dma.local @!p0 [hbm:s6], $0xF7A  }
0x23: {  	s9 =	sor.u32 $0xD0000000, s2;
	s6 =	simm.s32 $0x108;
	_ =	swait.ge @!p0 [sflag:s8], $0x0  }
0x24: {  	s3 =	sadd.s32 $0x88, s3;
	s6 =	simm.s32 @!p1 $0x1082;
	[sflag:s4] =	ssyncset.s32 $0xFFFFF086  }
0x25: {  	[simem:s6], [sflag:s4] =	dma.local [hbm:s3], $0xF7A  }
0x26: {  	[smem:$0x3F9B] =	sst s1;
	(tag) =	ssettag s2;
	_ =	strace s9  }
0x27: {  	s1 =	sld [smem:$0x3FAB]  }
0x28: {  	s2 =	sld [smem:$0x3FAC]  }
0x29: {  	s4 =	sld [smem:$0x3FAE]  }
0x2a: {  	p0 =	seq.s32 s5, $0x0;
	s5 =	sld [smem:$0x3FAF]  }
0x2b: {  	s6 =	sld [smem:$0x3FB0]  }
0x2c: {  	s7 =	sld [smem:$0x3FB1]  }
0x2d: {  	s3 =	simm.s32 $0x108;
	s8 =	sld [smem:$0x3FB2]  }
0x2e: {  	s3 =	simm.s32 @!p0 $0x1082;
	s9 =	sld [smem:$0x3FB3]  }
0x2f: {  	lr =	sadd.s32 s0, s3;
	s0 =	sld [smem:$0x3FAA]  }
0x30: {  	s3 =	sld [smem:$0x3FAD]  }
0x31: {  	[smem:$0x3FB6] =	sst s10  }
0x32: {  	s10 =	sld [smem:$0x3FB4];
	_ =	sdelay $0x3  }
0x33: {  	p0 =	seq.s32 s10, $0x1;
	s10 =	sld [smem:$0x3FB6];
	_ =	sdelay $0x3  }
0x34: {  	[smem:$0x3FB6] =	sst s10  }
0x35: {  	s10 =	sld [smem:$0x3FB5];
	_ =	sdelay $0x3  }
0x36: {  	p1 =	seq.s32 s10, $0x1;
	s10 =	sld [smem:$0x3FB6];
	_ =	sdelay $0x3  }
0x37: {  	[smem:$0x3FB6] =	sst s10  }
0x38: {  	s10 =	sld [smem:$0x3FB7]  }
0x39: {  	_ = 	snop;
	(pc) =	sbr.ind lr, $3  }
0x3a: {  	_ = 	snop  }
0x3b: {  	_ = 	snop  }
0x3c: {  	p2 =	seq.s32 s10, $0x1;
	s10 =	sld [smem:$0x3FB6]  }
0x3d: {  	_ =	shalt  }
0x3e: {  	_ =	shalt  }
0x3f: {  	_ =	shalt  }
0x40: {  	_ =	shalt  }
0x41: {  	_ =	shalt  }
0x42: {  	_ =	shalt  }
0x43: {  	_ =	shalt  }
0x44: {  	_ =	shalt  }
0x45: {  	_ =	shalt  }
0x46: {  	_ =	shalt  }
0x47: {  	_ =	shalt  }
0x48: {  	_ =	shalt  }
0x49: {  	_ =	shalt  }
0x4a: {  	_ =	shalt  }
0x4b: {  	_ =	shalt  }
0x4c: {  	_ =	shalt  }
0x4d: {  	_ =	shalt  }
0x4e: {  	_ =	shalt  }
0x4f: {  	_ =	shalt  }
0x50: {  	_ =	shalt  }
0x51: {  	_ =	shalt  }
0x52: {  	_ =	shalt  }
0x53: {  	_ =	shalt  }
0x54: {  	_ =	shalt  }
0x55: {  	_ =	shalt  }
0x56: {  	_ =	shalt  }
0x57: {  	_ =	shalt  }
0x58: {  	_ =	shalt  }
0x59: {  	_ =	shalt  }
0x5a: {  	_ =	shalt  }
0x5b: {  	_ =	shalt  }
0x5c: {  	_ =	shalt  }
0x5d: {  	_ =	shalt  }
0x5e: {  	_ =	shalt  }
0x5f: {  	_ =	shalt  }
0x60: {  	_ =	shalt  }
0x61: {  	_ =	shalt  }
0x62: {  	_ =	shalt  }
0x63: {  	_ =	shalt  }
0x64: {  	_ =	shalt  }
0x65: {  	_ =	shalt  }
0x66: {  	_ =	shalt  }
0x67: {  	_ =	shalt  }
0x68: {  	_ =	shalt  }
0x69: {  	_ =	shalt  }
0x6a: {  	_ =	shalt  }
0x6b: {  	_ =	shalt  }
0x6c: {  	_ =	shalt  }
0x6d: {  	_ =	shalt  }
0x6e: {  	_ =	shalt  }
0x6f: {  	_ =	shalt  }
0x70: {  	_ =	shalt  }
0x71: {  	_ =	shalt  }
0x72: {  	_ =	shalt  }
0x73: {  	_ =	shalt  }
0x74: {  	_ =	shalt  }
0x75: {  	_ =	shalt  }
0x76: {  	_ =	shalt  }
0x77: {  	_ =	shalt  }
0x78: {  	_ =	shalt  }
0x79: {  	_ =	shalt  }
0x7a: {  	_ =	shalt  }
0x7b: {  	_ =	shalt  }
0x7c: {  	_ =	shalt  }
0x7d: {  	_ =	shalt  }
0x7e: {  	_ =	shalt  }
0x7f: {  	_ =	shalt  }
0x80: {  	_ =	shalt  }
0x81: {  	_ =	shalt  }
0x82: {  	_ =	shalt  }
0x83: {  	_ =	shalt  }
0x84: {  	_ =	shalt  }
0x85: {  	_ =	shalt  }
0x86: {  	_ =	shalt  }
0x87: {  	_ =	shalt  }
.Lfunc_end0:
.L_simem_size_0:
called_computation_lowered:
.L_overlay_start_0:
0x88: {  	s2 =	sld [smem:$0x3FD9]  }
0x89: {  	s3 =	sld [smem:$0x3FFE];
	_ =	sdelay $0x1  }
0x8a: {  	s1 =	srdreg.scid  }
0x8b: {  	s0 =	sand.u32 $0x1, s1  }
0x8c: {  	s17 =	sshll.u32 s0, $0xA;
	s2 =	sadd.s32 s3, s2  }
0x8d: {  	s2 =	sadd.s32 s2, s17  }
0x8e: {  	[smem:$0x3FC2] =	sst s2  }
0x8f: {  	_ = 	snop  }
0x90: {  	s2 =	sld [smem:$0x3FC6]  }
0x91: {  	s18 =	sld [smem:$0x3FD0];
	(tm) =	ssettm $0x1  }
0x92: {  	s4 =	sld [smem:$0x3FFB];
	_ =	sdelay $0x3  }
0x93: {  	_ =	strace s4  }
0x94: {  	s4 =	sld [smem:$0x3FFC];
	_ =	sdelay $0x3  }
0x95: {  	_ =	strace s4  }
0x96: {  	s4 =	sld [smem:$0x3FFD];
	_ =	sdelay $0x3  }
0x97: {  	_ =	strace s4  }
0x98: {  	_ =	strace $0x8FFFFFFF  }
0x99: {  	s19 =	sld [smem:$0x3FDB];
	_ =	sdelay $0x1  }
0x9a: {  	s5 =	simm.s32 $_scs_section_size  }
0x9b: {  	s6 =	simm.s32 $_size__tile_overlayer_lowered;
	s7 =	simm.s32 $_tile_overlayer_lowered  }
0x9c: {  	s22 =	simm.s32 $0x1BFF;
	s21 =	sshll.u32 s7, $0x1;
	s4 =	sadd.s32 s5, s19  }
0x9d: {  	s8 =	simm.s32 $0x0;
	s20 =	sshll.u32 s6, $0x1;
	s6 =	sadd.s32 s21, s4  }
0x9e: {  	[timem:s8], [sflag:s22] =	dma.local [hbm:s6], s20  }
0x9f: {  	_ =	swait.ge [sflag:s22], s20  }
0xa0: {  	s5 =	ssub.s32 $0x0, s20;
	[sflag:s22] =	ssyncset.done $0x0  }
0xa1: {  	[sflag:s22] =	ssyncadd.s32 s5;
	_ =	sdelay $0x1  }
0xa2: {  	s23 =	simm.s32 $0x1B8B  }
0xa3: {  	_ =	swait.ge [sflag:s23], $0x1  }
0xa4: {  	[sflag:s23] =	ssyncset.done $0x0  }
0xa5: {  	s25 =	simm.s32 $0x1B8E;
	s24 =	sld [smem:$0x3FFE];
	[sflag:s23] =	ssyncadd.s32 $0xFFFFFFFF  }
0xa6: {  	s26 =	simm.s32 $execute0_lowered;
	[smem:$0x3FD2] =	sst s25  }
0xa7: {  	s6 =	sshll.u32 s26, $0x1;
	_ =	strace $0x80000046;
	[dreg:$0x1] =	wrdreg $0xFFFFFFFF  }
0xa8: {  	s28 =	simm.s32 $_size_execute0_lowered;
	s4 =	sadd.s32 s4, s6;
	[dreg:$0x0] =	wrdreg $0x0  }
0xa9: {  	s6 =	sshll.u32 s28, $0x1;
	[dreg:$0x2] =	wrdreg s4  }
0xaa: {  	[dreg:$0x3] =	wrdreg s6  }
0xab: {  	[dreg:$0x4] =	wrdreg $0xC0  }
0xac: {  	_ =	task [dreg:s8], $0x5FFFF  }
0xad: {  	[dreg:$0x1] =	wrdreg $0xFFFFFFFF  }
0xae: {  	[dreg:$0x0] =	wrdreg $0x60  }
0xaf: {  	[dreg:$0x2] =	wrdreg s24  }
0xb0: {  	[dreg:$0x3] =	wrdreg s18  }
0xb1: {  	[dreg:$0x4] =	wrdreg s2  }
0xb2: {  	[dreg:$0x5] =	wrdreg $0x9  }
0xb3: {  	_ =	task.clear_ibuf [dreg:s8], $0x6FFFF;
	_ =	strace $0x90000046  }
0xb4: {  	s29 =	simm.s32 $0x9;
	_ =	strace $0x80000048  }
0xb5: {  	_ =	swait.ge [sflag:s29], $0x1  }
0xb6: {  	[sflag:s29] =	ssyncadd.s32 $0xFFFFFFFF  }
0xb7: {  	_ =	strace $0x90000048  }
0xb8: {  	_ =	sfence  }
0xb9: {  	s30 =	sld [smem:$0x0];
	_ =	sdelay $0x2  }
0xba: {  	s31 =	sshll.u32 s1, $0xD;
	s1 =	sshrl.u32 s1, $0x2  }
0xbb: {  	s3 =	sand.u32 $0x4000, s31;
	s1 =	sadd.s32 s1, s30  }
0xbc: {  	s0 =	sor.u32 s3, s0;
	s1 =	sshll.u32 s1, $0x11  }
0xbd: {  	s0 =	sor.u32 s1, s0  }
0xbe: {  	s0 =	sadd.s32 $0x8F2B, s0  }
0xbf: {  	[sflag:s0] =	ssyncadd.remote.s32 $0x1  }
0xc0: {  	_ =	sfence.sel $0xFFFF  }
0xc1: {  	[dreg:$0x0] =	wrdreg $0xFFFFFFFF;
	(pc) =	sbr.abs _section_cstart, $3  }
0xc2: {  	[dreg:$0x1] =	wrdreg $0xFFFFFFFF  }
0xc3: {  	_ =	task.clear_ibuf [dreg:s8], $0x2FFFF;
	_ =	strace $0x9FFFFFFF  }
0xc4: {  	(tm) =	ssettm $0x7FFFFFFF  }
0xc5: {  	_ =	shalt  }
tec
execute0_lowered:
.L_overlay_start_1:
0x0: {  	(tag) =	ssettag $0x1  }
0x1: {  	s0 =	srdreg.scid  }
0x2: {  	s2 =	stileid.u32;
	s0 =	sand.u32 $0x1, s0  }
0x3: {  	s1 =	rddreg [dreg:$0x0];
	s2 =	sshll.u32 s2, $0x8;
	s4 =	sshll.u32 s0, $0x7  }
0x4: {  	s3 =	rddreg [dreg:$0x2];
	s2 =	sor.u32 s4, s2;
	s4 =	simm.s32 $0x0  }
0x5: {  	s29 =	simm.s32 $0x100;
	s30 =	simm.s32 $0x180;
	[smem:$0x7FF] =	sst s4  }
0x6: {  	s5 =	sshrl.u32 s2, $0x3;
	_ =	strace $0x80000047;
	[dreg:$0x16] =	wrdreg s29  }
0x7: {  	s31 =	simm.s32 $0x400;
	s5 =	sadd.s32 s5, s1;
	[dreg:$0x17] =	wrdreg s30  }
0x8: {  	s2 =	sshll.u32 s2, $0x7;
	[dreg:$0x18] =	wrdreg s31;
	s6 =	sadd.s32 $0xC00, s5  }
0x9: {  	s1 =	sadd.s32 s2, s1;
	s11 =	sadd.s32 $0xE00, s5;
	[dreg:$0x4] =	wrdreg s6  }
0xa: {  	s12 =	sadd.s32 $0x1000, s1;
	[dreg:$0x5] =	wrdreg s11  }
0xb: {  	s13 =	sadd.s32 $0x2000, s1;
	[dreg:$0x6] =	wrdreg s12  }
0xc: {  	s14 =	sadd.s32 $0x3000, s1;
	[dreg:$0x7] =	wrdreg s13  }
0xd: {  	s15 =	sadd.s32 $0x4000, s1;
	[dreg:$0x8] =	wrdreg s14  }
0xe: {  	s16 =	sadd.s32 $0x81000, s1;
	[dreg:$0x9] =	wrdreg s15  }
0xf: {  	s17 =	sadd.s32 $0x82000, s1;
	[dreg:$0xa] =	wrdreg s16  }
0x10: {  	s18 =	sadd.s32 $0x83000, s1;
	[dreg:$0xb] =	wrdreg s17  }
0x11: {  	s19 =	sadd.s32 $0x84000, s1;
	[dreg:$0xc] =	wrdreg s18  }
0x12: {  	s20 =	sadd.s32 $0x101000, s1;
	[dreg:$0xd] =	wrdreg s19  }
0x13: {  	s9 =	simm.s32 $0x5;
	s21 =	sadd.s32 $0x102000, s1;
	[dreg:$0xe] =	wrdreg s20  }
0x14: {  	s7 =	sadd.s32 $0x300, s3;
	s22 =	sadd.s32 $0x103000, s1;
	[dreg:$0xf] =	wrdreg s21  }
0x15: {  	s0 =	ssub.s32 $0x2, s0;
	s23 =	sadd.s32 $0x104000, s1;
	[dreg:$0x10] =	wrdreg s22  }
0x16: {  	s24 =	sshrl.u32 s0, $0x1;
	s25 =	sadd.s32 $0x181000, s1;
	[dreg:$0x11] =	wrdreg s23  }
0x17: {  	s0 =	ssub.s32 s0, s24;
	s26 =	sadd.s32 $0x182000, s1;
	[dreg:$0x12] =	wrdreg s25  }
0x18: {  	v2 =	vlaneseq.u32;
	s8 =	smax.u32 s0, $0x1;
	s28 =	sadd.s32 $0x183000, s1;
	[dreg:$0x13] =	wrdreg s26  }
0x19: {  	vm0 =	vmmov $0xffff;
	v1 =	vshrl.u32 v2, $0x3;
	s5 =	sadd.s32 $0x100, s3;
	s1 =	sadd.s32 $0x184000, s1;
	[dreg:$0x14] =	wrdreg s28  }
0x1a: {  	v0 =	vand.u32 $0x7, v2;
	v2 =	vor.u32 $0x8, v2;
	v1 =	vmul.u32 $0x8, v1;
	s6 =	sadd.s32 $0x200, s3;
	[dreg:$0x15] =	wrdreg s1;
	s19 =	simm.s32 $0x2  }
.LBB2_1:
0x1b: {  	[dreg:$0x19] =	wrdreg s8  }
0x1c: {  	s13 =	rddreg [dreg:$0x4];
	s24 =	simm.s32 $0x8  }
0x1d: {  	[tilespmem:s4], [sflag:$0x8] =	stream.linear.gather [hbm4b:s13+s4], $0x80, $0x38;
	[tilespmem:$0x18480] =	vst v63  }
0x1e: {  	_ =	swait.ge [sflag:s24], $0x80  }
0x1f: {  	[sflag:s24] =	ssyncset.done $0x0  }
0x20: {  	[sflag:s24] =	ssyncadd.s32 $0xFFFFFF80  }
0x21: {  	v3 =	vld [tilespmem:$0x0]  }
0x22: {  	v4 =	vld [tilespmem:$0x10]  }
0x23: {  	v5 =	vld [tilespmem:$0x20]  }
0x24: {  	v6 =	vld [tilespmem:$0x30]  }
0x25: {  	v7 =	vld [tilespmem:$0x40]  }
0x26: {  	v8 =	vld [tilespmem:$0x50];
	v3 =	vadd.s32 $0x1, v3  }
0x27: {  	v47 =	vld [tilespmem:$0x60];
	[tilespmem:$0x80] =	vst v3;
	v3 =	vadd.s32 $0x1, v4  }
0x28: {  	v48 =	vld [tilespmem:$0x70];
	[tilespmem:$0x90] =	vst v3;
	v3 =	vadd.s32 $0x1, v5  }
0x29: {  	[tilespmem:$0xA0] =	vst v3;
	v3 =	vadd.s32 $0x1, v6  }
0x2a: {  	[tilespmem:$0xB0] =	vst v3;
	v3 =	vadd.s32 $0x1, v7  }
0x2b: {  	[tilespmem:$0xC0] =	vst v3;
	v3 =	vadd.s32 $0x1, v8  }
0x2c: {  	[tilespmem:$0xD0] =	vst v3;
	v3 =	vadd.s32 $0x1, v47  }
0x2d: {  	s25 =	rddreg [dreg:$0x16];
	[tilespmem:$0xE0] =	vst v3;
	v3 =	vadd.s32 $0x1, v48  }
0x2e: {  	s16 =	simm.s32 $0x80;
	s15 =	rddreg [dreg:$0x1];
	[tilespmem:$0xF0] =	vst v3  }
0x2f: {  	[tilespmem:s25], [sflag:$0x1] =	stream.indirect.gather [hbm4b:s15+s16], $0x1, s4, s16, $0xb8;
	[tilespmem:$0x18480] =	vst v63  }
0x30: {  	s11 =	simm.s32 $0x1;
	s14 =	rddreg [dreg:$0x17]  }
0x31: {  	[tilespmem:s14], [sflag:$0x1] =	stream.indirect.gather [hbm4b:s15+s16], $0x1, s16, s16, $0xb8;
	[tilespmem:$0x18480] =	vst v63  }
0x32: {  	_ =	swait.ge [sflag:s11], $0x80  }
0x33: {  	[sflag:s11] =	ssyncset.done $0x0  }
0x34: {  	[sflag:s11] =	ssyncadd.s32 $0xFFFFFF80  }
0x35: {  	_ =	swait.ge [sflag:s11], $0x80  }
0x36: {  	[sflag:s11] =	ssyncset.done $0x0  }
0x37: {  	[sflag:s11] =	ssyncadd.s32 $0xFFFFFF80  }
0x38: {  	v3 =	vld [tilespmem:$0x100]  }
0x39: {  	v49 =	vld [tilespmem:$0x180];
	_ =	sdelay $0x3  }
0x3a: {  	v50 =	vld [tilespmem:$0x110]  }
0x3b: {  	v52 =	vld [tilespmem:$0x190];
	v4 =	vsub.s32 v49, v3;
	vm1 =	vlt.s32 v3, $0x1FFFF;
	v51 =	vadd.s32 $0x1, v3  }
0x3c: {  	v54 =	vadd.s32 $0x2, v3;
	[tilespmem:$0x400] =	vst v4;
	v53 =	vnsel vm1, $0x1FFFF, v3;
	vm1 =	vlt.s32 v51, $0x1FFFF  }
0x3d: {  	v3 =	vadd.s32 $0x3, v3;
	[tilespmem:$0x200] =	vst v53;
	v55 =	vnsel vm1, $0x1FFFF, v51;
	vm1 =	vlt.s32 v54, $0x1FFFF  }
0x3e: {  	[tilespmem:$0x280] =	vst v55;
	v56 =	vnsel vm1, $0x1FFFF, v54;
	vm1 =	vlt.s32 v3, $0x1FFFF  }
0x3f: {  	v57 =	vld [tilespmem:$0x120];
	[tilespmem:$0x300] =	vst v56;
	v3 =	vnsel vm1, $0x1FFFF, v3  }
0x40: {  	v59 =	vld [tilespmem:$0x1A0];
	v58 =	vadd.s32 $0x1, v50;
	vm1 =	vlt.s32 v50, $0x1FFFF;
	[tilespmem:$0x380] =	vst v3;
	v3 =	vsub.s32 v52, v50  }
0x41: {  	v60 =	vadd.s32 $0x2, v50;
	[tilespmem:$0x410] =	vst v3;
	v3 =	vnsel vm1, $0x1FFFF, v50;
	vm1 =	vlt.s32 v58, $0x1FFFF  }
0x42: {  	v5 =	vadd.s32 $0x3, v50;
	[tilespmem:$0x210] =	vst v3;
	v3 =	vnsel vm1, $0x1FFFF, v58;
	vm1 =	vlt.s32 v60, $0x1FFFF  }
0x43: {  	[tilespmem:$0x290] =	vst v3;
	v3 =	vnsel vm1, $0x1FFFF, v60;
	vm1 =	vlt.s32 v5, $0x1FFFF  }
0x44: {  	v61 =	vld [tilespmem:$0x130];
	[tilespmem:$0x310] =	vst v3;
	v3 =	vnsel vm1, $0x1FFFF, v5  }
0x45: {  	v63 =	vld [tilespmem:$0x1B0];
	v62 =	vadd.s32 $0x1, v57;
	vm1 =	vlt.s32 v57, $0x1FFFF;
	[tilespmem:$0x390] =	vst v3;
	v3 =	vsub.s32 v59, v57  }
0x46: {  	v12 =	vadd.s32 $0x2, v57;
	[tilespmem:$0x420] =	vst v3;
	v3 =	vnsel vm1, $0x1FFFF, v57;
	vm1 =	vlt.s32 v62, $0x1FFFF  }
0x47: {  	v4 =	vadd.s32 $0x3, v57;
	[tilespmem:$0x220] =	vst v3;
	v3 =	vnsel vm1, $0x1FFFF, v62;
	vm1 =	vlt.s32 v12, $0x1FFFF  }
0x48: {  	[tilespmem:$0x2A0] =	vst v3;
	v3 =	vnsel vm1, $0x1FFFF, v12;
	vm1 =	vlt.s32 v4, $0x1FFFF  }
0x49: {  	v13 =	vld [tilespmem:$0x140];
	[tilespmem:$0x320] =	vst v3;
	v3 =	vnsel vm1, $0x1FFFF, v4  }
0x4a: {  	v15 =	vld [tilespmem:$0x1C0];
	v14 =	vadd.s32 $0x1, v61;
	vm1 =	vlt.s32 v61, $0x1FFFF;
	[tilespmem:$0x3A0] =	vst v3;
	v3 =	vsub.s32 v63, v61  }
0x4b: {  	v16 =	vadd.s32 $0x2, v61;
	[tilespmem:$0x430] =	vst v3;
	v3 =	vnsel vm1, $0x1FFFF, v61;
	vm1 =	vlt.s32 v14, $0x1FFFF  }
0x4c: {  	v5 =	vadd.s32 $0x3, v61;
	[tilespmem:$0x230] =	vst v3;
	v3 =	vnsel vm1, $0x1FFFF, v14;
	vm1 =	vlt.s32 v16, $0x1FFFF  }
0x4d: {  	[tilespmem:$0x2B0] =	vst v3;
	v3 =	vnsel vm1, $0x1FFFF, v16;
	vm1 =	vlt.s32 v5, $0x1FFFF  }
0x4e: {  	v17 =	vld [tilespmem:$0x150];
	[tilespmem:$0x330] =	vst v3;
	v3 =	vnsel vm1, $0x1FFFF, v5  }
0x4f: {  	v19 =	vld [tilespmem:$0x1D0];
	v18 =	vadd.s32 $0x1, v13;
	vm1 =	vlt.s32 v13, $0x1FFFF;
	[tilespmem:$0x3B0] =	vst v3;
	v3 =	vsub.s32 v15, v13  }
0x50: {  	v20 =	vadd.s32 $0x2, v13;
	[tilespmem:$0x440] =	vst v3;
	v3 =	vnsel vm1, $0x1FFFF, v13;
	vm1 =	vlt.s32 v18, $0x1FFFF  }
0x51: {  	v4 =	vadd.s32 $0x3, v13;
	[tilespmem:$0x240] =	vst v3;
	v3 =	vnsel vm1, $0x1FFFF, v18;
	vm1 =	vlt.s32 v20, $0x1FFFF  }
0x52: {  	[tilespmem:$0x2C0] =	vst v3;
	v3 =	vnsel vm1, $0x1FFFF, v20;
	vm1 =	vlt.s32 v4, $0x1FFFF  }
0x53: {  	v21 =	vld [tilespmem:$0x160];
	[tilespmem:$0x340] =	vst v3;
	v3 =	vnsel vm1, $0x1FFFF, v4  }
0x54: {  	v23 =	vld [tilespmem:$0x1E0];
	v22 =	vadd.s32 $0x1, v17;
	vm1 =	vlt.s32 v17, $0x1FFFF;
	[tilespmem:$0x3C0] =	vst v3;
	v3 =	vsub.s32 v19, v17  }
0x55: {  	v24 =	vadd.s32 $0x2, v17;
	[tilespmem:$0x450] =	vst v3;
	v3 =	vnsel vm1, $0x1FFFF, v17;
	vm1 =	vlt.s32 v22, $0x1FFFF  }
0x56: {  	v5 =	vadd.s32 $0x3, v17;
	[tilespmem:$0x250] =	vst v3;
	v3 =	vnsel vm1, $0x1FFFF, v22;
	vm1 =	vlt.s32 v24, $0x1FFFF  }
0x57: {  	[tilespmem:$0x2D0] =	vst v3;
	v3 =	vnsel vm1, $0x1FFFF, v24;
	vm1 =	vlt.s32 v5, $0x1FFFF  }
0x58: {  	v25 =	vld [tilespmem:$0x170];
	[tilespmem:$0x350] =	vst v3;
	v3 =	vnsel vm1, $0x1FFFF, v5  }
0x59: {  	v27 =	vld [tilespmem:$0x1F0];
	v26 =	vadd.s32 $0x1, v21;
	vm1 =	vlt.s32 v21, $0x1FFFF;
	[tilespmem:$0x3D0] =	vst v3;
	v3 =	vsub.s32 v23, v21  }
0x5a: {  	v28 =	vadd.s32 $0x2, v21;
	[tilespmem:$0x460] =	vst v3;
	v3 =	vnsel vm1, $0x1FFFF, v21;
	vm1 =	vlt.s32 v26, $0x1FFFF  }
0x5b: {  	v4 =	vadd.s32 $0x3, v21;
	[tilespmem:$0x260] =	vst v3;
	v3 =	vnsel vm1, $0x1FFFF, v26;
	vm1 =	vlt.s32 v28, $0x1FFFF  }
0x5c: {  	[tilespmem:$0x2E0] =	vst v3;
	v3 =	vnsel vm1, $0x1FFFF, v28;
	vm1 =	vlt.s32 v4, $0x1FFFF  }
0x5d: {  	[tilespmem:$0x360] =	vst v3;
	v3 =	vnsel vm1, $0x1FFFF, v4  }
0x5e: {  	v29 =	vadd.s32 $0x1, v25;
	vm1 =	vlt.s32 v25, $0x1FFFF;
	[tilespmem:$0x3E0] =	vst v3;
	v3 =	vsub.s32 v27, v25  }
0x5f: {  	v30 =	vadd.s32 $0x2, v25;
	[tilespmem:$0x470] =	vst v3;
	v3 =	vnsel vm1, $0x1FFFF, v25;
	vm1 =	vlt.s32 v29, $0x1FFFF  }
0x60: {  	v31 =	vadd.s32 $0x3, v25;
	[tilespmem:$0x270] =	vst v3;
	v3 =	vnsel vm1, $0x1FFFF, v29;
	vm1 =	vlt.s32 v30, $0x1FFFF  }
0x61: {  	[tilespmem:$0x2F0] =	vst v3;
	v3 =	vnsel vm1, $0x1FFFF, v30;
	vm1 =	vlt.s32 v31, $0x1FFFF  }
0x62: {  	s26 =	rddreg [dreg:$0x5];
	[tilespmem:$0x370] =	vst v3;
	v3 =	vnsel vm1, $0x1FFFF, v31  }
0x63: {  	s28 =	rddreg [dreg:$0x18];
	[tilespmem:$0x3F0] =	vst v3  }
0x64: {  	[hbm4b:s26+s4] =	stream.linear.scatter [tilespmem:s28], [sflag:$0x1], $0x80, $0x38;
	[tilespmem:$0x18480] =	vst v63  }
0x65: {  	v3 =	vld [tilespmem:$0x200];
	_ =	sdelay $0x4  }
0x66: {  	v32 =	vshll.u32 v3, $0x3  }
0x67: {  	v3 =	vand.u32 $0x7, v3;
	v4 =	vand.u32 $0xFFFFFFC0, v32  }
0x68: {  	v3 =	vor.u32 v3, v4  }
0x69: {  	v4 =	vperm.xlane v3, v0;
	_ =	sdelay $0x1  }
0x6a: {  	v4 =	vadd.s32 v1, v4;
	_ =	sdelay $0x3  }
0x6b: {  	s0 =	simm.s32 $0x480  }
0x6c: {  	[tilespmem:s0], [sflag:$0x2] =	stream.indirect_vreg.gather [hbm4b:s3+s4], $0x80, v4, vm0, $0xb8;
	[tilespmem:$0x18480] =	vst v63  }
0x6d: {  	s12 =	simm.s32 $0xC80;
	v3 =	vperm.xlane v3, v2  }
0x6e: {  	[tilespmem:s12], [sflag:$0x2] =	stream.indirect_vreg.gather [hbm4b:s5+s4], $0x80, v4, vm0, $0xb8;
	[tilespmem:$0x18480] =	vst v63  }
0x6f: {  	s29 =	simm.s32 $0x1480;
	v3 =	vadd.s32 v1, v3  }
0x70: {  	[tilespmem:s29], [sflag:$0x2] =	stream.indirect_vreg.gather [hbm4b:s6+s4], $0x80, v4, vm0, $0xb8;
	[tilespmem:$0x18480] =	vst v63  }
0x71: {  	s30 =	simm.s32 $0x1C80  }
0x72: {  	[tilespmem:s30], [sflag:$0x2] =	stream.indirect_vreg.gather [hbm4b:s7+s4], $0x80, v4, vm0, $0xb8;
	[tilespmem:$0x18480] =	vst v63  }
0x73: {  	s31 =	simm.s32 $0x2480  }
0x74: {  	[tilespmem:s31], [sflag:$0x2] =	stream.indirect_vreg.gather [hbm4b:s3+s4], $0x80, v3, vm0, $0xb8;
	[tilespmem:$0x18480] =	vst v63  }
0x75: {  	s0 =	simm.s32 $0x2C80  }
0x76: {  	[tilespmem:s0], [sflag:$0x2] =	stream.indirect_vreg.gather [hbm4b:s5+s4], $0x80, v3, vm0, $0xb8;
	[tilespmem:$0x18480] =	vst v63  }
0x77: {  	s2 =	simm.s32 $0x3480  }
0x78: {  	[tilespmem:s2], [sflag:$0x2] =	stream.indirect_vreg.gather [hbm4b:s6+s4], $0x80, v3, vm0, $0xb8;
	[tilespmem:$0x18480] =	vst v63  }
0x79: {  	s8 =	simm.s32 $0x3C80  }
0x7a: {  	[tilespmem:s8], [sflag:$0x2] =	stream.indirect_vreg.gather [hbm4b:s7+s4], $0x80, v3, vm0, $0xb8;
	[tilespmem:$0x18480] =	vst v63  }
0x7b: {  	v3 =	vld [tilespmem:$0x210];
	_ =	sdelay $0x4  }
0x7c: {  	v33 =	vshll.u32 v3, $0x3  }
0x7d: {  	v3 =	vand.u32 $0x7, v3;
	v4 =	vand.u32 $0xFFFFFFC0, v33  }
0x7e: {  	v3 =	vor.u32 v3, v4  }
0x7f: {  	v4 =	vperm.xlane v3, v0;
	_ =	sdelay $0x1  }
0x80: {  	v4 =	vadd.s32 v1, v4;
	_ =	sdelay $0x3  }
0x81: {  	s10 =	simm.s32 $0x4480  }
0x82: {  	[tilespmem:s10], [sflag:$0x2] =	stream.indirect_vreg.gather [hbm4b:s3+s4], $0x80, v4, vm0, $0xb8;
	[tilespmem:$0x18480] =	vst v63  }
0x83: {  	s13 =	simm.s32 $0x4C80;
	v3 =	vperm.xlane v3, v2  }
0x84: {  	[tilespmem:s13], [sflag:$0x2] =	stream.indirect_vreg.gather [hbm4b:s5+s4], $0x80, v4, vm0, $0xb8;
	[tilespmem:$0x18480] =	vst v63  }
0x85: {  	s14 =	simm.s32 $0x5480;
	v3 =	vadd.s32 v1, v3  }
0x86: {  	[tilespmem:s14], [sflag:$0x2] =	stream.indirect_vreg.gather [hbm4b:s6+s4], $0x80, v4, vm0, $0xb8;
	[tilespmem:$0x18480] =	vst v63  }
0x87: {  	s15 =	simm.s32 $0x5C80  }
0x88: {  	[tilespmem:s15], [sflag:$0x2] =	stream.indirect_vreg.gather [hbm4b:s7+s4], $0x80, v4, vm0, $0xb8;
	[tilespmem:$0x18480] =	vst v63  }
0x89: {  	s16 =	simm.s32 $0x6480  }
0x8a: {  	[tilespmem:s16], [sflag:$0x2] =	stream.indirect_vreg.gather [hbm4b:s3+s4], $0x80, v3, vm0, $0xb8;
	[tilespmem:$0x18480] =	vst v63  }
0x8b: {  	s17 =	simm.s32 $0x6C80  }
0x8c: {  	[tilespmem:s17], [sflag:$0x2] =	stream.indirect_vreg.gather [hbm4b:s5+s4], $0x80, v3, vm0, $0xb8;
	[tilespmem:$0x18480] =	vst v63  }
0x8d: {  	s18 =	simm.s32 $0x7480  }
0x8e: {  	[tilespmem:s18], [sflag:$0x2] =	stream.indirect_vreg.gather [hbm4b:s6+s4], $0x80, v3, vm0, $0xb8;
	[tilespmem:$0x18480] =	vst v63  }
0x8f: {  	s20 =	simm.s32 $0x7C80  }
0x90: {  	[tilespmem:s20], [sflag:$0x2] =	stream.indirect_vreg.gather [hbm4b:s7+s4], $0x80, v3, vm0, $0xb8;
	[tilespmem:$0x18480] =	vst v63  }
0x91: {  	v3 =	vld [tilespmem:$0x220];
	_ =	sdelay $0x4  }
0x92: {  	v34 =	vshll.u32 v3, $0x3  }
0x93: {  	v3 =	vand.u32 $0x7, v3;
	v4 =	vand.u32 $0xFFFFFFC0, v34  }
0x94: {  	v3 =	vor.u32 v3, v4  }
0x95: {  	v4 =	vperm.xlane v3, v0;
	_ =	sdelay $0x1  }
0x96: {  	v4 =	vadd.s32 v1, v4;
	_ =	sdelay $0x3  }
0x97: {  	s24 =	simm.s32 $0x8480  }
0x98: {  	[tilespmem:s24], [sflag:$0x3] =	stream.indirect_vreg.gather [hbm4b:s3+s4], $0x80, v4, vm0, $0xb8;
	[tilespmem:$0x18480] =	vst v63  }
0x99: {  	s25 =	simm.s32 $0x8C80;
	v3 =	vperm.xlane v3, v2  }
0x9a: {  	[tilespmem:s25], [sflag:$0x3] =	stream.indirect_vreg.gather [hbm4b:s5+s4], $0x80, v4, vm0, $0xb8;
	[tilespmem:$0x18480] =	vst v63  }
0x9b: {  	s26 =	simm.s32 $0x9480;
	v3 =	vadd.s32 v1, v3  }
0x9c: {  	[tilespmem:s26], [sflag:$0x3] =	stream.indirect_vreg.gather [hbm4b:s6+s4], $0x80, v4, vm0, $0xb8;
	[tilespmem:$0x18480] =	vst v63  }
0x9d: {  	s29 =	simm.s32 $0x9C80  }
0x9e: {  	[tilespmem:s29], [sflag:$0x3] =	stream.indirect_vreg.gather [hbm4b:s7+s4], $0x80, v4, vm0, $0xb8;
	[tilespmem:$0x18480] =	vst v63  }
0x9f: {  	s30 =	simm.s32 $0xA480  }
0xa0: {  	[tilespmem:s30], [sflag:$0x3] =	stream.indirect_vreg.gather [hbm4b:s3+s4], $0x80, v3, vm0, $0xb8;
	[tilespmem:$0x18480] =	vst v63  }
0xa1: {  	s31 =	simm.s32 $0xAC80  }
0xa2: {  	[tilespmem:s31], [sflag:$0x3] =	stream.indirect_vreg.gather [hbm4b:s5+s4], $0x80, v3, vm0, $0xb8;
	[tilespmem:$0x18480] =	vst v63  }
0xa3: {  	s0 =	simm.s32 $0xB480  }
0xa4: {  	[tilespmem:s0], [sflag:$0x3] =	stream.indirect_vreg.gather [hbm4b:s6+s4], $0x80, v3, vm0, $0xb8;
	[tilespmem:$0x18480] =	vst v63  }
0xa5: {  	s2 =	simm.s32 $0xBC80  }
0xa6: {  	[tilespmem:s2], [sflag:$0x3] =	stream.indirect_vreg.gather [hbm4b:s7+s4], $0x80, v3, vm0, $0xb8;
	[tilespmem:$0x18480] =	vst v63  }
0xa7: {  	v3 =	vld [tilespmem:$0x230];
	_ =	sdelay $0x4  }
0xa8: {  	v35 =	vshll.u32 v3, $0x3  }
0xa9: {  	v3 =	vand.u32 $0x7, v3;
	v4 =	vand.u32 $0xFFFFFFC0, v35  }
0xaa: {  	v3 =	vor.u32 v3, v4  }
0xab: {  	v4 =	vperm.xlane v3, v0;
	_ =	sdelay $0x1  }
0xac: {  	v4 =	vadd.s32 v1, v4;
	_ =	sdelay $0x3  }
0xad: {  	s8 =	simm.s32 $0xC480  }
0xae: {  	[tilespmem:s8], [sflag:$0x3] =	stream.indirect_vreg.gather [hbm4b:s3+s4], $0x80, v4, vm0, $0xb8;
	[tilespmem:$0x18480] =	vst v63  }
0xaf: {  	s10 =	simm.s32 $0xCC80;
	v3 =	vperm.xlane v3, v2  }
0xb0: {  	[tilespmem:s10], [sflag:$0x3] =	stream.indirect_vreg.gather [hbm4b:s5+s4], $0x80, v4, vm0, $0xb8;
	[tilespmem:$0x18480] =	vst v63  }
0xb1: {  	s13 =	simm.s32 $0xD480;
	v3 =	vadd.s32 v1, v3  }
0xb2: {  	[tilespmem:s13], [sflag:$0x3] =	stream.indirect_vreg.gather [hbm4b:s6+s4], $0x80, v4, vm0, $0xb8;
	[tilespmem:$0x18480] =	vst v63  }
0xb3: {  	s16 =	simm.s32 $0xDC80  }
0xb4: {  	[tilespmem:s16], [sflag:$0x3] =	stream.indirect_vreg.gather [hbm4b:s7+s4], $0x80, v4, vm0, $0xb8;
	[tilespmem:$0x18480] =	vst v63  }
0xb5: {  	s17 =	simm.s32 $0xE480  }
0xb6: {  	[tilespmem:s17], [sflag:$0x3] =	stream.indirect_vreg.gather [hbm4b:s3+s4], $0x80, v3, vm0, $0xb8;
	[tilespmem:$0x18480] =	vst v63  }
0xb7: {  	s18 =	simm.s32 $0xEC80  }
0xb8: {  	[tilespmem:s18], [sflag:$0x3] =	stream.indirect_vreg.gather [hbm4b:s5+s4], $0x80, v3, vm0, $0xb8;
	[tilespmem:$0x18480] =	vst v63  }
0xb9: {  	s20 =	simm.s32 $0xF480  }
0xba: {  	[tilespmem:s20], [sflag:$0x3] =	stream.indirect_vreg.gather [hbm4b:s6+s4], $0x80, v3, vm0, $0xb8;
	[tilespmem:$0x18480] =	vst v63  }
0xbb: {  	s24 =	simm.s32 $0xFC80  }
0xbc: {  	[tilespmem:s24], [sflag:$0x3] =	stream.indirect_vreg.gather [hbm4b:s7+s4], $0x80, v3, vm0, $0xb8;
	[tilespmem:$0x18480] =	vst v63  }
0xbd: {  	v3 =	vld [tilespmem:$0x240];
	_ =	sdelay $0x4  }
0xbe: {  	v36 =	vshll.u32 v3, $0x3  }
0xbf: {  	v3 =	vand.u32 $0x7, v3;
	v4 =	vand.u32 $0xFFFFFFC0, v36  }
0xc0: {  	v3 =	vor.u32 v3, v4  }
0xc1: {  	v4 =	vperm.xlane v3, v0;
	_ =	sdelay $0x1  }
0xc2: {  	v4 =	vadd.s32 v1, v4;
	_ =	sdelay $0x3  }
0xc3: {  	s25 =	simm.s32 $0x10480  }
0xc4: {  	[tilespmem:s25], [sflag:$0x4] =	stream.indirect_vreg.gather [hbm4b:s3+s4], $0x80, v4, vm0, $0xb8;
	[tilespmem:$0x18480] =	vst v63  }
0xc5: {  	s26 =	simm.s32 $0x10C80;
	v3 =	vperm.xlane v3, v2  }
0xc6: {  	[tilespmem:s26], [sflag:$0x4] =	stream.indirect_vreg.gather [hbm4b:s5+s4], $0x80, v4, vm0, $0xb8;
	[tilespmem:$0x18480] =	vst v63  }
0xc7: {  	s29 =	simm.s32 $0x11480;
	v3 =	vadd.s32 v1, v3  }
0xc8: {  	[tilespmem:s29], [sflag:$0x4] =	stream.indirect_vreg.gather [hbm4b:s6+s4], $0x80, v4, vm0, $0xb8;
	[tilespmem:$0x18480] =	vst v63  }
0xc9: {  	s30 =	simm.s32 $0x11C80  }
0xca: {  	[tilespmem:s30], [sflag:$0x4] =	stream.indirect_vreg.gather [hbm4b:s7+s4], $0x80, v4, vm0, $0xb8;
	[tilespmem:$0x18480] =	vst v63  }
0xcb: {  	s0 =	simm.s32 $0x12480  }
0xcc: {  	[tilespmem:s0], [sflag:$0x4] =	stream.indirect_vreg.gather [hbm4b:s3+s4], $0x80, v3, vm0, $0xb8;
	[tilespmem:$0x18480] =	vst v63  }
0xcd: {  	s8 =	simm.s32 $0x12C80  }
0xce: {  	[tilespmem:s8], [sflag:$0x4] =	stream.indirect_vreg.gather [hbm4b:s5+s4], $0x80, v3, vm0, $0xb8;
	[tilespmem:$0x18480] =	vst v63  }
0xcf: {  	s12 =	simm.s32 $0x13480  }
0xd0: {  	[tilespmem:s12], [sflag:$0x4] =	stream.indirect_vreg.gather [hbm4b:s6+s4], $0x80, v3, vm0, $0xb8;
	[tilespmem:$0x18480] =	vst v63  }
0xd1: {  	s16 =	simm.s32 $0x13C80  }
0xd2: {  	[tilespmem:s16], [sflag:$0x4] =	stream.indirect_vreg.gather [hbm4b:s7+s4], $0x80, v3, vm0, $0xb8;
	[tilespmem:$0x18480] =	vst v63  }
0xd3: {  	v3 =	vld [tilespmem:$0x250];
	_ =	sdelay $0x4  }
0xd4: {  	v37 =	vshll.u32 v3, $0x3  }
0xd5: {  	v3 =	vand.u32 $0x7, v3;
	v4 =	vand.u32 $0xFFFFFFC0, v37  }
0xd6: {  	v3 =	vor.u32 v3, v4  }
0xd7: {  	v4 =	vperm.xlane v3, v0;
	_ =	sdelay $0x1  }
0xd8: {  	v4 =	vadd.s32 v1, v4;
	_ =	sdelay $0x3  }
0xd9: {  	s17 =	simm.s32 $0x14480  }
0xda: {  	[tilespmem:s17], [sflag:$0x4] =	stream.indirect_vreg.gather [hbm4b:s3+s4], $0x80, v4, vm0, $0xb8;
	[tilespmem:$0x18480] =	vst v63  }
0xdb: {  	s18 =	simm.s32 $0x14C80;
	v3 =	vperm.xlane v3, v2  }
0xdc: {  	[tilespmem:s18], [sflag:$0x4] =	stream.indirect_vreg.gather [hbm4b:s5+s4], $0x80, v4, vm0, $0xb8;
	[tilespmem:$0x18480] =	vst v63  }
0xdd: {  	s20 =	simm.s32 $0x15480;
	v3 =	vadd.s32 v1, v3  }
0xde: {  	[tilespmem:s20], [sflag:$0x4] =	stream.indirect_vreg.gather [hbm4b:s6+s4], $0x80, v4, vm0, $0xb8;
	[tilespmem:$0x18480] =	vst v63  }
0xdf: {  	s24 =	simm.s32 $0x15C80  }
0xe0: {  	[tilespmem:s24], [sflag:$0x4] =	stream.indirect_vreg.gather [hbm4b:s7+s4], $0x80, v4, vm0, $0xb8;
	[tilespmem:$0x18480] =	vst v63  }
0xe1: {  	s25 =	simm.s32 $0x16480  }
0xe2: {  	[tilespmem:s25], [sflag:$0x4] =	stream.indirect_vreg.gather [hbm4b:s3+s4], $0x80, v3, vm0, $0xb8;
	[tilespmem:$0x18480] =	vst v63  }
0xe3: {  	s26 =	simm.s32 $0x16C80  }
0xe4: {  	[tilespmem:s26], [sflag:$0x4] =	stream.indirect_vreg.gather [hbm4b:s5+s4], $0x80, v3, vm0, $0xb8;
	[tilespmem:$0x18480] =	vst v63  }
0xe5: {  	s29 =	simm.s32 $0x17480  }
0xe6: {  	[tilespmem:s29], [sflag:$0x4] =	stream.indirect_vreg.gather [hbm4b:s6+s4], $0x80, v3, vm0, $0xb8;
	[tilespmem:$0x18480] =	vst v63  }
0xe7: {  	s30 =	simm.s32 $0x17C80  }
0xe8: {  	[tilespmem:s30], [sflag:$0x4] =	stream.indirect_vreg.gather [hbm4b:s7+s4], $0x80, v3, vm0, $0xb8;
	[tilespmem:$0x18480] =	vst v63  }
0xe9: {  	_ =	swait.ge [sflag:s19], $0x8000  }
0xea: {  	[sflag:s19] =	ssyncset.done $0x0  }
0xeb: {  	s1 =	simm.s32 $0x480;
	s0 =	rddreg [dreg:$0x6];
	[sflag:s19] =	ssyncadd.s32 $0xFFFF8000  }
0xec: {  	[hbm4b:s0+s4] =	stream.linear.scatter [tilespmem:s1], [sflag:$0x5], $0x8000, $0x38;
	[tilespmem:$0x18480] =	vst v63  }
0xed: {  	_ =	swait.ge [sflag:s9], $0x8000  }
0xee: {  	[sflag:s9] =	ssyncset.done $0x0  }
0xef: {  	[sflag:s9] =	ssyncadd.s32 $0xFFFF8000  }
0xf0: {  	v3 =	vld [tilespmem:$0x260];
	_ =	sdelay $0x4  }
0xf1: {  	v38 =	vshll.u32 v3, $0x3  }
0xf2: {  	v3 =	vand.u32 $0x7, v3;
	v4 =	vand.u32 $0xFFFFFFC0, v38  }
0xf3: {  	v3 =	vor.u32 v3, v4  }
0xf4: {  	v4 =	vperm.xlane v3, v0;
	_ =	sdelay $0x1  }
0xf5: {  	v4 =	vadd.s32 v1, v4;
	_ =	sdelay $0x4  }
0xf6: {  	[tilespmem:s1], [sflag:$0x2] =	stream.indirect_vreg.gather [hbm4b:s3+s4], $0x80, v4, vm0, $0xb8;
	[tilespmem:$0x18480] =	vst v63  }
0xf7: {  	s11 =	simm.s32 $0xC80;
	v3 =	vperm.xlane v3, v2  }
0xf8: {  	[tilespmem:s11], [sflag:$0x2] =	stream.indirect_vreg.gather [hbm4b:s5+s4], $0x80, v4, vm0, $0xb8;
	[tilespmem:$0x18480] =	vst v63  }
0xf9: {  	v3 =	vadd.s32 v1, v3;
	s11 =	simm.s32 $0x1480  }
0xfa: {  	[tilespmem:s11], [sflag:$0x2] =	stream.indirect_vreg.gather [hbm4b:s6+s4], $0x80, v4, vm0, $0xb8;
	[tilespmem:$0x18480] =	vst v63  }
0xfb: {  	s16 =	simm.s32 $0x1C80  }
0xfc: {  	[tilespmem:s16], [sflag:$0x2] =	stream.indirect_vreg.gather [hbm4b:s7+s4], $0x80, v4, vm0, $0xb8;
	[tilespmem:$0x18480] =	vst v63  }
0xfd: {  	s17 =	simm.s32 $0x2480  }
0xfe: {  	[tilespmem:s17], [sflag:$0x2] =	stream.indirect_vreg.gather [hbm4b:s3+s4], $0x80, v3, vm0, $0xb8;
	[tilespmem:$0x18480] =	vst v63  }
0xff: {  	s18 =	simm.s32 $0x2C80  }
0x100: {  	[tilespmem:s18], [sflag:$0x2] =	stream.indirect_vreg.gather [hbm4b:s5+s4], $0x80, v3, vm0, $0xb8;
	[tilespmem:$0x18480] =	vst v63  }
0x101: {  	s20 =	simm.s32 $0x3480  }
0x102: {  	[tilespmem:s20], [sflag:$0x2] =	stream.indirect_vreg.gather [hbm4b:s6+s4], $0x80, v3, vm0, $0xb8;
	[tilespmem:$0x18480] =	vst v63  }
0x103: {  	s21 =	simm.s32 $0x3C80  }
0x104: {  	[tilespmem:s21], [sflag:$0x2] =	stream.indirect_vreg.gather [hbm4b:s7+s4], $0x80, v3, vm0, $0xb8;
	[tilespmem:$0x18480] =	vst v63  }
0x105: {  	v3 =	vld [tilespmem:$0x270];
	_ =	sdelay $0x4  }
0x106: {  	v39 =	vshll.u32 v3, $0x3  }
0x107: {  	v3 =	vand.u32 $0x7, v3;
	v4 =	vand.u32 $0xFFFFFFC0, v39  }
0x108: {  	v3 =	vor.u32 v3, v4  }
0x109: {  	v4 =	vperm.xlane v3, v0;
	_ =	sdelay $0x1  }
0x10a: {  	v4 =	vadd.s32 v1, v4;
	_ =	sdelay $0x3  }
0x10b: {  	s22 =	simm.s32 $0x4480  }
0x10c: {  	[tilespmem:s22], [sflag:$0x2] =	stream.indirect_vreg.gather [hbm4b:s3+s4], $0x80, v4, vm0, $0xb8;
	[tilespmem:$0x18480] =	vst v63  }
0x10d: {  	s23 =	simm.s32 $0x4C80;
	v3 =	vperm.xlane v3, v2  }
0x10e: {  	[tilespmem:s23], [sflag:$0x2] =	stream.indirect_vreg.gather [hbm4b:s5+s4], $0x80, v4, vm0, $0xb8;
	[tilespmem:$0x18480] =	vst v63  }
0x10f: {  	s21 =	simm.s32 $0x5480;
	v3 =	vadd.s32 v1, v3  }
0x110: {  	[tilespmem:s21], [sflag:$0x2] =	stream.indirect_vreg.gather [hbm4b:s6+s4], $0x80, v4, vm0, $0xb8;
	[tilespmem:$0x18480] =	vst v63  }
0x111: {  	s22 =	simm.s32 $0x5C80  }
0x112: {  	[tilespmem:s22], [sflag:$0x2] =	stream.indirect_vreg.gather [hbm4b:s7+s4], $0x80, v4, vm0, $0xb8;
	[tilespmem:$0x18480] =	vst v63  }
0x113: {  	s23 =	simm.s32 $0x6480  }
0x114: {  	[tilespmem:s23], [sflag:$0x2] =	stream.indirect_vreg.gather [hbm4b:s3+s4], $0x80, v3, vm0, $0xb8;
	[tilespmem:$0x18480] =	vst v63  }
0x115: {  	s24 =	simm.s32 $0x6C80  }
0x116: {  	[tilespmem:s24], [sflag:$0x2] =	stream.indirect_vreg.gather [hbm4b:s5+s4], $0x80, v3, vm0, $0xb8;
	[tilespmem:$0x18480] =	vst v63  }
0x117: {  	s25 =	simm.s32 $0x7480  }
0x118: {  	[tilespmem:s25], [sflag:$0x2] =	stream.indirect_vreg.gather [hbm4b:s6+s4], $0x80, v3, vm0, $0xb8;
	[tilespmem:$0x18480] =	vst v63  }
0x119: {  	s28 =	simm.s32 $0x7C80;
	s1 =	simm.s32 $0x3  }
0x11a: {  	[tilespmem:s28], [sflag:$0x2] =	stream.indirect_vreg.gather [hbm4b:s7+s4], $0x80, v3, vm0, $0xb8;
	[tilespmem:$0x18480] =	vst v63  }
0x11b: {  	_ =	swait.ge [sflag:s1], $0x8000  }
0x11c: {  	s12 =	simm.s32 $0x8480;
	[sflag:s1] =	ssyncset.done $0x0  }
0x11d: {  	s0 =	simm.s32 $0x6;
	s8 =	rddreg [dreg:$0x7];
	[sflag:s1] =	ssyncadd.s32 $0xFFFF8000  }
0x11e: {  	[hbm4b:s8+s4] =	stream.linear.scatter [tilespmem:s12], [sflag:$0x6], $0x8000, $0x38;
	[tilespmem:$0x18480] =	vst v63  }
0x11f: {  	_ =	swait.ge [sflag:s0], $0x8000  }
0x120: {  	[sflag:s0] =	ssyncset.done $0x0  }
0x121: {  	[sflag:s0] =	ssyncadd.s32 $0xFFFF8000  }
0x122: {  	v3 =	vld [tilespmem:$0x280];
	_ =	sdelay $0x4  }
0x123: {  	v40 =	vshll.u32 v3, $0x3  }
0x124: {  	v3 =	vand.u32 $0x7, v3;
	v4 =	vand.u32 $0xFFFFFFC0, v40  }
0x125: {  	v3 =	vor.u32 v3, v4  }
0x126: {  	v4 =	vperm.xlane v3, v0;
	_ =	sdelay $0x1  }
0x127: {  	v4 =	vadd.s32 v1, v4;
	_ =	sdelay $0x4  }
0x128: {  	[tilespmem:s12], [sflag:$0x3] =	stream.indirect_vreg.gather [hbm4b:s3+s4], $0x80, v4, vm0, $0xb8;
	[tilespmem:$0x18480] =	vst v63  }
0x129: {  	s14 =	simm.s32 $0x8C80;
	v3 =	vperm.xlane v3, v2  }
0x12a: {  	[tilespmem:s14], [sflag:$0x3] =	stream.indirect_vreg.gather [hbm4b:s5+s4], $0x80, v4, vm0, $0xb8;
	[tilespmem:$0x18480] =	vst v63  }
0x12b: {  	s28 =	simm.s32 $0x9480;
	v3 =	vadd.s32 v1, v3  }
0x12c: {  	[tilespmem:s28], [sflag:$0x3] =	stream.indirect_vreg.gather [hbm4b:s6+s4], $0x80, v4, vm0, $0xb8;
	[tilespmem:$0x18480] =	vst v63  }
0x12d: {  	s29 =	simm.s32 $0x9C80  }
0x12e: {  	[tilespmem:s29], [sflag:$0x3] =	stream.indirect_vreg.gather [hbm4b:s7+s4], $0x80, v4, vm0, $0xb8;
	[tilespmem:$0x18480] =	vst v63  }
0x12f: {  	s30 =	simm.s32 $0xA480  }
0x130: {  	[tilespmem:s30], [sflag:$0x3] =	stream.indirect_vreg.gather [hbm4b:s3+s4], $0x80, v3, vm0, $0xb8;
	[tilespmem:$0x18480] =	vst v63  }
0x131: {  	s26 =	simm.s32 $0xAC80  }
0x132: {  	[tilespmem:s26], [sflag:$0x3] =	stream.indirect_vreg.gather [hbm4b:s5+s4], $0x80, v3, vm0, $0xb8;
	[tilespmem:$0x18480] =	vst v63  }
0x133: {  	s14 =	simm.s32 $0xB480  }
0x134: {  	[tilespmem:s14], [sflag:$0x3] =	stream.indirect_vreg.gather [hbm4b:s6+s4], $0x80, v3, vm0, $0xb8;
	[tilespmem:$0x18480] =	vst v63  }
0x135: {  	s15 =	simm.s32 $0xBC80  }
0x136: {  	[tilespmem:s15], [sflag:$0x3] =	stream.indirect_vreg.gather [hbm4b:s7+s4], $0x80, v3, vm0, $0xb8;
	[tilespmem:$0x18480] =	vst v63  }
0x137: {  	v3 =	vld [tilespmem:$0x290];
	_ =	sdelay $0x4  }
0x138: {  	v41 =	vshll.u32 v3, $0x3  }
0x139: {  	v3 =	vand.u32 $0x7, v3;
	v4 =	vand.u32 $0xFFFFFFC0, v41  }
0x13a: {  	v3 =	vor.u32 v3, v4  }
0x13b: {  	v4 =	vperm.xlane v3, v0;
	_ =	sdelay $0x1  }
0x13c: {  	v4 =	vadd.s32 v1, v4;
	_ =	sdelay $0x3  }
0x13d: {  	s31 =	simm.s32 $0xC480  }
0x13e: {  	[tilespmem:s31], [sflag:$0x3] =	stream.indirect_vreg.gather [hbm4b:s3+s4], $0x80, v4, vm0, $0xb8;
	[tilespmem:$0x18480] =	vst v63  }
0x13f: {  	s2 =	simm.s32 $0xCC80;
	v3 =	vperm.xlane v3, v2  }
0x140: {  	[tilespmem:s2], [sflag:$0x3] =	stream.indirect_vreg.gather [hbm4b:s5+s4], $0x80, v4, vm0, $0xb8;
	[tilespmem:$0x18480] =	vst v63  }
0x141: {  	s8 =	simm.s32 $0xD480;
	v3 =	vadd.s32 v1, v3  }
0x142: {  	[tilespmem:s8], [sflag:$0x3] =	stream.indirect_vreg.gather [hbm4b:s6+s4], $0x80, v4, vm0, $0xb8;
	[tilespmem:$0x18480] =	vst v63  }
0x143: {  	s8 =	simm.s32 $0xDC80  }
0x144: {  	[tilespmem:s8], [sflag:$0x3] =	stream.indirect_vreg.gather [hbm4b:s7+s4], $0x80, v4, vm0, $0xb8;
	[tilespmem:$0x18480] =	vst v63  }
0x145: {  	s12 =	simm.s32 $0xE480  }
0x146: {  	[tilespmem:s12], [sflag:$0x3] =	stream.indirect_vreg.gather [hbm4b:s3+s4], $0x80, v3, vm0, $0xb8;
	[tilespmem:$0x18480] =	vst v63  }
0x147: {  	s14 =	simm.s32 $0xEC80  }
0x148: {  	[tilespmem:s14], [sflag:$0x3] =	stream.indirect_vreg.gather [hbm4b:s5+s4], $0x80, v3, vm0, $0xb8;
	[tilespmem:$0x18480] =	vst v63  }
0x149: {  	s15 =	simm.s32 $0xF480  }
0x14a: {  	[tilespmem:s15], [sflag:$0x3] =	stream.indirect_vreg.gather [hbm4b:s6+s4], $0x80, v3, vm0, $0xb8;
	[tilespmem:$0x18480] =	vst v63  }
0x14b: {  	s10 =	simm.s32 $0xFC80;
	s2 =	simm.s32 $0x4  }
0x14c: {  	[tilespmem:s10], [sflag:$0x3] =	stream.indirect_vreg.gather [hbm4b:s7+s4], $0x80, v3, vm0, $0xb8;
	[tilespmem:$0x18480] =	vst v63  }
0x14d: {  	_ =	swait.ge [sflag:s2], $0x8000  }
0x14e: {  	[sflag:s2] =	ssyncset.done $0x0  }
0x14f: {  	s31 =	simm.s32 $0x10480;
	s10 =	rddreg [dreg:$0x8];
	[sflag:s2] =	ssyncadd.s32 $0xFFFF8000  }
0x150: {  	[hbm4b:s10+s4] =	stream.linear.scatter [tilespmem:s31], [sflag:$0x7], $0x8000, $0x38;
	[tilespmem:$0x18480] =	vst v63  }
0x151: {  	s10 =	simm.s32 $0x7  }
0x152: {  	_ =	swait.ge [sflag:s10], $0x8000  }
0x153: {  	[sflag:s10] =	ssyncset.done $0x0  }
0x154: {  	[sflag:s10] =	ssyncadd.s32 $0xFFFF8000  }
0x155: {  	v3 =	vld [tilespmem:$0x2A0];
	_ =	sdelay $0x4  }
0x156: {  	v42 =	vshll.u32 v3, $0x3  }
0x157: {  	v3 =	vand.u32 $0x7, v3;
	v4 =	vand.u32 $0xFFFFFFC0, v42  }
0x158: {  	v3 =	vor.u32 v3, v4  }
0x159: {  	v4 =	vperm.xlane v3, v0;
	_ =	sdelay $0x1  }
0x15a: {  	v4 =	vadd.s32 v1, v4;
	_ =	sdelay $0x4  }
0x15b: {  	[tilespmem:s31], [sflag:$0x4] =	stream.indirect_vreg.gather [hbm4b:s3+s4], $0x80, v4, vm0, $0xb8;
	[tilespmem:$0x18480] =	vst v63  }
0x15c: {  	v3 =	vperm.xlane v3, v2;
	s31 =	simm.s32 $0x10C80  }
0x15d: {  	[tilespmem:s31], [sflag:$0x4] =	stream.indirect_vreg.gather [hbm4b:s5+s4], $0x80, v4, vm0, $0xb8;
	[tilespmem:$0x18480] =	vst v63  }
0x15e: {  	v3 =	vadd.s32 v1, v3;
	s31 =	simm.s32 $0x11480  }
0x15f: {  	[tilespmem:s31], [sflag:$0x4] =	stream.indirect_vreg.gather [hbm4b:s6+s4], $0x80, v4, vm0, $0xb8;
	[tilespmem:$0x18480] =	vst v63  }
0x160: {  	s31 =	simm.s32 $0x11C80  }
0x161: {  	[tilespmem:s31], [sflag:$0x4] =	stream.indirect_vreg.gather [hbm4b:s7+s4], $0x80, v4, vm0, $0xb8;
	[tilespmem:$0x18480] =	vst v63  }
0x162: {  	s31 =	simm.s32 $0x12480  }
0x163: {  	[tilespmem:s31], [sflag:$0x4] =	stream.indirect_vreg.gather [hbm4b:s3+s4], $0x80, v3, vm0, $0xb8;
	[tilespmem:$0x18480] =	vst v63  }
0x164: {  	s31 =	simm.s32 $0x12C80  }
0x165: {  	[tilespmem:s31], [sflag:$0x4] =	stream.indirect_vreg.gather [hbm4b:s5+s4], $0x80, v3, vm0, $0xb8;
	[tilespmem:$0x18480] =	vst v63  }
0x166: {  	s31 =	simm.s32 $0x13480  }
0x167: {  	[tilespmem:s31], [sflag:$0x4] =	stream.indirect_vreg.gather [hbm4b:s6+s4], $0x80, v3, vm0, $0xb8;
	[tilespmem:$0x18480] =	vst v63  }
0x168: {  	s31 =	simm.s32 $0x13C80  }
0x169: {  	[tilespmem:s31], [sflag:$0x4] =	stream.indirect_vreg.gather [hbm4b:s7+s4], $0x80, v3, vm0, $0xb8;
	[tilespmem:$0x18480] =	vst v63  }
0x16a: {  	v3 =	vld [tilespmem:$0x2B0];
	_ =	sdelay $0x4  }
0x16b: {  	v43 =	vshll.u32 v3, $0x3  }
0x16c: {  	v3 =	vand.u32 $0x7, v3;
	v4 =	vand.u32 $0xFFFFFFC0, v43  }
0x16d: {  	v3 =	vor.u32 v3, v4  }
0x16e: {  	v4 =	vperm.xlane v3, v0;
	_ =	sdelay $0x1  }
0x16f: {  	v4 =	vadd.s32 v1, v4;
	_ =	sdelay $0x3  }
0x170: {  	s31 =	simm.s32 $0x14480  }
0x171: {  	[tilespmem:s31], [sflag:$0x4] =	stream.indirect_vreg.gather [hbm4b:s3+s4], $0x80, v4, vm0, $0xb8;
	[tilespmem:$0x18480] =	vst v63  }
0x172: {  	v3 =	vperm.xlane v3, v2;
	s31 =	simm.s32 $0x14C80  }
0x173: {  	[tilespmem:s31], [sflag:$0x4] =	stream.indirect_vreg.gather [hbm4b:s5+s4], $0x80, v4, vm0, $0xb8;
	[tilespmem:$0x18480] =	vst v63  }
0x174: {  	v3 =	vadd.s32 v1, v3;
	s31 =	simm.s32 $0x15480  }
0x175: {  	[tilespmem:s31], [sflag:$0x4] =	stream.indirect_vreg.gather [hbm4b:s6+s4], $0x80, v4, vm0, $0xb8;
	[tilespmem:$0x18480] =	vst v63  }
0x176: {  	s31 =	simm.s32 $0x15C80  }
0x177: {  	[tilespmem:s31], [sflag:$0x4] =	stream.indirect_vreg.gather [hbm4b:s7+s4], $0x80, v4, vm0, $0xb8;
	[tilespmem:$0x18480] =	vst v63  }
0x178: {  	s31 =	simm.s32 $0x16480  }
0x179: {  	[tilespmem:s31], [sflag:$0x4] =	stream.indirect_vreg.gather [hbm4b:s3+s4], $0x80, v3, vm0, $0xb8;
	[tilespmem:$0x18480] =	vst v63  }
0x17a: {  	s31 =	simm.s32 $0x16C80  }
0x17b: {  	[tilespmem:s31], [sflag:$0x4] =	stream.indirect_vreg.gather [hbm4b:s5+s4], $0x80, v3, vm0, $0xb8;
	[tilespmem:$0x18480] =	vst v63  }
0x17c: {  	s31 =	simm.s32 $0x17480  }
0x17d: {  	[tilespmem:s31], [sflag:$0x4] =	stream.indirect_vreg.gather [hbm4b:s6+s4], $0x80, v3, vm0, $0xb8;
	[tilespmem:$0x18480] =	vst v63  }
0x17e: {  	s31 =	simm.s32 $0x17C80  }
0x17f: {  	[tilespmem:s31], [sflag:$0x4] =	stream.indirect_vreg.gather [hbm4b:s7+s4], $0x80, v3, vm0, $0xb8;
	[tilespmem:$0x18480] =	vst v63  }
0x180: {  	_ =	swait.ge [sflag:s19], $0x8000  }
0x181: {  	[sflag:s19] =	ssyncset.done $0x0  }
0x182: {  	s31 =	simm.s32 $0x480;
	s13 =	rddreg [dreg:$0x9];
	[sflag:s19] =	ssyncadd.s32 $0xFFFF8000  }
0x183: {  	[hbm4b:s13+s4] =	stream.linear.scatter [tilespmem:s31], [sflag:$0x5], $0x8000, $0x38;
	[tilespmem:$0x18480] =	vst v63  }
0x184: {  	_ =	swait.ge [sflag:s9], $0x8000  }
0x185: {  	[sflag:s9] =	ssyncset.done $0x0  }
0x186: {  	[sflag:s9] =	ssyncadd.s32 $0xFFFF8000  }
0x187: {  	v3 =	vld [tilespmem:$0x2C0];
	_ =	sdelay $0x4  }
0x188: {  	v44 =	vshll.u32 v3, $0x3  }
0x189: {  	v3 =	vand.u32 $0x7, v3;
	v4 =	vand.u32 $0xFFFFFFC0, v44  }
0x18a: {  	v3 =	vor.u32 v3, v4  }
0x18b: {  	v4 =	vperm.xlane v3, v0;
	_ =	sdelay $0x1  }
0x18c: {  	v4 =	vadd.s32 v1, v4;
	_ =	sdelay $0x4  }
0x18d: {  	[tilespmem:s31], [sflag:$0x2] =	stream.indirect_vreg.gather [hbm4b:s3+s4], $0x80, v4, vm0, $0xb8;
	[tilespmem:$0x18480] =	vst v63  }
0x18e: {  	v3 =	vperm.xlane v3, v2;
	s31 =	simm.s32 $0xC80  }
0x18f: {  	[tilespmem:s31], [sflag:$0x2] =	stream.indirect_vreg.gather [hbm4b:s5+s4], $0x80, v4, vm0, $0xb8;
	[tilespmem:$0x18480] =	vst v63  }
0x190: {  	v3 =	vadd.s32 v1, v3  }
0x191: {  	[tilespmem:s11], [sflag:$0x2] =	stream.indirect_vreg.gather [hbm4b:s6+s4], $0x80, v4, vm0, $0xb8;
	[tilespmem:$0x18480] =	vst v63  }
0x192: {  	_ = 	snop  }
0x193: {  	[tilespmem:s16], [sflag:$0x2] =	stream.indirect_vreg.gather [hbm4b:s7+s4], $0x80, v4, vm0, $0xb8;
	[tilespmem:$0x18480] =	vst v63  }
0x194: {  	_ = 	snop  }
0x195: {  	[tilespmem:s17], [sflag:$0x2] =	stream.indirect_vreg.gather [hbm4b:s3+s4], $0x80, v3, vm0, $0xb8;
	[tilespmem:$0x18480] =	vst v63  }
0x196: {  	_ = 	snop  }
0x197: {  	[tilespmem:s18], [sflag:$0x2] =	stream.indirect_vreg.gather [hbm4b:s5+s4], $0x80, v3, vm0, $0xb8;
	[tilespmem:$0x18480] =	vst v63  }
0x198: {  	_ = 	snop  }
0x199: {  	[tilespmem:s20], [sflag:$0x2] =	stream.indirect_vreg.gather [hbm4b:s6+s4], $0x80, v3, vm0, $0xb8;
	[tilespmem:$0x18480] =	vst v63  }
0x19a: {  	s31 =	simm.s32 $0x3C80  }
0x19b: {  	[tilespmem:s31], [sflag:$0x2] =	stream.indirect_vreg.gather [hbm4b:s7+s4], $0x80, v3, vm0, $0xb8;
	[tilespmem:$0x18480] =	vst v63  }
0x19c: {  	v3 =	vld [tilespmem:$0x2D0];
	_ =	sdelay $0x4  }
0x19d: {  	v45 =	vshll.u32 v3, $0x3  }
0x19e: {  	v3 =	vand.u32 $0x7, v3;
	v4 =	vand.u32 $0xFFFFFFC0, v45  }
0x19f: {  	v3 =	vor.u32 v3, v4  }
0x1a0: {  	v4 =	vperm.xlane v3, v0;
	_ =	sdelay $0x1  }
0x1a1: {  	v4 =	vadd.s32 v1, v4;
	_ =	sdelay $0x3  }
0x1a2: {  	s13 =	simm.s32 $0x4480  }
0x1a3: {  	[tilespmem:s13], [sflag:$0x2] =	stream.indirect_vreg.gather [hbm4b:s3+s4], $0x80, v4, vm0, $0xb8;
	[tilespmem:$0x18480] =	vst v63  }
0x1a4: {  	s16 =	simm.s32 $0x4C80;
	v3 =	vperm.xlane v3, v2  }
0x1a5: {  	[tilespmem:s16], [sflag:$0x2] =	stream.indirect_vreg.gather [hbm4b:s5+s4], $0x80, v4, vm0, $0xb8;
	[tilespmem:$0x18480] =	vst v63  }
0x1a6: {  	v3 =	vadd.s32 v1, v3  }
0x1a7: {  	[tilespmem:s21], [sflag:$0x2] =	stream.indirect_vreg.gather [hbm4b:s6+s4], $0x80, v4, vm0, $0xb8;
	[tilespmem:$0x18480] =	vst v63  }
0x1a8: {  	_ = 	snop  }
0x1a9: {  	[tilespmem:s22], [sflag:$0x2] =	stream.indirect_vreg.gather [hbm4b:s7+s4], $0x80, v4, vm0, $0xb8;
	[tilespmem:$0x18480] =	vst v63  }
0x1aa: {  	_ = 	snop  }
0x1ab: {  	[tilespmem:s23], [sflag:$0x2] =	stream.indirect_vreg.gather [hbm4b:s3+s4], $0x80, v3, vm0, $0xb8;
	[tilespmem:$0x18480] =	vst v63  }
0x1ac: {  	_ = 	snop  }
0x1ad: {  	[tilespmem:s24], [sflag:$0x2] =	stream.indirect_vreg.gather [hbm4b:s5+s4], $0x80, v3, vm0, $0xb8;
	[tilespmem:$0x18480] =	vst v63  }
0x1ae: {  	_ = 	snop  }
0x1af: {  	[tilespmem:s25], [sflag:$0x2] =	stream.indirect_vreg.gather [hbm4b:s6+s4], $0x80, v3, vm0, $0xb8;
	[tilespmem:$0x18480] =	vst v63  }
0x1b0: {  	s17 =	simm.s32 $0x7C80  }
0x1b1: {  	[tilespmem:s17], [sflag:$0x2] =	stream.indirect_vreg.gather [hbm4b:s7+s4], $0x80, v3, vm0, $0xb8;
	[tilespmem:$0x18480] =	vst v63  }
0x1b2: {  	_ =	swait.ge [sflag:s1], $0x8000  }
0x1b3: {  	[sflag:s1] =	ssyncset.done $0x0  }
0x1b4: {  	s22 =	simm.s32 $0x8480;
	s21 =	rddreg [dreg:$0xa];
	[sflag:s1] =	ssyncadd.s32 $0xFFFF8000  }
0x1b5: {  	[hbm4b:s21+s4] =	stream.linear.scatter [tilespmem:s22], [sflag:$0x6], $0x8000, $0x38;
	[tilespmem:$0x18480] =	vst v63  }
0x1b6: {  	_ =	swait.ge [sflag:s0], $0x8000  }
0x1b7: {  	[sflag:s0] =	ssyncset.done $0x0  }
0x1b8: {  	[sflag:s0] =	ssyncadd.s32 $0xFFFF8000  }
0x1b9: {  	v3 =	vld [tilespmem:$0x2E0];
	_ =	sdelay $0x4  }
0x1ba: {  	v46 =	vshll.u32 v3, $0x3  }
0x1bb: {  	v3 =	vand.u32 $0x7, v3;
	v4 =	vand.u32 $0xFFFFFFC0, v46  }
0x1bc: {  	v3 =	vor.u32 v3, v4  }
0x1bd: {  	v4 =	vperm.xlane v3, v0;
	_ =	sdelay $0x1  }
0x1be: {  	v4 =	vadd.s32 v1, v4;
	_ =	sdelay $0x4  }
0x1bf: {  	[tilespmem:s22], [sflag:$0x3] =	stream.indirect_vreg.gather [hbm4b:s3+s4], $0x80, v4, vm0, $0xb8;
	[tilespmem:$0x18480] =	vst v63  }
0x1c0: {  	s23 =	simm.s32 $0x8C80;
	v3 =	vperm.xlane v3, v2  }
0x1c1: {  	[tilespmem:s23], [sflag:$0x3] =	stream.indirect_vreg.gather [hbm4b:s5+s4], $0x80, v4, vm0, $0xb8;
	[tilespmem:$0x18480] =	vst v63  }
0x1c2: {  	v3 =	vadd.s32 v1, v3  }
0x1c3: {  	[tilespmem:s28], [sflag:$0x3] =	stream.indirect_vreg.gather [hbm4b:s6+s4], $0x80, v4, vm0, $0xb8;
	[tilespmem:$0x18480] =	vst v63  }
0x1c4: {  	_ = 	snop  }
0x1c5: {  	[tilespmem:s29], [sflag:$0x3] =	stream.indirect_vreg.gather [hbm4b:s7+s4], $0x80, v4, vm0, $0xb8;
	[tilespmem:$0x18480] =	vst v63  }
0x1c6: {  	_ = 	snop  }
0x1c7: {  	[tilespmem:s30], [sflag:$0x3] =	stream.indirect_vreg.gather [hbm4b:s3+s4], $0x80, v3, vm0, $0xb8;
	[tilespmem:$0x18480] =	vst v63  }
0x1c8: {  	_ = 	snop  }
0x1c9: {  	[tilespmem:s26], [sflag:$0x3] =	stream.indirect_vreg.gather [hbm4b:s5+s4], $0x80, v3, vm0, $0xb8;
	[tilespmem:$0x18480] =	vst v63  }
0x1ca: {  	s11 =	simm.s32 $0xB480  }
0x1cb: {  	[tilespmem:s11], [sflag:$0x3] =	stream.indirect_vreg.gather [hbm4b:s6+s4], $0x80, v3, vm0, $0xb8;
	[tilespmem:$0x18480] =	vst v63  }
0x1cc: {  	s24 =	simm.s32 $0xBC80  }
0x1cd: {  	[tilespmem:s24], [sflag:$0x3] =	stream.indirect_vreg.gather [hbm4b:s7+s4], $0x80, v3, vm0, $0xb8;
	[tilespmem:$0x18480] =	vst v63  }
0x1ce: {  	v3 =	vld [tilespmem:$0x2F0];
	_ =	sdelay $0x4  }
0x1cf: {  	v47 =	vshll.u32 v3, $0x3  }
0x1d0: {  	v3 =	vand.u32 $0x7, v3;
	v4 =	vand.u32 $0xFFFFFFC0, v47  }
0x1d1: {  	v3 =	vor.u32 v3, v4  }
0x1d2: {  	v4 =	vperm.xlane v3, v0;
	_ =	sdelay $0x1  }
0x1d3: {  	v4 =	vadd.s32 v1, v4;
	_ =	sdelay $0x3  }
0x1d4: {  	s25 =	simm.s32 $0xC480  }
0x1d5: {  	[tilespmem:s25], [sflag:$0x3] =	stream.indirect_vreg.gather [hbm4b:s3+s4], $0x80, v4, vm0, $0xb8;
	[tilespmem:$0x18480] =	vst v63  }
0x1d6: {  	s26 =	simm.s32 $0xCC80;
	v3 =	vperm.xlane v3, v2  }
0x1d7: {  	[tilespmem:s26], [sflag:$0x3] =	stream.indirect_vreg.gather [hbm4b:s5+s4], $0x80, v4, vm0, $0xb8;
	[tilespmem:$0x18480] =	vst v63  }
0x1d8: {  	s28 =	simm.s32 $0xD480;
	v3 =	vadd.s32 v1, v3  }
0x1d9: {  	[tilespmem:s28], [sflag:$0x3] =	stream.indirect_vreg.gather [hbm4b:s6+s4], $0x80, v4, vm0, $0xb8;
	[tilespmem:$0x18480] =	vst v63  }
0x1da: {  	_ = 	snop  }
0x1db: {  	[tilespmem:s8], [sflag:$0x3] =	stream.indirect_vreg.gather [hbm4b:s7+s4], $0x80, v4, vm0, $0xb8;
	[tilespmem:$0x18480] =	vst v63  }
0x1dc: {  	_ = 	snop  }
0x1dd: {  	[tilespmem:s12], [sflag:$0x3] =	stream.indirect_vreg.gather [hbm4b:s3+s4], $0x80, v3, vm0, $0xb8;
	[tilespmem:$0x18480] =	vst v63  }
0x1de: {  	_ = 	snop  }
0x1df: {  	[tilespmem:s14], [sflag:$0x3] =	stream.indirect_vreg.gather [hbm4b:s5+s4], $0x80, v3, vm0, $0xb8;
	[tilespmem:$0x18480] =	vst v63  }
0x1e0: {  	_ = 	snop  }
0x1e1: {  	[tilespmem:s15], [sflag:$0x3] =	stream.indirect_vreg.gather [hbm4b:s6+s4], $0x80, v3, vm0, $0xb8;
	[tilespmem:$0x18480] =	vst v63  }
0x1e2: {  	s15 =	simm.s32 $0xFC80  }
0x1e3: {  	[tilespmem:s15], [sflag:$0x3] =	stream.indirect_vreg.gather [hbm4b:s7+s4], $0x80, v3, vm0, $0xb8;
	[tilespmem:$0x18480] =	vst v63  }
0x1e4: {  	_ =	swait.ge [sflag:s2], $0x8000  }
0x1e5: {  	[sflag:s2] =	ssyncset.done $0x0  }
0x1e6: {  	s30 =	simm.s32 $0x10480;
	s29 =	rddreg [dreg:$0xb];
	[sflag:s2] =	ssyncadd.s32 $0xFFFF8000  }
0x1e7: {  	[hbm4b:s29+s4] =	stream.linear.scatter [tilespmem:s30], [sflag:$0x7], $0x8000, $0x38;
	[tilespmem:$0x18480] =	vst v63  }
0x1e8: {  	_ =	swait.ge [sflag:s10], $0x8000  }
0x1e9: {  	[sflag:s10] =	ssyncset.done $0x0  }
0x1ea: {  	[sflag:s10] =	ssyncadd.s32 $0xFFFF8000  }
0x1eb: {  	v3 =	vld [tilespmem:$0x300];
	_ =	sdelay $0x4  }
0x1ec: {  	v48 =	vshll.u32 v3, $0x3  }
0x1ed: {  	v3 =	vand.u32 $0x7, v3;
	v4 =	vand.u32 $0xFFFFFFC0, v48  }
0x1ee: {  	v3 =	vor.u32 v3, v4  }
0x1ef: {  	v4 =	vperm.xlane v3, v0;
	_ =	sdelay $0x1  }
0x1f0: {  	v4 =	vadd.s32 v1, v4;
	_ =	sdelay $0x4  }
0x1f1: {  	[tilespmem:s30], [sflag:$0x4] =	stream.indirect_vreg.gather [hbm4b:s3+s4], $0x80, v4, vm0, $0xb8;
	[tilespmem:$0x18480] =	vst v63  }
0x1f2: {  	s31 =	simm.s32 $0x10C80;
	v3 =	vperm.xlane v3, v2  }
0x1f3: {  	[tilespmem:s31], [sflag:$0x4] =	stream.indirect_vreg.gather [hbm4b:s5+s4], $0x80, v4, vm0, $0xb8;
	[tilespmem:$0x18480] =	vst v63  }
0x1f4: {  	s24 =	simm.s32 $0x11480;
	v3 =	vadd.s32 v1, v3  }
0x1f5: {  	[tilespmem:s24], [sflag:$0x4] =	stream.indirect_vreg.gather [hbm4b:s6+s4], $0x80, v4, vm0, $0xb8;
	[tilespmem:$0x18480] =	vst v63  }
0x1f6: {  	s25 =	simm.s32 $0x11C80  }
0x1f7: {  	[tilespmem:s25], [sflag:$0x4] =	stream.indirect_vreg.gather [hbm4b:s7+s4], $0x80, v4, vm0, $0xb8;
	[tilespmem:$0x18480] =	vst v63  }
0x1f8: {  	s26 =	simm.s32 $0x12480  }
0x1f9: {  	[tilespmem:s26], [sflag:$0x4] =	stream.indirect_vreg.gather [hbm4b:s3+s4], $0x80, v3, vm0, $0xb8;
	[tilespmem:$0x18480] =	vst v63  }
0x1fa: {  	s28 =	simm.s32 $0x12C80  }
0x1fb: {  	[tilespmem:s28], [sflag:$0x4] =	stream.indirect_vreg.gather [hbm4b:s5+s4], $0x80, v3, vm0, $0xb8;
	[tilespmem:$0x18480] =	vst v63  }
0x1fc: {  	s29 =	simm.s32 $0x13480  }
0x1fd: {  	[tilespmem:s29], [sflag:$0x4] =	stream.indirect_vreg.gather [hbm4b:s6+s4], $0x80, v3, vm0, $0xb8;
	[tilespmem:$0x18480] =	vst v63  }
0x1fe: {  	s12 =	simm.s32 $0x13C80  }
0x1ff: {  	[tilespmem:s12], [sflag:$0x4] =	stream.indirect_vreg.gather [hbm4b:s7+s4], $0x80, v3, vm0, $0xb8;
	[tilespmem:$0x18480] =	vst v63  }
0x200: {  	v3 =	vld [tilespmem:$0x310];
	_ =	sdelay $0x4  }
0x201: {  	v49 =	vshll.u32 v3, $0x3  }
0x202: {  	v3 =	vand.u32 $0x7, v3;
	v4 =	vand.u32 $0xFFFFFFC0, v49  }
0x203: {  	v3 =	vor.u32 v3, v4  }
0x204: {  	v4 =	vperm.xlane v3, v0;
	_ =	sdelay $0x1  }
0x205: {  	v4 =	vadd.s32 v1, v4;
	_ =	sdelay $0x3  }
0x206: {  	s13 =	simm.s32 $0x14480  }
0x207: {  	[tilespmem:s13], [sflag:$0x4] =	stream.indirect_vreg.gather [hbm4b:s3+s4], $0x80, v4, vm0, $0xb8;
	[tilespmem:$0x18480] =	vst v63  }
0x208: {  	s14 =	simm.s32 $0x14C80;
	v3 =	vperm.xlane v3, v2  }
0x209: {  	[tilespmem:s14], [sflag:$0x4] =	stream.indirect_vreg.gather [hbm4b:s5+s4], $0x80, v4, vm0, $0xb8;
	[tilespmem:$0x18480] =	vst v63  }
0x20a: {  	s30 =	simm.s32 $0x15480;
	v3 =	vadd.s32 v1, v3  }
0x20b: {  	[tilespmem:s30], [sflag:$0x4] =	stream.indirect_vreg.gather [hbm4b:s6+s4], $0x80, v4, vm0, $0xb8;
	[tilespmem:$0x18480] =	vst v63  }
0x20c: {  	s31 =	simm.s32 $0x15C80  }
0x20d: {  	[tilespmem:s31], [sflag:$0x4] =	stream.indirect_vreg.gather [hbm4b:s7+s4], $0x80, v4, vm0, $0xb8;
	[tilespmem:$0x18480] =	vst v63  }
0x20e: {  	s16 =	simm.s32 $0x16480  }
0x20f: {  	[tilespmem:s16], [sflag:$0x4] =	stream.indirect_vreg.gather [hbm4b:s3+s4], $0x80, v3, vm0, $0xb8;
	[tilespmem:$0x18480] =	vst v63  }
0x210: {  	s21 =	simm.s32 $0x16C80  }
0x211: {  	[tilespmem:s21], [sflag:$0x4] =	stream.indirect_vreg.gather [hbm4b:s5+s4], $0x80, v3, vm0, $0xb8;
	[tilespmem:$0x18480] =	vst v63  }
0x212: {  	s22 =	simm.s32 $0x17480  }
0x213: {  	[tilespmem:s22], [sflag:$0x4] =	stream.indirect_vreg.gather [hbm4b:s6+s4], $0x80, v3, vm0, $0xb8;
	[tilespmem:$0x18480] =	vst v63  }
0x214: {  	s23 =	simm.s32 $0x17C80  }
0x215: {  	[tilespmem:s23], [sflag:$0x4] =	stream.indirect_vreg.gather [hbm4b:s7+s4], $0x80, v3, vm0, $0xb8;
	[tilespmem:$0x18480] =	vst v63  }
0x216: {  	_ =	swait.ge [sflag:s19], $0x8000  }
0x217: {  	[sflag:s19] =	ssyncset.done $0x0  }
0x218: {  	s14 =	simm.s32 $0x480;
	s12 =	rddreg [dreg:$0xc];
	[sflag:s19] =	ssyncadd.s32 $0xFFFF8000  }
0x219: {  	[hbm4b:s12+s4] =	stream.linear.scatter [tilespmem:s14], [sflag:$0x5], $0x8000, $0x38;
	[tilespmem:$0x18480] =	vst v63  }
0x21a: {  	_ =	swait.ge [sflag:s9], $0x8000  }
0x21b: {  	[sflag:s9] =	ssyncset.done $0x0  }
0x21c: {  	[sflag:s9] =	ssyncadd.s32 $0xFFFF8000  }
0x21d: {  	v3 =	vld [tilespmem:$0x320];
	_ =	sdelay $0x4  }
0x21e: {  	v50 =	vshll.u32 v3, $0x3  }
0x21f: {  	v3 =	vand.u32 $0x7, v3;
	v4 =	vand.u32 $0xFFFFFFC0, v50  }
0x220: {  	v3 =	vor.u32 v3, v4  }
0x221: {  	v4 =	vperm.xlane v3, v0;
	_ =	sdelay $0x1  }
0x222: {  	v4 =	vadd.s32 v1, v4;
	_ =	sdelay $0x4  }
0x223: {  	[tilespmem:s14], [sflag:$0x2] =	stream.indirect_vreg.gather [hbm4b:s3+s4], $0x80, v4, vm0, $0xb8;
	[tilespmem:$0x18480] =	vst v63  }
0x224: {  	s16 =	simm.s32 $0xC80;
	v3 =	vperm.xlane v3, v2  }
0x225: {  	[tilespmem:s16], [sflag:$0x2] =	stream.indirect_vreg.gather [hbm4b:s5+s4], $0x80, v4, vm0, $0xb8;
	[tilespmem:$0x18480] =	vst v63  }
0x226: {  	s8 =	simm.s32 $0x1480;
	v3 =	vadd.s32 v1, v3  }
0x227: {  	[tilespmem:s8], [sflag:$0x2] =	stream.indirect_vreg.gather [hbm4b:s6+s4], $0x80, v4, vm0, $0xb8;
	[tilespmem:$0x18480] =	vst v63  }
0x228: {  	s12 =	simm.s32 $0x1C80  }
0x229: {  	[tilespmem:s12], [sflag:$0x2] =	stream.indirect_vreg.gather [hbm4b:s7+s4], $0x80, v4, vm0, $0xb8;
	[tilespmem:$0x18480] =	vst v63  }
0x22a: {  	s14 =	simm.s32 $0x2480  }
0x22b: {  	[tilespmem:s14], [sflag:$0x2] =	stream.indirect_vreg.gather [hbm4b:s3+s4], $0x80, v3, vm0, $0xb8;
	[tilespmem:$0x18480] =	vst v63  }
0x22c: {  	s16 =	simm.s32 $0x2C80  }
0x22d: {  	[tilespmem:s16], [sflag:$0x2] =	stream.indirect_vreg.gather [hbm4b:s5+s4], $0x80, v3, vm0, $0xb8;
	[tilespmem:$0x18480] =	vst v63  }
0x22e: {  	s21 =	simm.s32 $0x3480  }
0x22f: {  	[tilespmem:s21], [sflag:$0x2] =	stream.indirect_vreg.gather [hbm4b:s6+s4], $0x80, v3, vm0, $0xb8;
	[tilespmem:$0x18480] =	vst v63  }
0x230: {  	s18 =	simm.s32 $0x3C80  }
0x231: {  	[tilespmem:s18], [sflag:$0x2] =	stream.indirect_vreg.gather [hbm4b:s7+s4], $0x80, v3, vm0, $0xb8;
	[tilespmem:$0x18480] =	vst v63  }
0x232: {  	v3 =	vld [tilespmem:$0x330];
	_ =	sdelay $0x4  }
0x233: {  	v51 =	vshll.u32 v3, $0x3  }
0x234: {  	v3 =	vand.u32 $0x7, v3;
	v4 =	vand.u32 $0xFFFFFFC0, v51  }
0x235: {  	v3 =	vor.u32 v3, v4  }
0x236: {  	v4 =	vperm.xlane v3, v0;
	_ =	sdelay $0x1  }
0x237: {  	v4 =	vadd.s32 v1, v4;
	_ =	sdelay $0x3  }
0x238: {  	s20 =	simm.s32 $0x4480  }
0x239: {  	[tilespmem:s20], [sflag:$0x2] =	stream.indirect_vreg.gather [hbm4b:s3+s4], $0x80, v4, vm0, $0xb8;
	[tilespmem:$0x18480] =	vst v63  }
0x23a: {  	s22 =	simm.s32 $0x4C80;
	v3 =	vperm.xlane v3, v2  }
0x23b: {  	[tilespmem:s22], [sflag:$0x2] =	stream.indirect_vreg.gather [hbm4b:s5+s4], $0x80, v4, vm0, $0xb8;
	[tilespmem:$0x18480] =	vst v63  }
0x23c: {  	s23 =	simm.s32 $0x5480;
	v3 =	vadd.s32 v1, v3  }
0x23d: {  	[tilespmem:s23], [sflag:$0x2] =	stream.indirect_vreg.gather [hbm4b:s6+s4], $0x80, v4, vm0, $0xb8;
	[tilespmem:$0x18480] =	vst v63  }
0x23e: {  	s20 =	simm.s32 $0x5C80  }
0x23f: {  	[tilespmem:s20], [sflag:$0x2] =	stream.indirect_vreg.gather [hbm4b:s7+s4], $0x80, v4, vm0, $0xb8;
	[tilespmem:$0x18480] =	vst v63  }
0x240: {  	s21 =	simm.s32 $0x6480  }
0x241: {  	[tilespmem:s21], [sflag:$0x2] =	stream.indirect_vreg.gather [hbm4b:s3+s4], $0x80, v3, vm0, $0xb8;
	[tilespmem:$0x18480] =	vst v63  }
0x242: {  	s22 =	simm.s32 $0x6C80  }
0x243: {  	[tilespmem:s22], [sflag:$0x2] =	stream.indirect_vreg.gather [hbm4b:s5+s4], $0x80, v3, vm0, $0xb8;
	[tilespmem:$0x18480] =	vst v63  }
0x244: {  	s23 =	simm.s32 $0x7480  }
0x245: {  	[tilespmem:s23], [sflag:$0x2] =	stream.indirect_vreg.gather [hbm4b:s6+s4], $0x80, v3, vm0, $0xb8;
	[tilespmem:$0x18480] =	vst v63  }
0x246: {  	s18 =	simm.s32 $0x7C80  }
0x247: {  	[tilespmem:s18], [sflag:$0x2] =	stream.indirect_vreg.gather [hbm4b:s7+s4], $0x80, v3, vm0, $0xb8;
	[tilespmem:$0x18480] =	vst v63  }
0x248: {  	_ =	swait.ge [sflag:s1], $0x8000  }
0x249: {  	[sflag:s1] =	ssyncset.done $0x0  }
0x24a: {  	s17 =	simm.s32 $0x8480;
	s18 =	rddreg [dreg:$0xd];
	[sflag:s1] =	ssyncadd.s32 $0xFFFF8000  }
0x24b: {  	[hbm4b:s18+s4] =	stream.linear.scatter [tilespmem:s17], [sflag:$0x6], $0x8000, $0x38;
	[tilespmem:$0x18480] =	vst v63  }
0x24c: {  	_ =	swait.ge [sflag:s0], $0x8000  }
0x24d: {  	[sflag:s0] =	ssyncset.done $0x0  }
0x24e: {  	[sflag:s0] =	ssyncadd.s32 $0xFFFF8000  }
0x24f: {  	v3 =	vld [tilespmem:$0x340];
	_ =	sdelay $0x4  }
0x250: {  	v52 =	vshll.u32 v3, $0x3  }
0x251: {  	v3 =	vand.u32 $0x7, v3;
	v4 =	vand.u32 $0xFFFFFFC0, v52  }
0x252: {  	v3 =	vor.u32 v3, v4  }
0x253: {  	v4 =	vperm.xlane v3, v0;
	_ =	sdelay $0x1  }
0x254: {  	v4 =	vadd.s32 v1, v4;
	_ =	sdelay $0x4  }
0x255: {  	[tilespmem:s17], [sflag:$0x3] =	stream.indirect_vreg.gather [hbm4b:s3+s4], $0x80, v4, vm0, $0xb8;
	[tilespmem:$0x18480] =	vst v63  }
0x256: {  	s18 =	simm.s32 $0x8C80;
	v3 =	vperm.xlane v3, v2  }
0x257: {  	[tilespmem:s18], [sflag:$0x3] =	stream.indirect_vreg.gather [hbm4b:s5+s4], $0x80, v4, vm0, $0xb8;
	[tilespmem:$0x18480] =	vst v63  }
0x258: {  	v3 =	vadd.s32 v1, v3;
	s17 =	simm.s32 $0x9480  }
0x259: {  	[tilespmem:s17], [sflag:$0x3] =	stream.indirect_vreg.gather [hbm4b:s6+s4], $0x80, v4, vm0, $0xb8;
	[tilespmem:$0x18480] =	vst v63  }
0x25a: {  	s18 =	simm.s32 $0x9C80  }
0x25b: {  	[tilespmem:s18], [sflag:$0x3] =	stream.indirect_vreg.gather [hbm4b:s7+s4], $0x80, v4, vm0, $0xb8;
	[tilespmem:$0x18480] =	vst v63  }
0x25c: {  	s17 =	simm.s32 $0xA480  }
0x25d: {  	[tilespmem:s17], [sflag:$0x3] =	stream.indirect_vreg.gather [hbm4b:s3+s4], $0x80, v3, vm0, $0xb8;
	[tilespmem:$0x18480] =	vst v63  }
0x25e: {  	s18 =	simm.s32 $0xAC80  }
0x25f: {  	[tilespmem:s18], [sflag:$0x3] =	stream.indirect_vreg.gather [hbm4b:s5+s4], $0x80, v3, vm0, $0xb8;
	[tilespmem:$0x18480] =	vst v63  }
0x260: {  	_ = 	snop  }
0x261: {  	[tilespmem:s11], [sflag:$0x3] =	stream.indirect_vreg.gather [hbm4b:s6+s4], $0x80, v3, vm0, $0xb8;
	[tilespmem:$0x18480] =	vst v63  }
0x262: {  	s13 =	simm.s32 $0xBC80  }
0x263: {  	[tilespmem:s13], [sflag:$0x3] =	stream.indirect_vreg.gather [hbm4b:s7+s4], $0x80, v3, vm0, $0xb8;
	[tilespmem:$0x18480] =	vst v63  }
0x264: {  	v3 =	vld [tilespmem:$0x350];
	_ =	sdelay $0x4  }
0x265: {  	v53 =	vshll.u32 v3, $0x3  }
0x266: {  	v3 =	vand.u32 $0x7, v3;
	v4 =	vand.u32 $0xFFFFFFC0, v53  }
0x267: {  	v3 =	vor.u32 v3, v4  }
0x268: {  	v4 =	vperm.xlane v3, v0;
	_ =	sdelay $0x1  }
0x269: {  	v4 =	vadd.s32 v1, v4;
	_ =	sdelay $0x3  }
0x26a: {  	s17 =	simm.s32 $0xC480  }
0x26b: {  	[tilespmem:s17], [sflag:$0x3] =	stream.indirect_vreg.gather [hbm4b:s3+s4], $0x80, v4, vm0, $0xb8;
	[tilespmem:$0x18480] =	vst v63  }
0x26c: {  	s18 =	simm.s32 $0xCC80;
	v3 =	vperm.xlane v3, v2  }
0x26d: {  	[tilespmem:s18], [sflag:$0x3] =	stream.indirect_vreg.gather [hbm4b:s5+s4], $0x80, v4, vm0, $0xb8;
	[tilespmem:$0x18480] =	vst v63  }
0x26e: {  	s11 =	simm.s32 $0xD480;
	v3 =	vadd.s32 v1, v3  }
0x26f: {  	[tilespmem:s11], [sflag:$0x3] =	stream.indirect_vreg.gather [hbm4b:s6+s4], $0x80, v4, vm0, $0xb8;
	[tilespmem:$0x18480] =	vst v63  }
0x270: {  	s13 =	simm.s32 $0xDC80  }
0x271: {  	[tilespmem:s13], [sflag:$0x3] =	stream.indirect_vreg.gather [hbm4b:s7+s4], $0x80, v4, vm0, $0xb8;
	[tilespmem:$0x18480] =	vst v63  }
0x272: {  	s17 =	simm.s32 $0xE480  }
0x273: {  	[tilespmem:s17], [sflag:$0x3] =	stream.indirect_vreg.gather [hbm4b:s3+s4], $0x80, v3, vm0, $0xb8;
	[tilespmem:$0x18480] =	vst v63  }
0x274: {  	s18 =	simm.s32 $0xEC80  }
0x275: {  	[tilespmem:s18], [sflag:$0x3] =	stream.indirect_vreg.gather [hbm4b:s5+s4], $0x80, v3, vm0, $0xb8;
	[tilespmem:$0x18480] =	vst v63  }
0x276: {  	s13 =	simm.s32 $0xF480  }
0x277: {  	[tilespmem:s13], [sflag:$0x3] =	stream.indirect_vreg.gather [hbm4b:s6+s4], $0x80, v3, vm0, $0xb8;
	[tilespmem:$0x18480] =	vst v63  }
0x278: {  	_ = 	snop  }
0x279: {  	[tilespmem:s15], [sflag:$0x3] =	stream.indirect_vreg.gather [hbm4b:s7+s4], $0x80, v3, vm0, $0xb8;
	[tilespmem:$0x18480] =	vst v63  }
0x27a: {  	_ =	swait.ge [sflag:s2], $0x8000  }
0x27b: {  	[sflag:s2] =	ssyncset.done $0x0  }
0x27c: {  	s17 =	simm.s32 $0x10480;
	s15 =	rddreg [dreg:$0xe];
	[sflag:s2] =	ssyncadd.s32 $0xFFFF8000  }
0x27d: {  	[hbm4b:s15+s4] =	stream.linear.scatter [tilespmem:s17], [sflag:$0x7], $0x8000, $0x38;
	[tilespmem:$0x18480] =	vst v63  }
0x27e: {  	_ =	swait.ge [sflag:s10], $0x8000  }
0x27f: {  	[sflag:s10] =	ssyncset.done $0x0  }
0x280: {  	[sflag:s10] =	ssyncadd.s32 $0xFFFF8000  }
0x281: {  	v3 =	vld [tilespmem:$0x360];
	_ =	sdelay $0x4  }
0x282: {  	v54 =	vshll.u32 v3, $0x3  }
0x283: {  	v3 =	vand.u32 $0x7, v3;
	v4 =	vand.u32 $0xFFFFFFC0, v54  }
0x284: {  	v3 =	vor.u32 v3, v4  }
0x285: {  	v4 =	vperm.xlane v3, v0;
	_ =	sdelay $0x1  }
0x286: {  	v4 =	vadd.s32 v1, v4;
	_ =	sdelay $0x4  }
0x287: {  	[tilespmem:s17], [sflag:$0x4] =	stream.indirect_vreg.gather [hbm4b:s3+s4], $0x80, v4, vm0, $0xb8;
	[tilespmem:$0x18480] =	vst v63  }
0x288: {  	s18 =	simm.s32 $0x10C80;
	v3 =	vperm.xlane v3, v2  }
0x289: {  	[tilespmem:s18], [sflag:$0x4] =	stream.indirect_vreg.gather [hbm4b:s5+s4], $0x80, v4, vm0, $0xb8;
	[tilespmem:$0x18480] =	vst v63  }
0x28a: {  	v3 =	vadd.s32 v1, v3  }
0x28b: {  	[tilespmem:s24], [sflag:$0x4] =	stream.indirect_vreg.gather [hbm4b:s6+s4], $0x80, v4, vm0, $0xb8;
	[tilespmem:$0x18480] =	vst v63  }
0x28c: {  	_ = 	snop  }
0x28d: {  	[tilespmem:s25], [sflag:$0x4] =	stream.indirect_vreg.gather [hbm4b:s7+s4], $0x80, v4, vm0, $0xb8;
	[tilespmem:$0x18480] =	vst v63  }
0x28e: {  	_ = 	snop  }
0x28f: {  	[tilespmem:s26], [sflag:$0x4] =	stream.indirect_vreg.gather [hbm4b:s3+s4], $0x80, v3, vm0, $0xb8;
	[tilespmem:$0x18480] =	vst v63  }
0x290: {  	_ = 	snop  }
0x291: {  	[tilespmem:s28], [sflag:$0x4] =	stream.indirect_vreg.gather [hbm4b:s5+s4], $0x80, v3, vm0, $0xb8;
	[tilespmem:$0x18480] =	vst v63  }
0x292: {  	_ = 	snop  }
0x293: {  	[tilespmem:s29], [sflag:$0x4] =	stream.indirect_vreg.gather [hbm4b:s6+s4], $0x80, v3, vm0, $0xb8;
	[tilespmem:$0x18480] =	vst v63  }
0x294: {  	s11 =	simm.s32 $0x13C80  }
0x295: {  	[tilespmem:s11], [sflag:$0x4] =	stream.indirect_vreg.gather [hbm4b:s7+s4], $0x80, v3, vm0, $0xb8;
	[tilespmem:$0x18480] =	vst v63  }
0x296: {  	v3 =	vld [tilespmem:$0x370];
	_ =	sdelay $0x4  }
0x297: {  	v55 =	vshll.u32 v3, $0x3  }
0x298: {  	v3 =	vand.u32 $0x7, v3;
	v4 =	vand.u32 $0xFFFFFFC0, v55  }
0x299: {  	v3 =	vor.u32 v3, v4  }
0x29a: {  	v4 =	vperm.xlane v3, v0;
	_ =	sdelay $0x1  }
0x29b: {  	v4 =	vadd.s32 v1, v4;
	_ =	sdelay $0x3  }
0x29c: {  	s17 =	simm.s32 $0x14480  }
0x29d: {  	[tilespmem:s17], [sflag:$0x4] =	stream.indirect_vreg.gather [hbm4b:s3+s4], $0x80, v4, vm0, $0xb8;
	[tilespmem:$0x18480] =	vst v63  }
0x29e: {  	s18 =	simm.s32 $0x14C80;
	v3 =	vperm.xlane v3, v2  }
0x29f: {  	[tilespmem:s18], [sflag:$0x4] =	stream.indirect_vreg.gather [hbm4b:s5+s4], $0x80, v4, vm0, $0xb8;
	[tilespmem:$0x18480] =	vst v63  }
0x2a0: {  	v3 =	vadd.s32 v1, v3  }
0x2a1: {  	[tilespmem:s30], [sflag:$0x4] =	stream.indirect_vreg.gather [hbm4b:s6+s4], $0x80, v4, vm0, $0xb8;
	[tilespmem:$0x18480] =	vst v63  }
0x2a2: {  	_ = 	snop  }
0x2a3: {  	[tilespmem:s31], [sflag:$0x4] =	stream.indirect_vreg.gather [hbm4b:s7+s4], $0x80, v4, vm0, $0xb8;
	[tilespmem:$0x18480] =	vst v63  }
0x2a4: {  	s11 =	simm.s32 $0x16480  }
0x2a5: {  	[tilespmem:s11], [sflag:$0x4] =	stream.indirect_vreg.gather [hbm4b:s3+s4], $0x80, v3, vm0, $0xb8;
	[tilespmem:$0x18480] =	vst v63  }
0x2a6: {  	s17 =	simm.s32 $0x16C80  }
0x2a7: {  	[tilespmem:s17], [sflag:$0x4] =	stream.indirect_vreg.gather [hbm4b:s5+s4], $0x80, v3, vm0, $0xb8;
	[tilespmem:$0x18480] =	vst v63  }
0x2a8: {  	s18 =	simm.s32 $0x17480  }
0x2a9: {  	[tilespmem:s18], [sflag:$0x4] =	stream.indirect_vreg.gather [hbm4b:s6+s4], $0x80, v3, vm0, $0xb8;
	[tilespmem:$0x18480] =	vst v63  }
0x2aa: {  	s11 =	simm.s32 $0x17C80  }
0x2ab: {  	[tilespmem:s11], [sflag:$0x4] =	stream.indirect_vreg.gather [hbm4b:s7+s4], $0x80, v3, vm0, $0xb8;
	[tilespmem:$0x18480] =	vst v63  }
0x2ac: {  	_ =	swait.ge [sflag:s19], $0x8000  }
0x2ad: {  	[sflag:s19] =	ssyncset.done $0x0  }
0x2ae: {  	s18 =	simm.s32 $0x480;
	s17 =	rddreg [dreg:$0xf];
	[sflag:s19] =	ssyncadd.s32 $0xFFFF8000  }
0x2af: {  	[hbm4b:s17+s4] =	stream.linear.scatter [tilespmem:s18], [sflag:$0x5], $0x8000, $0x38;
	[tilespmem:$0x18480] =	vst v63  }
0x2b0: {  	_ =	swait.ge [sflag:s9], $0x8000  }
0x2b1: {  	[sflag:s9] =	ssyncset.done $0x0  }
0x2b2: {  	[sflag:s9] =	ssyncadd.s32 $0xFFFF8000  }
0x2b3: {  	v3 =	vld [tilespmem:$0x380];
	_ =	sdelay $0x4  }
0x2b4: {  	v56 =	vshll.u32 v3, $0x3  }
0x2b5: {  	v3 =	vand.u32 $0x7, v3;
	v4 =	vand.u32 $0xFFFFFFC0, v56  }
0x2b6: {  	v3 =	vor.u32 v3, v4  }
0x2b7: {  	v4 =	vperm.xlane v3, v0;
	_ =	sdelay $0x1  }
0x2b8: {  	v4 =	vadd.s32 v1, v4;
	_ =	sdelay $0x4  }
0x2b9: {  	[tilespmem:s18], [sflag:$0x2] =	stream.indirect_vreg.gather [hbm4b:s3+s4], $0x80, v4, vm0, $0xb8;
	[tilespmem:$0x18480] =	vst v63  }
0x2ba: {  	s11 =	simm.s32 $0xC80;
	v3 =	vperm.xlane v3, v2  }
0x2bb: {  	[tilespmem:s11], [sflag:$0x2] =	stream.indirect_vreg.gather [hbm4b:s5+s4], $0x80, v4, vm0, $0xb8;
	[tilespmem:$0x18480] =	vst v63  }
0x2bc: {  	v3 =	vadd.s32 v1, v3  }
0x2bd: {  	[tilespmem:s8], [sflag:$0x2] =	stream.indirect_vreg.gather [hbm4b:s6+s4], $0x80, v4, vm0, $0xb8;
	[tilespmem:$0x18480] =	vst v63  }
0x2be: {  	_ = 	snop  }
0x2bf: {  	[tilespmem:s12], [sflag:$0x2] =	stream.indirect_vreg.gather [hbm4b:s7+s4], $0x80, v4, vm0, $0xb8;
	[tilespmem:$0x18480] =	vst v63  }
0x2c0: {  	_ = 	snop  }
0x2c1: {  	[tilespmem:s14], [sflag:$0x2] =	stream.indirect_vreg.gather [hbm4b:s3+s4], $0x80, v3, vm0, $0xb8;
	[tilespmem:$0x18480] =	vst v63  }
0x2c2: {  	_ = 	snop  }
0x2c3: {  	[tilespmem:s16], [sflag:$0x2] =	stream.indirect_vreg.gather [hbm4b:s5+s4], $0x80, v3, vm0, $0xb8;
	[tilespmem:$0x18480] =	vst v63  }
0x2c4: {  	s17 =	simm.s32 $0x3480  }
0x2c5: {  	[tilespmem:s17], [sflag:$0x2] =	stream.indirect_vreg.gather [hbm4b:s6+s4], $0x80, v3, vm0, $0xb8;
	[tilespmem:$0x18480] =	vst v63  }
0x2c6: {  	s11 =	simm.s32 $0x3C80  }
0x2c7: {  	[tilespmem:s11], [sflag:$0x2] =	stream.indirect_vreg.gather [hbm4b:s7+s4], $0x80, v3, vm0, $0xb8;
	[tilespmem:$0x18480] =	vst v63  }
0x2c8: {  	v3 =	vld [tilespmem:$0x390];
	_ =	sdelay $0x4  }
0x2c9: {  	v57 =	vshll.u32 v3, $0x3  }
0x2ca: {  	v3 =	vand.u32 $0x7, v3;
	v4 =	vand.u32 $0xFFFFFFC0, v57  }
0x2cb: {  	v3 =	vor.u32 v3, v4  }
0x2cc: {  	v4 =	vperm.xlane v3, v0;
	_ =	sdelay $0x1  }
0x2cd: {  	v4 =	vadd.s32 v1, v4;
	_ =	sdelay $0x3  }
0x2ce: {  	s12 =	simm.s32 $0x4480  }
0x2cf: {  	[tilespmem:s12], [sflag:$0x2] =	stream.indirect_vreg.gather [hbm4b:s3+s4], $0x80, v4, vm0, $0xb8;
	[tilespmem:$0x18480] =	vst v63  }
0x2d0: {  	s8 =	simm.s32 $0x4C80;
	v3 =	vperm.xlane v3, v2  }
0x2d1: {  	[tilespmem:s8], [sflag:$0x2] =	stream.indirect_vreg.gather [hbm4b:s5+s4], $0x80, v4, vm0, $0xb8;
	[tilespmem:$0x18480] =	vst v63  }
0x2d2: {  	s13 =	simm.s32 $0x5480;
	v3 =	vadd.s32 v1, v3  }
0x2d3: {  	[tilespmem:s13], [sflag:$0x2] =	stream.indirect_vreg.gather [hbm4b:s6+s4], $0x80, v4, vm0, $0xb8;
	[tilespmem:$0x18480] =	vst v63  }
0x2d4: {  	_ = 	snop  }
0x2d5: {  	[tilespmem:s20], [sflag:$0x2] =	stream.indirect_vreg.gather [hbm4b:s7+s4], $0x80, v4, vm0, $0xb8;
	[tilespmem:$0x18480] =	vst v63  }
0x2d6: {  	_ = 	snop  }
0x2d7: {  	[tilespmem:s21], [sflag:$0x2] =	stream.indirect_vreg.gather [hbm4b:s3+s4], $0x80, v3, vm0, $0xb8;
	[tilespmem:$0x18480] =	vst v63  }
0x2d8: {  	_ = 	snop  }
0x2d9: {  	[tilespmem:s22], [sflag:$0x2] =	stream.indirect_vreg.gather [hbm4b:s5+s4], $0x80, v3, vm0, $0xb8;
	[tilespmem:$0x18480] =	vst v63  }
0x2da: {  	_ = 	snop  }
0x2db: {  	[tilespmem:s23], [sflag:$0x2] =	stream.indirect_vreg.gather [hbm4b:s6+s4], $0x80, v3, vm0, $0xb8;
	[tilespmem:$0x18480] =	vst v63  }
0x2dc: {  	s8 =	simm.s32 $0x7C80  }
0x2dd: {  	[tilespmem:s8], [sflag:$0x2] =	stream.indirect_vreg.gather [hbm4b:s7+s4], $0x80, v3, vm0, $0xb8;
	[tilespmem:$0x18480] =	vst v63  }
0x2de: {  	_ =	swait.ge [sflag:s1], $0x8000  }
0x2df: {  	[sflag:s1] =	ssyncset.done $0x0  }
0x2e0: {  	s8 =	simm.s32 $0x8480;
	s13 =	rddreg [dreg:$0x10];
	[sflag:s1] =	ssyncadd.s32 $0xFFFF8000  }
0x2e1: {  	[hbm4b:s13+s4] =	stream.linear.scatter [tilespmem:s8], [sflag:$0x6], $0x8000, $0x38;
	[tilespmem:$0x18480] =	vst v63  }
0x2e2: {  	_ =	swait.ge [sflag:s0], $0x8000  }
0x2e3: {  	[sflag:s0] =	ssyncset.done $0x0  }
0x2e4: {  	[sflag:s0] =	ssyncadd.s32 $0xFFFF8000  }
0x2e5: {  	v3 =	vld [tilespmem:$0x3A0];
	_ =	sdelay $0x4  }
0x2e6: {  	v58 =	vshll.u32 v3, $0x3  }
0x2e7: {  	v3 =	vand.u32 $0x7, v3;
	v4 =	vand.u32 $0xFFFFFFC0, v58  }
0x2e8: {  	v3 =	vor.u32 v3, v4  }
0x2e9: {  	v4 =	vperm.xlane v3, v0;
	_ =	sdelay $0x1  }
0x2ea: {  	v4 =	vadd.s32 v1, v4;
	_ =	sdelay $0x4  }
0x2eb: {  	[tilespmem:s8], [sflag:$0x3] =	stream.indirect_vreg.gather [hbm4b:s3+s4], $0x80, v4, vm0, $0xb8;
	[tilespmem:$0x18480] =	vst v63  }
0x2ec: {  	s13 =	simm.s32 $0x8C80;
	v3 =	vperm.xlane v3, v2  }
0x2ed: {  	[tilespmem:s13], [sflag:$0x3] =	stream.indirect_vreg.gather [hbm4b:s5+s4], $0x80, v4, vm0, $0xb8;
	[tilespmem:$0x18480] =	vst v63  }
0x2ee: {  	v3 =	vadd.s32 v1, v3;
	s13 =	simm.s32 $0x9480  }
0x2ef: {  	[tilespmem:s13], [sflag:$0x3] =	stream.indirect_vreg.gather [hbm4b:s6+s4], $0x80, v4, vm0, $0xb8;
	[tilespmem:$0x18480] =	vst v63  }
0x2f0: {  	s13 =	simm.s32 $0x9C80  }
0x2f1: {  	[tilespmem:s13], [sflag:$0x3] =	stream.indirect_vreg.gather [hbm4b:s7+s4], $0x80, v4, vm0, $0xb8;
	[tilespmem:$0x18480] =	vst v63  }
0x2f2: {  	s13 =	simm.s32 $0xA480  }
0x2f3: {  	[tilespmem:s13], [sflag:$0x3] =	stream.indirect_vreg.gather [hbm4b:s3+s4], $0x80, v3, vm0, $0xb8;
	[tilespmem:$0x18480] =	vst v63  }
0x2f4: {  	s13 =	simm.s32 $0xAC80  }
0x2f5: {  	[tilespmem:s13], [sflag:$0x3] =	stream.indirect_vreg.gather [hbm4b:s5+s4], $0x80, v3, vm0, $0xb8;
	[tilespmem:$0x18480] =	vst v63  }
0x2f6: {  	s13 =	simm.s32 $0xB480  }
0x2f7: {  	[tilespmem:s13], [sflag:$0x3] =	stream.indirect_vreg.gather [hbm4b:s6+s4], $0x80, v3, vm0, $0xb8;
	[tilespmem:$0x18480] =	vst v63  }
0x2f8: {  	s13 =	simm.s32 $0xBC80  }
0x2f9: {  	[tilespmem:s13], [sflag:$0x3] =	stream.indirect_vreg.gather [hbm4b:s7+s4], $0x80, v3, vm0, $0xb8;
	[tilespmem:$0x18480] =	vst v63  }
0x2fa: {  	v3 =	vld [tilespmem:$0x3B0];
	_ =	sdelay $0x4  }
0x2fb: {  	v59 =	vshll.u32 v3, $0x3  }
0x2fc: {  	v3 =	vand.u32 $0x7, v3;
	v4 =	vand.u32 $0xFFFFFFC0, v59  }
0x2fd: {  	v3 =	vor.u32 v3, v4  }
0x2fe: {  	v4 =	vperm.xlane v3, v0;
	_ =	sdelay $0x1  }
0x2ff: {  	v4 =	vadd.s32 v1, v4;
	_ =	sdelay $0x3  }
0x300: {  	s13 =	simm.s32 $0xC480  }
0x301: {  	[tilespmem:s13], [sflag:$0x3] =	stream.indirect_vreg.gather [hbm4b:s3+s4], $0x80, v4, vm0, $0xb8;
	[tilespmem:$0x18480] =	vst v63  }
0x302: {  	v3 =	vperm.xlane v3, v2;
	s13 =	simm.s32 $0xCC80  }
0x303: {  	[tilespmem:s13], [sflag:$0x3] =	stream.indirect_vreg.gather [hbm4b:s5+s4], $0x80, v4, vm0, $0xb8;
	[tilespmem:$0x18480] =	vst v63  }
0x304: {  	v3 =	vadd.s32 v1, v3;
	s13 =	simm.s32 $0xD480  }
0x305: {  	[tilespmem:s13], [sflag:$0x3] =	stream.indirect_vreg.gather [hbm4b:s6+s4], $0x80, v4, vm0, $0xb8;
	[tilespmem:$0x18480] =	vst v63  }
0x306: {  	s13 =	simm.s32 $0xDC80  }
0x307: {  	[tilespmem:s13], [sflag:$0x3] =	stream.indirect_vreg.gather [hbm4b:s7+s4], $0x80, v4, vm0, $0xb8;
	[tilespmem:$0x18480] =	vst v63  }
0x308: {  	s13 =	simm.s32 $0xE480  }
0x309: {  	[tilespmem:s13], [sflag:$0x3] =	stream.indirect_vreg.gather [hbm4b:s3+s4], $0x80, v3, vm0, $0xb8;
	[tilespmem:$0x18480] =	vst v63  }
0x30a: {  	s13 =	simm.s32 $0xEC80  }
0x30b: {  	[tilespmem:s13], [sflag:$0x3] =	stream.indirect_vreg.gather [hbm4b:s5+s4], $0x80, v3, vm0, $0xb8;
	[tilespmem:$0x18480] =	vst v63  }
0x30c: {  	s13 =	simm.s32 $0xF480  }
0x30d: {  	[tilespmem:s13], [sflag:$0x3] =	stream.indirect_vreg.gather [hbm4b:s6+s4], $0x80, v3, vm0, $0xb8;
	[tilespmem:$0x18480] =	vst v63  }
0x30e: {  	s13 =	simm.s32 $0xFC80  }
0x30f: {  	[tilespmem:s13], [sflag:$0x3] =	stream.indirect_vreg.gather [hbm4b:s7+s4], $0x80, v3, vm0, $0xb8;
	[tilespmem:$0x18480] =	vst v63  }
0x310: {  	_ =	swait.ge [sflag:s2], $0x8000  }
0x311: {  	[sflag:s2] =	ssyncset.done $0x0  }
0x312: {  	s15 =	simm.s32 $0x10480;
	s13 =	rddreg [dreg:$0x11];
	[sflag:s2] =	ssyncadd.s32 $0xFFFF8000  }
0x313: {  	[hbm4b:s13+s4] =	stream.linear.scatter [tilespmem:s15], [sflag:$0x7], $0x8000, $0x38;
	[tilespmem:$0x18480] =	vst v63  }
0x314: {  	_ =	swait.ge [sflag:s10], $0x8000  }
0x315: {  	[sflag:s10] =	ssyncset.done $0x0  }
0x316: {  	[sflag:s10] =	ssyncadd.s32 $0xFFFF8000  }
0x317: {  	v3 =	vld [tilespmem:$0x3C0];
	_ =	sdelay $0x4  }
0x318: {  	v60 =	vshll.u32 v3, $0x3  }
0x319: {  	v3 =	vand.u32 $0x7, v3;
	v4 =	vand.u32 $0xFFFFFFC0, v60  }
0x31a: {  	v3 =	vor.u32 v3, v4  }
0x31b: {  	v4 =	vperm.xlane v3, v0;
	_ =	sdelay $0x1  }
0x31c: {  	v4 =	vadd.s32 v1, v4;
	_ =	sdelay $0x4  }
0x31d: {  	[tilespmem:s15], [sflag:$0x4] =	stream.indirect_vreg.gather [hbm4b:s3+s4], $0x80, v4, vm0, $0xb8;
	[tilespmem:$0x18480] =	vst v63  }
0x31e: {  	s13 =	simm.s32 $0x10C80;
	v3 =	vperm.xlane v3, v2  }
0x31f: {  	[tilespmem:s13], [sflag:$0x4] =	stream.indirect_vreg.gather [hbm4b:s5+s4], $0x80, v4, vm0, $0xb8;
	[tilespmem:$0x18480] =	vst v63  }
0x320: {  	s24 =	simm.s32 $0x11480;
	v3 =	vadd.s32 v1, v3  }
0x321: {  	[tilespmem:s24], [sflag:$0x4] =	stream.indirect_vreg.gather [hbm4b:s6+s4], $0x80, v4, vm0, $0xb8;
	[tilespmem:$0x18480] =	vst v63  }
0x322: {  	s25 =	simm.s32 $0x11C80  }
0x323: {  	[tilespmem:s25], [sflag:$0x4] =	stream.indirect_vreg.gather [hbm4b:s7+s4], $0x80, v4, vm0, $0xb8;
	[tilespmem:$0x18480] =	vst v63  }
0x324: {  	s26 =	simm.s32 $0x12480  }
0x325: {  	[tilespmem:s26], [sflag:$0x4] =	stream.indirect_vreg.gather [hbm4b:s3+s4], $0x80, v3, vm0, $0xb8;
	[tilespmem:$0x18480] =	vst v63  }
0x326: {  	s28 =	simm.s32 $0x12C80  }
0x327: {  	[tilespmem:s28], [sflag:$0x4] =	stream.indirect_vreg.gather [hbm4b:s5+s4], $0x80, v3, vm0, $0xb8;
	[tilespmem:$0x18480] =	vst v63  }
0x328: {  	s29 =	simm.s32 $0x13480  }
0x329: {  	[tilespmem:s29], [sflag:$0x4] =	stream.indirect_vreg.gather [hbm4b:s6+s4], $0x80, v3, vm0, $0xb8;
	[tilespmem:$0x18480] =	vst v63  }
0x32a: {  	s26 =	simm.s32 $0x13C80  }
0x32b: {  	[tilespmem:s26], [sflag:$0x4] =	stream.indirect_vreg.gather [hbm4b:s7+s4], $0x80, v3, vm0, $0xb8;
	[tilespmem:$0x18480] =	vst v63  }
0x32c: {  	v3 =	vld [tilespmem:$0x3D0];
	_ =	sdelay $0x4  }
0x32d: {  	v61 =	vshll.u32 v3, $0x3  }
0x32e: {  	v3 =	vand.u32 $0x7, v3;
	v4 =	vand.u32 $0xFFFFFFC0, v61  }
0x32f: {  	v3 =	vor.u32 v3, v4  }
0x330: {  	v4 =	vperm.xlane v3, v0;
	_ =	sdelay $0x1  }
0x331: {  	v4 =	vadd.s32 v1, v4;
	_ =	sdelay $0x3  }
0x332: {  	s28 =	simm.s32 $0x14480  }
0x333: {  	[tilespmem:s28], [sflag:$0x4] =	stream.indirect_vreg.gather [hbm4b:s3+s4], $0x80, v4, vm0, $0xb8;
	[tilespmem:$0x18480] =	vst v63  }
0x334: {  	s29 =	simm.s32 $0x14C80;
	v3 =	vperm.xlane v3, v2  }
0x335: {  	[tilespmem:s29], [sflag:$0x4] =	stream.indirect_vreg.gather [hbm4b:s5+s4], $0x80, v4, vm0, $0xb8;
	[tilespmem:$0x18480] =	vst v63  }
0x336: {  	s30 =	simm.s32 $0x15480;
	v3 =	vadd.s32 v1, v3  }
0x337: {  	[tilespmem:s30], [sflag:$0x4] =	stream.indirect_vreg.gather [hbm4b:s6+s4], $0x80, v4, vm0, $0xb8;
	[tilespmem:$0x18480] =	vst v63  }
0x338: {  	s31 =	simm.s32 $0x15C80  }
0x339: {  	[tilespmem:s31], [sflag:$0x4] =	stream.indirect_vreg.gather [hbm4b:s7+s4], $0x80, v4, vm0, $0xb8;
	[tilespmem:$0x18480] =	vst v63  }
0x33a: {  	s31 =	simm.s32 $0x16480  }
0x33b: {  	[tilespmem:s31], [sflag:$0x4] =	stream.indirect_vreg.gather [hbm4b:s3+s4], $0x80, v3, vm0, $0xb8;
	[tilespmem:$0x18480] =	vst v63  }
0x33c: {  	s24 =	simm.s32 $0x16C80  }
0x33d: {  	[tilespmem:s24], [sflag:$0x4] =	stream.indirect_vreg.gather [hbm4b:s5+s4], $0x80, v3, vm0, $0xb8;
	[tilespmem:$0x18480] =	vst v63  }
0x33e: {  	s25 =	simm.s32 $0x17480  }
0x33f: {  	[tilespmem:s25], [sflag:$0x4] =	stream.indirect_vreg.gather [hbm4b:s6+s4], $0x80, v3, vm0, $0xb8;
	[tilespmem:$0x18480] =	vst v63  }
0x340: {  	s26 =	simm.s32 $0x17C80  }
0x341: {  	[tilespmem:s26], [sflag:$0x4] =	stream.indirect_vreg.gather [hbm4b:s7+s4], $0x80, v3, vm0, $0xb8;
	[tilespmem:$0x18480] =	vst v63  }
0x342: {  	_ =	swait.ge [sflag:s19], $0x8000  }
0x343: {  	[sflag:s19] =	ssyncset.done $0x0  }
0x344: {  	s18 =	simm.s32 $0x480;
	s28 =	rddreg [dreg:$0x12];
	[sflag:s19] =	ssyncadd.s32 $0xFFFF8000  }
0x345: {  	[hbm4b:s28+s4] =	stream.linear.scatter [tilespmem:s18], [sflag:$0x5], $0x8000, $0x38;
	[tilespmem:$0x18480] =	vst v63  }
0x346: {  	_ =	swait.ge [sflag:s9], $0x8000  }
0x347: {  	[sflag:s9] =	ssyncset.done $0x0  }
0x348: {  	[sflag:s9] =	ssyncadd.s32 $0xFFFF8000  }
0x349: {  	v3 =	vld [tilespmem:$0x3E0];
	_ =	sdelay $0x4  }
0x34a: {  	v62 =	vshll.u32 v3, $0x3  }
0x34b: {  	v3 =	vand.u32 $0x7, v3;
	v4 =	vand.u32 $0xFFFFFFC0, v62  }
0x34c: {  	v3 =	vor.u32 v3, v4  }
0x34d: {  	v4 =	vperm.xlane v3, v0;
	_ =	sdelay $0x1  }
0x34e: {  	v4 =	vadd.s32 v1, v4;
	_ =	sdelay $0x4  }
0x34f: {  	[tilespmem:s18], [sflag:$0x2] =	stream.indirect_vreg.gather [hbm4b:s3+s4], $0x80, v4, vm0, $0xb8;
	[tilespmem:$0x18480] =	vst v63  }
0x350: {  	s29 =	simm.s32 $0xC80;
	v3 =	vperm.xlane v3, v2  }
0x351: {  	[tilespmem:s29], [sflag:$0x2] =	stream.indirect_vreg.gather [hbm4b:s5+s4], $0x80, v4, vm0, $0xb8;
	[tilespmem:$0x18480] =	vst v63  }
0x352: {  	s30 =	simm.s32 $0x1480;
	v3 =	vadd.s32 v1, v3  }
0x353: {  	[tilespmem:s30], [sflag:$0x2] =	stream.indirect_vreg.gather [hbm4b:s6+s4], $0x80, v4, vm0, $0xb8;
	[tilespmem:$0x18480] =	vst v63  }
0x354: {  	s31 =	simm.s32 $0x1C80  }
0x355: {  	[tilespmem:s31], [sflag:$0x2] =	stream.indirect_vreg.gather [hbm4b:s7+s4], $0x80, v4, vm0, $0xb8;
	[tilespmem:$0x18480] =	vst v63  }
0x356: {  	s14 =	simm.s32 $0x2480  }
0x357: {  	[tilespmem:s14], [sflag:$0x2] =	stream.indirect_vreg.gather [hbm4b:s3+s4], $0x80, v3, vm0, $0xb8;
	[tilespmem:$0x18480] =	vst v63  }
0x358: {  	s16 =	simm.s32 $0x2C80  }
0x359: {  	[tilespmem:s16], [sflag:$0x2] =	stream.indirect_vreg.gather [hbm4b:s5+s4], $0x80, v3, vm0, $0xb8;
	[tilespmem:$0x18480] =	vst v63  }
0x35a: {  	s17 =	simm.s32 $0x3480  }
0x35b: {  	[tilespmem:s17], [sflag:$0x2] =	stream.indirect_vreg.gather [hbm4b:s6+s4], $0x80, v3, vm0, $0xb8;
	[tilespmem:$0x18480] =	vst v63  }
0x35c: {  	_ = 	snop  }
0x35d: {  	[tilespmem:s11], [sflag:$0x2] =	stream.indirect_vreg.gather [hbm4b:s7+s4], $0x80, v3, vm0, $0xb8;
	[tilespmem:$0x18480] =	vst v63  }
0x35e: {  	v3 =	vld [tilespmem:$0x3F0];
	_ =	sdelay $0x4  }
0x35f: {  	v63 =	vshll.u32 v3, $0x3  }
0x360: {  	v3 =	vand.u32 $0x7, v3;
	v4 =	vand.u32 $0xFFFFFFC0, v63  }
0x361: {  	v3 =	vor.u32 v3, v4  }
0x362: {  	v4 =	vperm.xlane v3, v0;
	_ =	sdelay $0x1  }
0x363: {  	v4 =	vadd.s32 v1, v4;
	_ =	sdelay $0x4  }
0x364: {  	[tilespmem:s12], [sflag:$0x2] =	stream.indirect_vreg.gather [hbm4b:s3+s4], $0x80, v4, vm0, $0xb8;
	[tilespmem:$0x18480] =	vst v63  }
0x365: {  	s16 =	simm.s32 $0x4C80;
	v3 =	vperm.xlane v3, v2  }
0x366: {  	[tilespmem:s16], [sflag:$0x2] =	stream.indirect_vreg.gather [hbm4b:s5+s4], $0x80, v4, vm0, $0xb8;
	[tilespmem:$0x18480] =	vst v63  }
0x367: {  	s17 =	simm.s32 $0x5480;
	v3 =	vadd.s32 v1, v3  }
0x368: {  	[tilespmem:s17], [sflag:$0x2] =	stream.indirect_vreg.gather [hbm4b:s6+s4], $0x80, v4, vm0, $0xb8;
	[tilespmem:$0x18480] =	vst v63  }
0x369: {  	s20 =	simm.s32 $0x5C80  }
0x36a: {  	[tilespmem:s20], [sflag:$0x2] =	stream.indirect_vreg.gather [hbm4b:s7+s4], $0x80, v4, vm0, $0xb8;
	[tilespmem:$0x18480] =	vst v63  }
0x36b: {  	s21 =	simm.s32 $0x6480  }
0x36c: {  	[tilespmem:s21], [sflag:$0x2] =	stream.indirect_vreg.gather [hbm4b:s3+s4], $0x80, v3, vm0, $0xb8;
	[tilespmem:$0x18480] =	vst v63  }
0x36d: {  	s22 =	simm.s32 $0x6C80  }
0x36e: {  	[tilespmem:s22], [sflag:$0x2] =	stream.indirect_vreg.gather [hbm4b:s5+s4], $0x80, v3, vm0, $0xb8;
	[tilespmem:$0x18480] =	vst v63  }
0x36f: {  	s23 =	simm.s32 $0x7480  }
0x370: {  	[tilespmem:s23], [sflag:$0x2] =	stream.indirect_vreg.gather [hbm4b:s6+s4], $0x80, v3, vm0, $0xb8;
	[tilespmem:$0x18480] =	vst v63  }
0x371: {  	s24 =	simm.s32 $0x7C80  }
0x372: {  	[tilespmem:s24], [sflag:$0x2] =	stream.indirect_vreg.gather [hbm4b:s7+s4], $0x80, v3, vm0, $0xb8;
	[tilespmem:$0x18480] =	vst v63  }
0x373: {  	_ =	swait.ge [sflag:s1], $0x8000  }
0x374: {  	[sflag:s1] =	ssyncset.done $0x0  }
0x375: {  	s8 =	simm.s32 $0x8480;
	s25 =	rddreg [dreg:$0x13];
	[sflag:s1] =	ssyncadd.s32 $0xFFFF8000  }
0x376: {  	[hbm4b:s25+s4] =	stream.linear.scatter [tilespmem:s8], [sflag:$0x6], $0x8000, $0x38;
	[tilespmem:$0x18480] =	vst v63  }
0x377: {  	_ =	swait.ge [sflag:s2], $0x8000  }
0x378: {  	[sflag:s2] =	ssyncset.done $0x0  }
0x379: {  	s26 =	rddreg [dreg:$0x14];
	[sflag:s2] =	ssyncadd.s32 $0xFFFF8000  }
0x37a: {  	[hbm4b:s26+s4] =	stream.linear.scatter [tilespmem:s15], [sflag:$0x7], $0x8000, $0x38;
	[tilespmem:$0x18480] =	vst v63  }
0x37b: {  	_ =	swait.ge [sflag:s19], $0x8000  }
0x37c: {  	[sflag:s19] =	ssyncset.done $0x0  }
0x37d: {  	s28 =	rddreg [dreg:$0x15];
	[sflag:s19] =	ssyncadd.s32 $0xFFFF8000  }
0x37e: {  	[hbm4b:s28+s4] =	stream.linear.scatter [tilespmem:s18], [sflag:$0x5], $0x8000, $0x38;
	[tilespmem:$0x18480] =	vst v63  }
0x37f: {  	s29 =	rddreg [dreg:$0x19];
	_ =	swait.ge [sflag:s0], $0x8000  }
0x380: {  	[sflag:s0] =	ssyncset.done $0x0  }
0x381: {  	[sflag:s0] =	ssyncadd.s32 $0xFFFF8000  }
0x382: {  	_ =	swait.ge [sflag:s10], $0x8000  }
0x383: {  	[sflag:s10] =	ssyncset.done $0x0  }
0x384: {  	[sflag:s10] =	ssyncadd.s32 $0xFFFF8000  }
0x385: {  	p0 =	sne.s32 s29, $0x1;
	_ =	swait.ge [sflag:s9], $0x8000  }
.Ltmp0:
0x386: {  	[sflag:s9] =	ssyncset.done $0x0;
	(pc) =	sbr.rel @p0 .LBB2_1-.Ltmp0, $4  }
0x387: {  	s30 =	simm.s32 $0x1;
	[sflag:s9] =	ssyncadd.s32 $0xFFFF8000  }
0x388: {  	_ =	swait.ge [sflag:s30], $0x80  }
0x389: {  	s31 =	simm.s32 $0x1;
	[sflag:s30] =	ssyncset.done $0x0  }
0x38a: {  	s8 =	sadd.s32 $0xFFFFFFFF, s29;
	[sflag:s31] =	ssyncadd.s32 $0xFFFFFF80  }
0x38b: {  	_ =	sfence.sel $0x180000  }
0x38c: {  	[bflag:$0x0] =	sbarrier.arrive $0xFFFF  }
0x38d: {  	_ =	strace $0x90000047  }
0x38e: {  	s0 =	stileid.u32;
	[bflag:$0x2] =	sbarrier.arrive $0xFFFF  }
0x38f: {  	p0 =	sne.s32 s0, $0x0;
	s0 =	rddreg [dreg:$0x3]  }
0x390: {  	s0 =	sadd.s32 @!p0 $0x100000, s0  }
0x391: {  	[sflag:s0] =	ssyncadd.tile.s32 @!p0 $0x1;
	_ =	shalt  }
.Lfunc_end2:
_tile_overlayer_lowered:
.L_overlay_start_2:
0x392: {  	(tag) =	ssettag $0x2  }
0x393: {  	s0 =	rddreg [dreg:$0x0];
	s2 =	stileid.u32  }
0x394: {  	s1 =	rddreg [dreg:$0x1];
	p0 =	sne.s32 s2, $0x0  }
0x395: {  	s3 =	rddreg [dreg:$0x2];
	[bflag:$0x3] =	sbarrier.arrive $0xFFFF;
	s2 =	simm.s32 @!p0 $0x1C08  }
0x396: {  	[timem:s3], [sflag:s2] =	dma.local @!p0 [hbm:s0], s1  }
0x397: {  	s0 =	simm.s32 @!p0 $0x8  }
0x398: {  	_ =	swait.ge @!p0 [sflag:s0], s1  }
0x399: {  	s1 =	ssub.s32 @!p0 $0x0, s1;
	[sflag:s0] =	ssyncset.done @!p0 $0x0  }
0x39a: {  	[sflag:s0] =	ssyncadd.s32 @!p0 s1  }
0x39b: {  	[bflag:$0x3] =	sbarrier.arrive $0xFFFF  }
0x39c: {  	_ =	shalt  }

</sc_bundles>
